<compile_context>
chip_gen: v7x
topology: tpu7x:2x2x1
jax: 0.10.2.dev20260603
libtpu: 0.0.44.dev20260713+nightly
codegen_flags: <defaults>
</compile_context>

<pallas_src>
import functools

import jax
import jax.numpy as jnp
from jax import lax
from jax.experimental import pallas as pl
from jax.experimental.pallas import tpu as pltpu
from jax.experimental.pallas import tpu_sc as plsc

N = 512
F = 128
E = 16384
NTILES = 16
ROWS = N // NTILES
LANES = 16

_HIGH = jax.lax.Precision.HIGHEST

EPW = E // NTILES
CHUNK = 128
NCHUNK = EPW // CHUNK
BAND = N * N // NTILES


def _sc_build_adj_body(ei_hbm, w_hbm, a_hbm, src_v, dst_v, val_v, idx_v,
                       zbuf, a_sh, sem):
    c = lax.axis_index("c")
    sid = lax.axis_index("s")
    ebase = c * 2 * E + sid * EPW

    pltpu.sync_copy(ei_hbm.at[pl.ds(ebase, EPW)], src_v)
    pltpu.sync_copy(ei_hbm.at[pl.ds(ebase + E, EPW)], dst_v)
    pltpu.sync_copy(w_hbm.at[c, sid], val_v)

    zeros = jnp.zeros((LANES,), jnp.float32)

    def _zero(i, _):
        for u in range(8):
            zbuf[pl.ds((i * 8 + u) * LANES, LANES)] = zeros
        return 0

    lax.fori_loop(0, BAND // LANES // 8, _zero, 0)
    flat_lo = sid * BAND
    pltpu.sync_copy(zbuf, a_sh.at[pl.ds(flat_lo, BAND)])

    for j in range(NCHUNK):
        for k in range(CHUNK // LANES):
            off = j * CHUNK + k * LANES
            s16 = src_v[pl.ds(off, LANES)]
            d16 = dst_v[pl.ds(off, LANES)]
            idx_v[j, pl.ds(k * LANES, LANES)] = s16 * N + d16
    plsc.subcore_barrier()

    ds = [
        pltpu.async_copy(val_v.at[j], a_sh.at[idx_v.at[j]], sem, add=True)
        for j in range(NCHUNK)
    ]
    for d in ds:
        d.wait()
    plsc.subcore_barrier()

    pltpu.sync_copy(a_sh.at[pl.ds(flat_lo, BAND)], zbuf)
    rlo = sid * ROWS
    wds = [
        pltpu.async_copy(zbuf.at[pl.ds(r * N, N)], a_hbm.at[c, rlo + r, :],
                         sem)
        for r in range(ROWS)
    ]
    for d in wds:
        d.wait()


def _sc_build_adj(ei_cat, w_blk):
    mesh = plsc.VectorSubcoreMesh(core_axis_name="c", subcore_axis_name="s")
    fn = functools.partial(
        pl.kernel,
        mesh=mesh,
        compiler_params=pltpu.CompilerParams(needs_layout_passes=False),
        out_type=jax.ShapeDtypeStruct((2, N, N), jnp.float32),
        scratch_types=[
            pltpu.VMEM((EPW,), jnp.int32),
            pltpu.VMEM((EPW,), jnp.int32),
            pltpu.VMEM((NCHUNK, CHUNK), jnp.float32),
            pltpu.VMEM((NCHUNK, CHUNK), jnp.int32),
            pltpu.VMEM((BAND,), jnp.float32),
            pltpu.VMEM_SHARED((N * N,), jnp.float32),
            pltpu.SemaphoreType.DMA,
        ],
    )(_sc_build_adj_body)
    return fn(ei_cat, w_blk)


def _tc_dense_body(a_ref, x_ref, wn_ref, bn_ref, we_ref, be_ref,
                   xn_ref, out_ref):
    x = x_ref[...]
    a0 = a_ref[0]
    a1 = a_ref[1]
    agg0 = lax.dot_general(a0, x, (((0,), (0,)), ((), ())),
                           preferred_element_type=jnp.float32)
    agg1 = lax.dot_general(a1, x, (((0,), (0,)), ((), ())),
                           preferred_element_type=jnp.float32)
    h0 = agg0 + x
    h1 = agg1 + x
    xn = (lax.dot_general(h0, wn_ref[:F, :], (((1,), (0,)), ((), ())),
                          precision=_HIGH, preferred_element_type=jnp.float32)
          + lax.dot_general(h1, wn_ref[F:, :], (((1,), (0,)), ((), ())),
                            precision=_HIGH, preferred_element_type=jnp.float32)
          + bn_ref[...][None, :])
    xn_ref[...] = xn

    s0 = a0 + jnp.swapaxes(a0, 0, 1)
    s1 = a1 + jnp.swapaxes(a1, 0, 1)
    ws = we_ref[2:2 + F, :] + we_ref[2 + F:, :]
    r = lax.dot_general(xn, ws, (((1,), (0,)), ((), ())),
                        precision=_HIGH, preferred_element_type=jnp.float32)
    rt = lax.dot_general(ws, xn, (((0,), (1,)), ((), ())),
                         precision=_HIGH, preferred_element_type=jnp.float32)
    for c in range(2):
        plane = (s0 * we_ref[0:1, c:c + 1]
                 + s1 * we_ref[1:2, c:c + 1]
                 + r[:, c:c + 1] + rt[c:c + 1, :]
                 + 2.0 * be_ref[c:c + 1])
        out_ref[c] = plane


def _tc_dense(a2, x, w_node, b_node, w_edge, b_edge):
    return pl.pallas_call(
        _tc_dense_body,
        out_shape=[
            jax.ShapeDtypeStruct((N, F), jnp.float32),
            jax.ShapeDtypeStruct((2, N, N), jnp.float32),
        ],
    )(a2, x, w_node, b_node, w_edge, b_edge)


def kernel(x, edge_index_0, edge_index_1, edge_weight_0, edge_weight_1,
           W_node, b_node, W_edge, b_edge):
    ei_cat = jnp.concatenate([edge_index_0.reshape(2 * E),
                              edge_index_1.reshape(2 * E)])
    w_blk = jnp.concatenate([edge_weight_0, edge_weight_1]).reshape(
        2, NTILES, NCHUNK, CHUNK)
    a2 = _sc_build_adj(ei_cat, w_blk)
    x_next, out2 = _tc_dense(a2, x, W_node, b_node, W_edge, b_edge)
    adj_out = jnp.transpose(out2, (1, 2, 0))
    return x_next, adj_out

# --- scband reference (transcript-rebuilt; emitter-appended) ---
"""Pipeline reference for scband-edpconv-58909771432453 (READ-ONLY COPY).

The authoritative reference and input builder live on the scoring server;
editing this copy changes nothing except your own understanding.
"""

import jax, jax.numpy as jnp
import numpy as np

N = 512
F = 128
C = 2
E = 16384
F_OUT = 128
C_OUT = 2
EPS = 0.0


def setup_inputs(seed: int = 0) -> dict:
    key = jax.random.key(seed)
    ks = jax.random.split(key, 10)
    x = jax.random.normal(ks[0], (N, F), dtype=jnp.float32)
    edge_index_0 = jax.random.randint(ks[1], (2, E), 0, N, dtype=jnp.int32)
    edge_index_1 = jax.random.randint(ks[2], (2, E), 0, N, dtype=jnp.int32)
    edge_weight_0 = jax.random.uniform(ks[3], (E,), dtype=jnp.float32)
    edge_weight_1 = jax.random.uniform(ks[4], (E,), dtype=jnp.float32)
    W_node = jax.random.normal(ks[5], (C * F, F_OUT), dtype=jnp.float32) * (1.0 / np.sqrt(C * F))
    b_node = jnp.zeros((F_OUT,), dtype=jnp.float32)
    W_edge = jax.random.normal(ks[6], (C + 2 * F_OUT, C_OUT), dtype=jnp.float32) * (1.0 / np.sqrt(C + 2 * F_OUT))
    b_edge = jnp.zeros((C_OUT,), dtype=jnp.float32)
    return {
        'x': x,
        'edge_index_0': edge_index_0,
        'edge_index_1': edge_index_1,
        'edge_weight_0': edge_weight_0,
        'edge_weight_1': edge_weight_1,
        'W_node': W_node,
        'b_node': b_node,
        'W_edge': W_edge,
        'b_edge': b_edge,
    }


def reference(x, edge_index_0, edge_index_1, edge_weight_0, edge_weight_1,
              W_node, b_node, W_edge, b_edge):
    n = x.shape[0]
    # ---- MultiChannelConv: weighted message passing per channel, add aggregation ----
    channel_outs = []
    for ei, w in ((edge_index_0, edge_weight_0), (edge_index_1, edge_weight_1)):
        src = ei[0]
        dst = ei[1]
        msg = x[src] * w[:, None]                       # gather + weight (x_j * edge_weight)
        agg = jnp.zeros((n, x.shape[1]), dtype=x.dtype).at[dst].add(msg)  # scatter-add
        channel_outs.append(agg + (1.0 + EPS) * x)      # out_cat + (1+eps)*x_r
    # reshape((C,N,-1)).permute((1,0,2)).reshape((N,-1)) == per-node concat over channels
    h = jnp.concatenate(channel_outs, axis=1)           # [N, C*F]
    x_next = h @ W_node + b_node                        # nn_node (MLP_Node)
    # ---- Edge feature inference ----
    adjs = []
    for ei, w in ((edge_index_0, edge_weight_0), (edge_index_1, edge_weight_1)):
        a = jnp.zeros((n, n), dtype=x.dtype).at[ei[0], ei[1]].add(w)  # to_dense_adj
        adjs.append(a)
    a = jnp.stack(adjs, axis=-1)                        # [N, N, C]
    x_i = jnp.broadcast_to(x_next[:, None, :], (n, n, x_next.shape[1]))
    x_j = jnp.broadcast_to(x_next[None, :, :], (n, n, x_next.shape[1]))
    feat = jnp.concatenate([a, x_i, x_j], axis=2)       # [N, N, C + 2*F_out]
    adj_out = (feat.reshape(n * n, -1) @ W_edge + b_edge).reshape(n, n, -1)
    adj_out = adj_out + jnp.transpose(adj_out, (1, 0, 2))  # symmetrize
    # dense_to_sparse per channel is pure nonzero extraction of adj_out; the dense
    # symmetric adjacency carries the full result, so we return it directly.
    return x_next, adj_out

if __name__ == "__main__":
    import jax
    _d = setup_inputs()
    print(jax.jit(kernel)(*tuple(_d.values())))

</pallas_src>

<mosaic_0001>
#map = affine_map<(d0, d1) -> (0)>
#map1 = affine_map<(d0, d1) -> (0, 0, 0, 0)>
#map2 = affine_map<(d0, d1) -> (0, 0, 0)>
module attributes {stable_mosaic.version = 14 : i64} {
  func.func @_sc_build_adj_body(%arg0: i32, %arg1: i32, %arg2: memref<65536xi32, #tpu.memory_space<hbm>>, %arg3: memref<2x16x8x128xf32, #tpu.memory_space<hbm>>, %arg4: memref<2x512x512xf32, #tpu.memory_space<hbm>>, %arg5: memref<1024xi32, #tpu.memory_space<vmem>>, %arg6: memref<1024xi32, #tpu.memory_space<vmem>>, %arg7: memref<8x128xf32, #tpu.memory_space<vmem>>, %arg8: memref<8x128xi32, #tpu.memory_space<vmem>>, %arg9: memref<16384xf32, #tpu.memory_space<vmem>>, %arg10: memref<262144xf32, #tpu.memory_space<vmem_shared>>, %arg11: memref<!tpu.dma_semaphore, #tpu.memory_space<semaphore_mem>>) attributes {dimension_semantics = [#tpu.dimension_semantics<core_parallel>, #tpu.dimension_semantics<subcore_parallel>], iteration_bounds = array<i64: 2, 16>, scalar_prefetch = 0 : i64, scratch_operands = 7 : i64, tpu.core_type = #tpu.core_type<sc_vector_subcore>, window_params = [{transform_indices = #map}, {transform_indices = #map1}, {transform_indices = #map2}]} {
    %mul3A = arith.constant 2 : i32
    %mul3A_0 = arith.muli %arg0, %mul3A : i32
    %mul3A_1 = arith.constant 16384 : i32
    %mul3A_2 = arith.muli %mul3A_0, %mul3A_1 : i32
    %mul3A_3 = arith.constant 1024 : i32
    %mul3A_4 = arith.muli %arg1, %mul3A_3 : i32
    %add3A = arith.addi %mul3A_2, %mul3A_4 : i32
    "tpu.region"() ({
      %run_scoped3A = tpu.sem_alloc : memref<!tpu.dma_semaphore, #tpu.memory_space<semaphore_mem>>
      %dma_start3A_1647 = tpu.memref_slice %arg2[%add3A] : memref<65536xi32, #tpu.memory_space<hbm>> -> memref<1024xi32, #tpu.memory_space<hbm>>
      %dma_start3A_1648 = tpu.memref_slice %arg2[%add3A] : memref<65536xi32, #tpu.memory_space<hbm>> -> memref<1024xi32, #tpu.memory_space<hbm>>
      tpu.enqueue_dma source(%dma_start3A_1648 : memref<1024xi32, #tpu.memory_space<hbm>>) target(%arg5 : memref<1024xi32, #tpu.memory_space<vmem>>) target_semaphore(%run_scoped3A : memref<!tpu.dma_semaphore, #tpu.memory_space<semaphore_mem>>)
      %dma_wait3A_1649 = tpu.memref_slice %arg2[%add3A] : memref<65536xi32, #tpu.memory_space<hbm>> -> memref<1024xi32, #tpu.memory_space<hbm>>
      %dma_wait3A_1650 = tpu.memref_slice %arg2[%add3A] : memref<65536xi32, #tpu.memory_space<hbm>> -> memref<1024xi32, #tpu.memory_space<hbm>>
      tpu.wait_dma2 semaphore(%run_scoped3A : memref<!tpu.dma_semaphore, #tpu.memory_space<semaphore_mem>>) src(%dma_wait3A_1650 : memref<1024xi32, #tpu.memory_space<hbm>>) dst(%arg5 : memref<1024xi32, #tpu.memory_space<vmem>>)
      tpu.yield
    }) : () -> ()
    %add3A_5 = arith.constant 16384 : i32
    %add3A_6 = arith.addi %add3A, %add3A_5 : i32
    "tpu.region"() ({
      %run_scoped3A = tpu.sem_alloc : memref<!tpu.dma_semaphore, #tpu.memory_space<semaphore_mem>>
      %dma_start3A_1647 = tpu.memref_slice %arg2[%add3A_6] : memref<65536xi32, #tpu.memory_space<hbm>> -> memref<1024xi32, #tpu.memory_space<hbm>>
      %dma_start3A_1648 = tpu.memref_slice %arg2[%add3A_6] : memref<65536xi32, #tpu.memory_space<hbm>> -> memref<1024xi32, #tpu.memory_space<hbm>>
      tpu.enqueue_dma source(%dma_start3A_1648 : memref<1024xi32, #tpu.memory_space<hbm>>) target(%arg6 : memref<1024xi32, #tpu.memory_space<vmem>>) target_semaphore(%run_scoped3A : memref<!tpu.dma_semaphore, #tpu.memory_space<semaphore_mem>>)
      %dma_wait3A_1649 = tpu.memref_slice %arg2[%add3A_6] : memref<65536xi32, #tpu.memory_space<hbm>> -> memref<1024xi32, #tpu.memory_space<hbm>>
      %dma_wait3A_1650 = tpu.memref_slice %arg2[%add3A_6] : memref<65536xi32, #tpu.memory_space<hbm>> -> memref<1024xi32, #tpu.memory_space<hbm>>
      tpu.wait_dma2 semaphore(%run_scoped3A : memref<!tpu.dma_semaphore, #tpu.memory_space<semaphore_mem>>) src(%dma_wait3A_1650 : memref<1024xi32, #tpu.memory_space<hbm>>) dst(%arg6 : memref<1024xi32, #tpu.memory_space<vmem>>)
      tpu.yield
    }) : () -> ()
    "tpu.region"() ({
      %run_scoped3A = tpu.sem_alloc : memref<!tpu.dma_semaphore, #tpu.memory_space<semaphore_mem>>
      %dma_start3A_1647 = arith.constant 0 : i32
      %dma_start3A_1648 = arith.constant 0 : i32
      %dma_start3A_1649 = tpu.memref_slice %arg3[%arg0, %arg1, %dma_start3A_1647, %dma_start3A_1648] : memref<2x16x8x128xf32, #tpu.memory_space<hbm>> -> memref<1x1x8x128xf32, #tpu.memory_space<hbm>>
      %dma_start3A_1650 = tpu.memref_squeeze %dma_start3A_1649 : memref<1x1x8x128xf32, #tpu.memory_space<hbm>> -> memref<8x128xf32, #tpu.memory_space<hbm>>
      %dma_start3A_1651 = arith.constant 0 : i32
      %dma_start3A_1652 = arith.constant 0 : i32
      %dma_start3A_1653 = tpu.memref_slice %arg3[%arg0, %arg1, %dma_start3A_1651, %dma_start3A_1652] : memref<2x16x8x128xf32, #tpu.memory_space<hbm>> -> memref<1x1x8x128xf32, #tpu.memory_space<hbm>>
      %dma_start3A_1654 = tpu.memref_squeeze %dma_start3A_1653 : memref<1x1x8x128xf32, #tpu.memory_space<hbm>> -> memref<8x128xf32, #tpu.memory_space<hbm>>
      tpu.enqueue_dma source(%dma_start3A_1654 : memref<8x128xf32, #tpu.memory_space<hbm>>) target(%arg7 : memref<8x128xf32, #tpu.memory_space<vmem>>) target_semaphore(%run_scoped3A : memref<!tpu.dma_semaphore, #tpu.memory_space<semaphore_mem>>)
      %dma_wait3A_1655 = arith.constant 0 : i32
      %dma_wait3A_1656 = arith.constant 0 : i32
      %dma_wait3A_1657 = tpu.memref_slice %arg3[%arg0, %arg1, %dma_wait3A_1655, %dma_wait3A_1656] : memref<2x16x8x128xf32, #tpu.memory_space<hbm>> -> memref<1x1x8x128xf32, #tpu.memory_space<hbm>>
      %dma_wait3A_1658 = tpu.memref_squeeze %dma_wait3A_1657 : memref<1x1x8x128xf32, #tpu.memory_space<hbm>> -> memref<8x128xf32, #tpu.memory_space<hbm>>
      %dma_wait3A_1659 = arith.constant 0 : i32
      %dma_wait3A_1660 = arith.constant 0 : i32
      %dma_wait3A_1661 = tpu.memref_slice %arg3[%arg0, %arg1, %dma_wait3A_1659, %dma_wait3A_1660] : memref<2x16x8x128xf32, #tpu.memory_space<hbm>> -> memref<1x1x8x128xf32, #tpu.memory_space<hbm>>
      %dma_wait3A_1662 = tpu.memref_squeeze %dma_wait3A_1661 : memref<1x1x8x128xf32, #tpu.memory_space<hbm>> -> memref<8x128xf32, #tpu.memory_space<hbm>>
      tpu.wait_dma2 semaphore(%run_scoped3A : memref<!tpu.dma_semaphore, #tpu.memory_space<semaphore_mem>>) src(%dma_wait3A_1662 : memref<8x128xf32, #tpu.memory_space<hbm>>) dst(%arg7 : memref<8x128xf32, #tpu.memory_space<vmem>>)
      tpu.yield
    }) : () -> ()
    %broadcast_in_dim3A = arith.constant 0.000000e+00 : f32
    %broadcast_in_dim3A_7 = vector.broadcast %broadcast_in_dim3A : f32 to vector<16xf32>
    %scan3A = arith.constant 0 : i32
    %scan3A_8 = arith.constant 0 : i32
    %scan3A_9 = arith.constant 128 : i32
    %scan3A_10 = arith.addi %scan3A_8, %scan3A_9 : i32
    %scan3A_11 = arith.constant 1 : i32
    %scan3A_12 = scf.for %scan3A_1647 = %scan3A_8 to %scan3A_10 step %scan3A_11 iter_args(%scan3A_1648 = %scan3A) -> (i32)  : i32 {
      %mul3A_1649 = arith.constant 8 : i32
      %mul3A_1650 = arith.muli %scan3A_1647, %mul3A_1649 : i32
      %add3A_1651 = arith.constant 0 : i32
      %add3A_1652 = arith.addi %mul3A_1650, %add3A_1651 : i32
      %mul3A_1653 = arith.constant 16 : i32
      %mul3A_1654 = arith.muli %add3A_1652, %mul3A_1653 : i32
      %swap3A_1655 = arith.index_cast %mul3A_1654 : i32 to index
      %swap3A_1656 = tpu.vector_load %arg9[%swap3A_1655] {strides = array<i32>} : memref<16384xf32, #tpu.memory_space<vmem>>, vector<16xf32>,
      tpu.vector_store %arg9[%swap3A_1655], %broadcast_in_dim3A_7 {strides = array<i32>} : memref<16384xf32, #tpu.memory_space<vmem>>, vector<16xf32>,
      %mul3A_1657 = arith.constant 8 : i32
      %mul3A_1658 = arith.muli %scan3A_1647, %mul3A_1657 : i32
      %add3A_1659 = arith.constant 1 : i32
      %add3A_1660 = arith.addi %mul3A_1658, %add3A_1659 : i32
      %mul3A_1661 = arith.constant 16 : i32
      %mul3A_1662 = arith.muli %add3A_1660, %mul3A_1661 : i32
      %swap3A_1663 = arith.index_cast %mul3A_1662 : i32 to index
      %swap3A_1664 = tpu.vector_load %arg9[%swap3A_1663] {strides = array<i32>} : memref<16384xf32, #tpu.memory_space<vmem>>, vector<16xf32>,
      tpu.vector_store %arg9[%swap3A_1663], %broadcast_in_dim3A_7 {strides = array<i32>} : memref<16384xf32, #tpu.memory_space<vmem>>, vector<16xf32>,
      %mul3A_1665 = arith.constant 8 : i32
      %mul3A_1666 = arith.muli %scan3A_1647, %mul3A_1665 : i32
      %add3A_1667 = arith.constant 2 : i32
      %add3A_1668 = arith.addi %mul3A_1666, %add3A_1667 : i32
      %mul3A_1669 = arith.constant 16 : i32
      %mul3A_1670 = arith.muli %add3A_1668, %mul3A_1669 : i32
      %swap3A_1671 = arith.index_cast %mul3A_1670 : i32 to index
      %swap3A_1672 = tpu.vector_load %arg9[%swap3A_1671] {strides = array<i32>} : memref<16384xf32, #tpu.memory_space<vmem>>, vector<16xf32>,
      tpu.vector_store %arg9[%swap3A_1671], %broadcast_in_dim3A_7 {strides = array<i32>} : memref<16384xf32, #tpu.memory_space<vmem>>, vector<16xf32>,
      %mul3A_1673 = arith.constant 8 : i32
      %mul3A_1674 = arith.muli %scan3A_1647, %mul3A_1673 : i32
      %add3A_1675 = arith.constant 3 : i32
      %add3A_1676 = arith.addi %mul3A_1674, %add3A_1675 : i32
      %mul3A_1677 = arith.constant 16 : i32
      %mul3A_1678 = arith.muli %add3A_1676, %mul3A_1677 : i32
      %swap3A_1679 = arith.index_cast %mul3A_1678 : i32 to index
      %swap3A_1680 = tpu.vector_load %arg9[%swap3A_1679] {strides = array<i32>} : memref<16384xf32, #tpu.memory_space<vmem>>, vector<16xf32>,
      tpu.vector_store %arg9[%swap3A_1679], %broadcast_in_dim3A_7 {strides = array<i32>} : memref<16384xf32, #tpu.memory_space<vmem>>, vector<16xf32>,
      %mul3A_1681 = arith.constant 8 : i32
      %mul3A_1682 = arith.muli %scan3A_1647, %mul3A_1681 : i32
      %add3A_1683 = arith.constant 4 : i32
      %add3A_1684 = arith.addi %mul3A_1682, %add3A_1683 : i32
      %mul3A_1685 = arith.constant 16 : i32
      %mul3A_1686 = arith.muli %add3A_1684, %mul3A_1685 : i32
      %swap3A_1687 = arith.index_cast %mul3A_1686 : i32 to index
      %swap3A_1688 = tpu.vector_load %arg9[%swap3A_1687] {strides = array<i32>} : memref<16384xf32, #tpu.memory_space<vmem>>, vector<16xf32>,
      tpu.vector_store %arg9[%swap3A_1687], %broadcast_in_dim3A_7 {strides = array<i32>} : memref<16384xf32, #tpu.memory_space<vmem>>, vector<16xf32>,
      %mul3A_1689 = arith.constant 8 : i32
      %mul3A_1690 = arith.muli %scan3A_1647, %mul3A_1689 : i32
      %add3A_1691 = arith.constant 5 : i32
      %add3A_1692 = arith.addi %mul3A_1690, %add3A_1691 : i32
      %mul3A_1693 = arith.constant 16 : i32
      %mul3A_1694 = arith.muli %add3A_1692, %mul3A_1693 : i32
      %swap3A_1695 = arith.index_cast %mul3A_1694 : i32 to index
      %swap3A_1696 = tpu.vector_load %arg9[%swap3A_1695] {strides = array<i32>} : memref<16384xf32, #tpu.memory_space<vmem>>, vector<16xf32>,
      tpu.vector_store %arg9[%swap3A_1695], %broadcast_in_dim3A_7 {strides = array<i32>} : memref<16384xf32, #tpu.memory_space<vmem>>, vector<16xf32>,
      %mul3A_1697 = arith.constant 8 : i32
      %mul3A_1698 = arith.muli %scan3A_1647, %mul3A_1697 : i32
      %add3A_1699 = arith.constant 6 : i32
      %add3A_1700 = arith.addi %mul3A_1698, %add3A_1699 : i32
      %mul3A_1701 = arith.constant 16 : i32
      %mul3A_1702 = arith.muli %add3A_1700, %mul3A_1701 : i32
      %swap3A_1703 = arith.index_cast %mul3A_1702 : i32 to index
      %swap3A_1704 = tpu.vector_load %arg9[%swap3A_1703] {strides = array<i32>} : memref<16384xf32, #tpu.memory_space<vmem>>, vector<16xf32>,
      tpu.vector_store %arg9[%swap3A_1703], %broadcast_in_dim3A_7 {strides = array<i32>} : memref<16384xf32, #tpu.memory_space<vmem>>, vector<16xf32>,
      %mul3A_1705 = arith.constant 8 : i32
      %mul3A_1706 = arith.muli %scan3A_1647, %mul3A_1705 : i32
      %add3A_1707 = arith.constant 7 : i32
      %add3A_1708 = arith.addi %mul3A_1706, %add3A_1707 : i32
      %mul3A_1709 = arith.constant 16 : i32
      %mul3A_1710 = arith.muli %add3A_1708, %mul3A_1709 : i32
      %swap3A_1711 = arith.index_cast %mul3A_1710 : i32 to index
      %swap3A_1712 = tpu.vector_load %arg9[%swap3A_1711] {strides = array<i32>} : memref<16384xf32, #tpu.memory_space<vmem>>, vector<16xf32>,
      tpu.vector_store %arg9[%swap3A_1711], %broadcast_in_dim3A_7 {strides = array<i32>} : memref<16384xf32, #tpu.memory_space<vmem>>, vector<16xf32>,
      %scan3A_1713 = arith.constant 0 : i32
      scf.yield %scan3A_1713 : i32
    }
    %scan3A_13 = arith.constant 128 : i32
    %mul3A_14 = arith.constant 16384 : i32
    %mul3A_15 = arith.muli %arg1, %mul3A_14 : i32
    "tpu.region"() ({
      %run_scoped3A = tpu.sem_alloc : memref<!tpu.dma_semaphore, #tpu.memory_space<semaphore_mem>>
      %dma_start3A_1647 = tpu.memref_slice %arg10[%mul3A_15] : memref<262144xf32, #tpu.memory_space<vmem_shared>> -> memref<16384xf32, #tpu.memory_space<vmem_shared>>
      %dma_start3A_1648 = tpu.memref_slice %arg10[%mul3A_15] : memref<262144xf32, #tpu.memory_space<vmem_shared>> -> memref<16384xf32, #tpu.memory_space<vmem_shared>>
      tpu.enqueue_dma source(%arg9 : memref<16384xf32, #tpu.memory_space<vmem>>) target(%dma_start3A_1648 : memref<16384xf32, #tpu.memory_space<vmem_shared>>) target_semaphore(%run_scoped3A : memref<!tpu.dma_semaphore, #tpu.memory_space<semaphore_mem>>)
      %dma_wait3A_1649 = tpu.memref_slice %arg10[%mul3A_15] : memref<262144xf32, #tpu.memory_space<vmem_shared>> -> memref<16384xf32, #tpu.memory_space<vmem_shared>>
      %dma_wait3A_1650 = tpu.memref_slice %arg10[%mul3A_15] : memref<262144xf32, #tpu.memory_space<vmem_shared>> -> memref<16384xf32, #tpu.memory_space<vmem_shared>>
      tpu.wait_dma2 semaphore(%run_scoped3A : memref<!tpu.dma_semaphore, #tpu.memory_space<semaphore_mem>>) src(%arg9 : memref<16384xf32, #tpu.memory_space<vmem>>) dst(%dma_wait3A_1650 : memref<16384xf32, #tpu.memory_space<vmem_shared>>)
      tpu.yield
    }) : () -> ()
    %get3A = arith.constant 0 : index
    %get3A_16 = tpu.vector_load %arg5[%get3A] {strides = array<i32>} : memref<1024xi32, #tpu.memory_space<vmem>>, vector<16xi32>,
    %get3A_17 = arith.constant 0 : index
    %get3A_18 = tpu.vector_load %arg6[%get3A_17] {strides = array<i32>} : memref<1024xi32, #tpu.memory_space<vmem>>, vector<16xi32>,
    %mul3A_19 = arith.constant 512 : i32
    %mul3A_20 = vector.broadcast %mul3A_19 : i32 to vector<16xi32>
    %mul3A_21 = arith.muli %get3A_16, %mul3A_20 : vector<16xi32>
    %add3A_22 = arith.addi %mul3A_21, %get3A_18 : vector<16xi32>
    %swap3A = arith.constant 0 : i32
    %swap3A_23 = arith.index_cast %swap3A : i32 to index
    %swap3A_24 = arith.constant 0 : index
    %swap3A_25 = tpu.vector_load %arg8[%swap3A_23, %swap3A_24] {strides = array<i32>} : memref<8x128xi32, #tpu.memory_space<vmem>>, vector<16xi32>,
    tpu.vector_store %arg8[%swap3A_23, %swap3A_24], %add3A_22 {strides = array<i32>} : memref<8x128xi32, #tpu.memory_space<vmem>>, vector<16xi32>,
    %get3A_26 = arith.constant 16 : index
    %get3A_27 = tpu.vector_load %arg5[%get3A_26] {strides = array<i32>} : memref<1024xi32, #tpu.memory_space<vmem>>, vector<16xi32>,
    %get3A_28 = arith.constant 16 : index
    %get3A_29 = tpu.vector_load %arg6[%get3A_28] {strides = array<i32>} : memref<1024xi32, #tpu.memory_space<vmem>>, vector<16xi32>,
    %mul3A_30 = arith.constant 512 : i32
    %mul3A_31 = vector.broadcast %mul3A_30 : i32 to vector<16xi32>
    %mul3A_32 = arith.muli %get3A_27, %mul3A_31 : vector<16xi32>
    %add3A_33 = arith.addi %mul3A_32, %get3A_29 : vector<16xi32>
    %swap3A_34 = arith.constant 0 : i32
    %swap3A_35 = arith.index_cast %swap3A_34 : i32 to index
    %swap3A_36 = arith.constant 16 : index
    %swap3A_37 = tpu.vector_load %arg8[%swap3A_35, %swap3A_36] {strides = array<i32>} : memref<8x128xi32, #tpu.memory_space<vmem>>, vector<16xi32>,
    tpu.vector_store %arg8[%swap3A_35, %swap3A_36], %add3A_33 {strides = array<i32>} : memref<8x128xi32, #tpu.memory_space<vmem>>, vector<16xi32>,
    %get3A_38 = arith.constant 32 : index
    %get3A_39 = tpu.vector_load %arg5[%get3A_38] {strides = array<i32>} : memref<1024xi32, #tpu.memory_space<vmem>>, vector<16xi32>,
    %get3A_40 = arith.constant 32 : index
    %get3A_41 = tpu.vector_load %arg6[%get3A_40] {strides = array<i32>} : memref<1024xi32, #tpu.memory_space<vmem>>, vector<16xi32>,
    %mul3A_42 = arith.constant 512 : i32
    %mul3A_43 = vector.broadcast %mul3A_42 : i32 to vector<16xi32>
    %mul3A_44 = arith.muli %get3A_39, %mul3A_43 : vector<16xi32>
    %add3A_45 = arith.addi %mul3A_44, %get3A_41 : vector<16xi32>
    %swap3A_46 = arith.constant 0 : i32
    %swap3A_47 = arith.index_cast %swap3A_46 : i32 to index
    %swap3A_48 = arith.constant 32 : index
    %swap3A_49 = tpu.vector_load %arg8[%swap3A_47, %swap3A_48] {strides = array<i32>} : memref<8x128xi32, #tpu.memory_space<vmem>>, vector<16xi32>,
    tpu.vector_store %arg8[%swap3A_47, %swap3A_48], %add3A_45 {strides = array<i32>} : memref<8x128xi32, #tpu.memory_space<vmem>>, vector<16xi32>,
    %get3A_50 = arith.constant 48 : index
    %get3A_51 = tpu.vector_load %arg5[%get3A_50] {strides = array<i32>} : memref<1024xi32, #tpu.memory_space<vmem>>, vector<16xi32>,
    %get3A_52 = arith.constant 48 : index
    %get3A_53 = tpu.vector_load %arg6[%get3A_52] {strides = array<i32>} : memref<1024xi32, #tpu.memory_space<vmem>>, vector<16xi32>,
    %mul3A_54 = arith.constant 512 : i32
    %mul3A_55 = vector.broadcast %mul3A_54 : i32 to vector<16xi32>
    %mul3A_56 = arith.muli %get3A_51, %mul3A_55 : vector<16xi32>
    %add3A_57 = arith.addi %mul3A_56, %get3A_53 : vector<16xi32>
    %swap3A_58 = arith.constant 0 : i32
    %swap3A_59 = arith.index_cast %swap3A_58 : i32 to index
    %swap3A_60 = arith.constant 48 : index
    %swap3A_61 = tpu.vector_load %arg8[%swap3A_59, %swap3A_60] {strides = array<i32>} : memref<8x128xi32, #tpu.memory_space<vmem>>, vector<16xi32>,
    tpu.vector_store %arg8[%swap3A_59, %swap3A_60], %add3A_57 {strides = array<i32>} : memref<8x128xi32, #tpu.memory_space<vmem>>, vector<16xi32>,
    %get3A_62 = arith.constant 64 : index
    %get3A_63 = tpu.vector_load %arg5[%get3A_62] {strides = array<i32>} : memref<1024xi32, #tpu.memory_space<vmem>>, vector<16xi32>,
    %get3A_64 = arith.constant 64 : index
    %get3A_65 = tpu.vector_load %arg6[%get3A_64] {strides = array<i32>} : memref<1024xi32, #tpu.memory_space<vmem>>, vector<16xi32>,
    %mul3A_66 = arith.constant 512 : i32
    %mul3A_67 = vector.broadcast %mul3A_66 : i32 to vector<16xi32>
    %mul3A_68 = arith.muli %get3A_63, %mul3A_67 : vector<16xi32>
    %add3A_69 = arith.addi %mul3A_68, %get3A_65 : vector<16xi32>
    %swap3A_70 = arith.constant 0 : i32
    %swap3A_71 = arith.index_cast %swap3A_70 : i32 to index
    %swap3A_72 = arith.constant 64 : index
    %swap3A_73 = tpu.vector_load %arg8[%swap3A_71, %swap3A_72] {strides = array<i32>} : memref<8x128xi32, #tpu.memory_space<vmem>>, vector<16xi32>,
    tpu.vector_store %arg8[%swap3A_71, %swap3A_72], %add3A_69 {strides = array<i32>} : memref<8x128xi32, #tpu.memory_space<vmem>>, vector<16xi32>,
    %get3A_74 = arith.constant 80 : index
    %get3A_75 = tpu.vector_load %arg5[%get3A_74] {strides = array<i32>} : memref<1024xi32, #tpu.memory_space<vmem>>, vector<16xi32>,
    %get3A_76 = arith.constant 80 : index
    %get3A_77 = tpu.vector_load %arg6[%get3A_76] {strides = array<i32>} : memref<1024xi32, #tpu.memory_space<vmem>>, vector<16xi32>,
    %mul3A_78 = arith.constant 512 : i32
    %mul3A_79 = vector.broadcast %mul3A_78 : i32 to vector<16xi32>
    %mul3A_80 = arith.muli %get3A_75, %mul3A_79 : vector<16xi32>
    %add3A_81 = arith.addi %mul3A_80, %get3A_77 : vector<16xi32>
    %swap3A_82 = arith.constant 0 : i32
    %swap3A_83 = arith.index_cast %swap3A_82 : i32 to index
    %swap3A_84 = arith.constant 80 : index
    %swap3A_85 = tpu.vector_load %arg8[%swap3A_83, %swap3A_84] {strides = array<i32>} : memref<8x128xi32, #tpu.memory_space<vmem>>, vector<16xi32>,
    tpu.vector_store %arg8[%swap3A_83, %swap3A_84], %add3A_81 {strides = array<i32>} : memref<8x128xi32, #tpu.memory_space<vmem>>, vector<16xi32>,
    %get3A_86 = arith.constant 96 : index
    %get3A_87 = tpu.vector_load %arg5[%get3A_86] {strides = array<i32>} : memref<1024xi32, #tpu.memory_space<vmem>>, vector<16xi32>,
    %get3A_88 = arith.constant 96 : index
    %get3A_89 = tpu.vector_load %arg6[%get3A_88] {strides = array<i32>} : memref<1024xi32, #tpu.memory_space<vmem>>, vector<16xi32>,
    %mul3A_90 = arith.constant 512 : i32
    %mul3A_91 = vector.broadcast %mul3A_90 : i32 to vector<16xi32>
    %mul3A_92 = arith.muli %get3A_87, %mul3A_91 : vector<16xi32>
    %add3A_93 = arith.addi %mul3A_92, %get3A_89 : vector<16xi32>
    %swap3A_94 = arith.constant 0 : i32
    %swap3A_95 = arith.index_cast %swap3A_94 : i32 to index
    %swap3A_96 = arith.constant 96 : index
    %swap3A_97 = tpu.vector_load %arg8[%swap3A_95, %swap3A_96] {strides = array<i32>} : memref<8x128xi32, #tpu.memory_space<vmem>>, vector<16xi32>,
    tpu.vector_store %arg8[%swap3A_95, %swap3A_96], %add3A_93 {strides = array<i32>} : memref<8x128xi32, #tpu.memory_space<vmem>>, vector<16xi32>,
    %get3A_98 = arith.constant 112 : index
    %get3A_99 = tpu.vector_load %arg5[%get3A_98] {strides = array<i32>} : memref<1024xi32, #tpu.memory_space<vmem>>, vector<16xi32>,
    %get3A_100 = arith.constant 112 : index
    %get3A_101 = tpu.vector_load %arg6[%get3A_100] {strides = array<i32>} : memref<1024xi32, #tpu.memory_space<vmem>>, vector<16xi32>,
    %mul3A_102 = arith.constant 512 : i32
    %mul3A_103 = vector.broadcast %mul3A_102 : i32 to vector<16xi32>
    %mul3A_104 = arith.muli %get3A_99, %mul3A_103 : vector<16xi32>
    %add3A_105 = arith.addi %mul3A_104, %get3A_101 : vector<16xi32>
    %swap3A_106 = arith.constant 0 : i32
    %swap3A_107 = arith.index_cast %swap3A_106 : i32 to index
    %swap3A_108 = arith.constant 112 : index
    %swap3A_109 = tpu.vector_load %arg8[%swap3A_107, %swap3A_108] {strides = array<i32>} : memref<8x128xi32, #tpu.memory_space<vmem>>, vector<16xi32>,
    tpu.vector_store %arg8[%swap3A_107, %swap3A_108], %add3A_105 {strides = array<i32>} : memref<8x128xi32, #tpu.memory_space<vmem>>, vector<16xi32>,
    %get3A_110 = arith.constant 128 : index
    %get3A_111 = tpu.vector_load %arg5[%get3A_110] {strides = array<i32>} : memref<1024xi32, #tpu.memory_space<vmem>>, vector<16xi32>,
    %get3A_112 = arith.constant 128 : index
    %get3A_113 = tpu.vector_load %arg6[%get3A_112] {strides = array<i32>} : memref<1024xi32, #tpu.memory_space<vmem>>, vector<16xi32>,
    %mul3A_114 = arith.constant 512 : i32
    %mul3A_115 = vector.broadcast %mul3A_114 : i32 to vector<16xi32>
    %mul3A_116 = arith.muli %get3A_111, %mul3A_115 : vector<16xi32>
    %add3A_117 = arith.addi %mul3A_116, %get3A_113 : vector<16xi32>
    %swap3A_118 = arith.constant 1 : i32
    %swap3A_119 = arith.index_cast %swap3A_118 : i32 to index
    %swap3A_120 = arith.constant 0 : index
    %swap3A_121 = tpu.vector_load %arg8[%swap3A_119, %swap3A_120] {strides = array<i32>} : memref<8x128xi32, #tpu.memory_space<vmem>>, vector<16xi32>,
    tpu.vector_store %arg8[%swap3A_119, %swap3A_120], %add3A_117 {strides = array<i32>} : memref<8x128xi32, #tpu.memory_space<vmem>>, vector<16xi32>,
    %get3A_122 = arith.constant 144 : index
    %get3A_123 = tpu.vector_load %arg5[%get3A_122] {strides = array<i32>} : memref<1024xi32, #tpu.memory_space<vmem>>, vector<16xi32>,
    %get3A_124 = arith.constant 144 : index
    %get3A_125 = tpu.vector_load %arg6[%get3A_124] {strides = array<i32>} : memref<1024xi32, #tpu.memory_space<vmem>>, vector<16xi32>,
    %mul3A_126 = arith.constant 512 : i32
    %mul3A_127 = vector.broadcast %mul3A_126 : i32 to vector<16xi32>
    %mul3A_128 = arith.muli %get3A_123, %mul3A_127 : vector<16xi32>
    %add3A_129 = arith.addi %mul3A_128, %get3A_125 : vector<16xi32>
    %swap3A_130 = arith.constant 1 : i32
    %swap3A_131 = arith.index_cast %swap3A_130 : i32 to index
    %swap3A_132 = arith.constant 16 : index
    %swap3A_133 = tpu.vector_load %arg8[%swap3A_131, %swap3A_132] {strides = array<i32>} : memref<8x128xi32, #tpu.memory_space<vmem>>, vector<16xi32>,
    tpu.vector_store %arg8[%swap3A_131, %swap3A_132], %add3A_129 {strides = array<i32>} : memref<8x128xi32, #tpu.memory_space<vmem>>, vector<16xi32>,
    %get3A_134 = arith.constant 160 : index
    %get3A_135 = tpu.vector_load %arg5[%get3A_134] {strides = array<i32>} : memref<1024xi32, #tpu.memory_space<vmem>>, vector<16xi32>,
    %get3A_136 = arith.constant 160 : index
    %get3A_137 = tpu.vector_load %arg6[%get3A_136] {strides = array<i32>} : memref<1024xi32, #tpu.memory_space<vmem>>, vector<16xi32>,
    %mul3A_138 = arith.constant 512 : i32
    %mul3A_139 = vector.broadcast %mul3A_138 : i32 to vector<16xi32>
    %mul3A_140 = arith.muli %get3A_135, %mul3A_139 : vector<16xi32>
    %add3A_141 = arith.addi %mul3A_140, %get3A_137 : vector<16xi32>
    %swap3A_142 = arith.constant 1 : i32
    %swap3A_143 = arith.index_cast %swap3A_142 : i32 to index
    %swap3A_144 = arith.constant 32 : index
    %swap3A_145 = tpu.vector_load %arg8[%swap3A_143, %swap3A_144] {strides = array<i32>} : memref<8x128xi32, #tpu.memory_space<vmem>>, vector<16xi32>,
    tpu.vector_store %arg8[%swap3A_143, %swap3A_144], %add3A_141 {strides = array<i32>} : memref<8x128xi32, #tpu.memory_space<vmem>>, vector<16xi32>,
    %get3A_146 = arith.constant 176 : index
    %get3A_147 = tpu.vector_load %arg5[%get3A_146] {strides = array<i32>} : memref<1024xi32, #tpu.memory_space<vmem>>, vector<16xi32>,
    %get3A_148 = arith.constant 176 : index
    %get3A_149 = tpu.vector_load %arg6[%get3A_148] {strides = array<i32>} : memref<1024xi32, #tpu.memory_space<vmem>>, vector<16xi32>,
    %mul3A_150 = arith.constant 512 : i32
    %mul3A_151 = vector.broadcast %mul3A_150 : i32 to vector<16xi32>
    %mul3A_152 = arith.muli %get3A_147, %mul3A_151 : vector<16xi32>
    %add3A_153 = arith.addi %mul3A_152, %get3A_149 : vector<16xi32>
    %swap3A_154 = arith.constant 1 : i32
    %swap3A_155 = arith.index_cast %swap3A_154 : i32 to index
    %swap3A_156 = arith.constant 48 : index
    %swap3A_157 = tpu.vector_load %arg8[%swap3A_155, %swap3A_156] {strides = array<i32>} : memref<8x128xi32, #tpu.memory_space<vmem>>, vector<16xi32>,
    tpu.vector_store %arg8[%swap3A_155, %swap3A_156], %add3A_153 {strides = array<i32>} : memref<8x128xi32, #tpu.memory_space<vmem>>, vector<16xi32>,
    %get3A_158 = arith.constant 192 : index
    %get3A_159 = tpu.vector_load %arg5[%get3A_158] {strides = array<i32>} : memref<1024xi32, #tpu.memory_space<vmem>>, vector<16xi32>,
    %get3A_160 = arith.constant 192 : index
    %get3A_161 = tpu.vector_load %arg6[%get3A_160] {strides = array<i32>} : memref<1024xi32, #tpu.memory_space<vmem>>, vector<16xi32>,
    %mul3A_162 = arith.constant 512 : i32
    %mul3A_163 = vector.broadcast %mul3A_162 : i32 to vector<16xi32>
    %mul3A_164 = arith.muli %get3A_159, %mul3A_163 : vector<16xi32>
    %add3A_165 = arith.addi %mul3A_164, %get3A_161 : vector<16xi32>
    %swap3A_166 = arith.constant 1 : i32
    %swap3A_167 = arith.index_cast %swap3A_166 : i32 to index
    %swap3A_168 = arith.constant 64 : index
    %swap3A_169 = tpu.vector_load %arg8[%swap3A_167, %swap3A_168] {strides = array<i32>} : memref<8x128xi32, #tpu.memory_space<vmem>>, vector<16xi32>,
    tpu.vector_store %arg8[%swap3A_167, %swap3A_168], %add3A_165 {strides = array<i32>} : memref<8x128xi32, #tpu.memory_space<vmem>>, vector<16xi32>,
    %get3A_170 = arith.constant 208 : index
    %get3A_171 = tpu.vector_load %arg5[%get3A_170] {strides = array<i32>} : memref<1024xi32, #tpu.memory_space<vmem>>, vector<16xi32>,
    %get3A_172 = arith.constant 208 : index
    %get3A_173 = tpu.vector_load %arg6[%get3A_172] {strides = array<i32>} : memref<1024xi32, #tpu.memory_space<vmem>>, vector<16xi32>,
    %mul3A_174 = arith.constant 512 : i32
    %mul3A_175 = vector.broadcast %mul3A_174 : i32 to vector<16xi32>
    %mul3A_176 = arith.muli %get3A_171, %mul3A_175 : vector<16xi32>
    %add3A_177 = arith.addi %mul3A_176, %get3A_173 : vector<16xi32>
    %swap3A_178 = arith.constant 1 : i32
    %swap3A_179 = arith.index_cast %swap3A_178 : i32 to index
    %swap3A_180 = arith.constant 80 : index
    %swap3A_181 = tpu.vector_load %arg8[%swap3A_179, %swap3A_180] {strides = array<i32>} : memref<8x128xi32, #tpu.memory_space<vmem>>, vector<16xi32>,
    tpu.vector_store %arg8[%swap3A_179, %swap3A_180], %add3A_177 {strides = array<i32>} : memref<8x128xi32, #tpu.memory_space<vmem>>, vector<16xi32>,
    %get3A_182 = arith.constant 224 : index
    %get3A_183 = tpu.vector_load %arg5[%get3A_182] {strides = array<i32>} : memref<1024xi32, #tpu.memory_space<vmem>>, vector<16xi32>,
    %get3A_184 = arith.constant 224 : index
    %get3A_185 = tpu.vector_load %arg6[%get3A_184] {strides = array<i32>} : memref<1024xi32, #tpu.memory_space<vmem>>, vector<16xi32>,
    %mul3A_186 = arith.constant 512 : i32
    %mul3A_187 = vector.broadcast %mul3A_186 : i32 to vector<16xi32>
    %mul3A_188 = arith.muli %get3A_183, %mul3A_187 : vector<16xi32>
    %add3A_189 = arith.addi %mul3A_188, %get3A_185 : vector<16xi32>
    %swap3A_190 = arith.constant 1 : i32
    %swap3A_191 = arith.index_cast %swap3A_190 : i32 to index
    %swap3A_192 = arith.constant 96 : index
    %swap3A_193 = tpu.vector_load %arg8[%swap3A_191, %swap3A_192] {strides = array<i32>} : memref<8x128xi32, #tpu.memory_space<vmem>>, vector<16xi32>,
    tpu.vector_store %arg8[%swap3A_191, %swap3A_192], %add3A_189 {strides = array<i32>} : memref<8x128xi32, #tpu.memory_space<vmem>>, vector<16xi32>,
    %get3A_194 = arith.constant 240 : index
    %get3A_195 = tpu.vector_load %arg5[%get3A_194] {strides = array<i32>} : memref<1024xi32, #tpu.memory_space<vmem>>, vector<16xi32>,
    %get3A_196 = arith.constant 240 : index
    %get3A_197 = tpu.vector_load %arg6[%get3A_196] {strides = array<i32>} : memref<1024xi32, #tpu.memory_space<vmem>>, vector<16xi32>,
    %mul3A_198 = arith.constant 512 : i32
    %mul3A_199 = vector.broadcast %mul3A_198 : i32 to vector<16xi32>
    %mul3A_200 = arith.muli %get3A_195, %mul3A_199 : vector<16xi32>
    %add3A_201 = arith.addi %mul3A_200, %get3A_197 : vector<16xi32>
    %swap3A_202 = arith.constant 1 : i32
    %swap3A_203 = arith.index_cast %swap3A_202 : i32 to index
    %swap3A_204 = arith.constant 112 : index
    %swap3A_205 = tpu.vector_load %arg8[%swap3A_203, %swap3A_204] {strides = array<i32>} : memref<8x128xi32, #tpu.memory_space<vmem>>, vector<16xi32>,
    tpu.vector_store %arg8[%swap3A_203, %swap3A_204], %add3A_201 {strides = array<i32>} : memref<8x128xi32, #tpu.memory_space<vmem>>, vector<16xi32>,
    %get3A_206 = arith.constant 256 : index
    %get3A_207 = tpu.vector_load %arg5[%get3A_206] {strides = array<i32>} : memref<1024xi32, #tpu.memory_space<vmem>>, vector<16xi32>,
    %get3A_208 = arith.constant 256 : index
    %get3A_209 = tpu.vector_load %arg6[%get3A_208] {strides = array<i32>} : memref<1024xi32, #tpu.memory_space<vmem>>, vector<16xi32>,
    %mul3A_210 = arith.constant 512 : i32
    %mul3A_211 = vector.broadcast %mul3A_210 : i32 to vector<16xi32>
    %mul3A_212 = arith.muli %get3A_207, %mul3A_211 : vector<16xi32>
    %add3A_213 = arith.addi %mul3A_212, %get3A_209 : vector<16xi32>
    %swap3A_214 = arith.constant 2 : i32
    %swap3A_215 = arith.index_cast %swap3A_214 : i32 to index
    %swap3A_216 = arith.constant 0 : index
    %swap3A_217 = tpu.vector_load %arg8[%swap3A_215, %swap3A_216] {strides = array<i32>} : memref<8x128xi32, #tpu.memory_space<vmem>>, vector<16xi32>,
    tpu.vector_store %arg8[%swap3A_215, %swap3A_216], %add3A_213 {strides = array<i32>} : memref<8x128xi32, #tpu.memory_space<vmem>>, vector<16xi32>,
    %get3A_218 = arith.constant 272 : index
    %get3A_219 = tpu.vector_load %arg5[%get3A_218] {strides = array<i32>} : memref<1024xi32, #tpu.memory_space<vmem>>, vector<16xi32>,
    %get3A_220 = arith.constant 272 : index
    %get3A_221 = tpu.vector_load %arg6[%get3A_220] {strides = array<i32>} : memref<1024xi32, #tpu.memory_space<vmem>>, vector<16xi32>,
    %mul3A_222 = arith.constant 512 : i32
    %mul3A_223 = vector.broadcast %mul3A_222 : i32 to vector<16xi32>
    %mul3A_224 = arith.muli %get3A_219, %mul3A_223 : vector<16xi32>
    %add3A_225 = arith.addi %mul3A_224, %get3A_221 : vector<16xi32>
    %swap3A_226 = arith.constant 2 : i32
    %swap3A_227 = arith.index_cast %swap3A_226 : i32 to index
    %swap3A_228 = arith.constant 16 : index
    %swap3A_229 = tpu.vector_load %arg8[%swap3A_227, %swap3A_228] {strides = array<i32>} : memref<8x128xi32, #tpu.memory_space<vmem>>, vector<16xi32>,
    tpu.vector_store %arg8[%swap3A_227, %swap3A_228], %add3A_225 {strides = array<i32>} : memref<8x128xi32, #tpu.memory_space<vmem>>, vector<16xi32>,
    %get3A_230 = arith.constant 288 : index
    %get3A_231 = tpu.vector_load %arg5[%get3A_230] {strides = array<i32>} : memref<1024xi32, #tpu.memory_space<vmem>>, vector<16xi32>,
    %get3A_232 = arith.constant 288 : index
    %get3A_233 = tpu.vector_load %arg6[%get3A_232] {strides = array<i32>} : memref<1024xi32, #tpu.memory_space<vmem>>, vector<16xi32>,
    %mul3A_234 = arith.constant 512 : i32
    %mul3A_235 = vector.broadcast %mul3A_234 : i32 to vector<16xi32>
    %mul3A_236 = arith.muli %get3A_231, %mul3A_235 : vector<16xi32>
    %add3A_237 = arith.addi %mul3A_236, %get3A_233 : vector<16xi32>
    %swap3A_238 = arith.constant 2 : i32
    %swap3A_239 = arith.index_cast %swap3A_238 : i32 to index
    %swap3A_240 = arith.constant 32 : index
    %swap3A_241 = tpu.vector_load %arg8[%swap3A_239, %swap3A_240] {strides = array<i32>} : memref<8x128xi32, #tpu.memory_space<vmem>>, vector<16xi32>,
    tpu.vector_store %arg8[%swap3A_239, %swap3A_240], %add3A_237 {strides = array<i32>} : memref<8x128xi32, #tpu.memory_space<vmem>>, vector<16xi32>,
    %get3A_242 = arith.constant 304 : index
    %get3A_243 = tpu.vector_load %arg5[%get3A_242] {strides = array<i32>} : memref<1024xi32, #tpu.memory_space<vmem>>, vector<16xi32>,
    %get3A_244 = arith.constant 304 : index
    %get3A_245 = tpu.vector_load %arg6[%get3A_244] {strides = array<i32>} : memref<1024xi32, #tpu.memory_space<vmem>>, vector<16xi32>,
    %mul3A_246 = arith.constant 512 : i32
    %mul3A_247 = vector.broadcast %mul3A_246 : i32 to vector<16xi32>
    %mul3A_248 = arith.muli %get3A_243, %mul3A_247 : vector<16xi32>
    %add3A_249 = arith.addi %mul3A_248, %get3A_245 : vector<16xi32>
    %swap3A_250 = arith.constant 2 : i32
    %swap3A_251 = arith.index_cast %swap3A_250 : i32 to index
    %swap3A_252 = arith.constant 48 : index
    %swap3A_253 = tpu.vector_load %arg8[%swap3A_251, %swap3A_252] {strides = array<i32>} : memref<8x128xi32, #tpu.memory_space<vmem>>, vector<16xi32>,
    tpu.vector_store %arg8[%swap3A_251, %swap3A_252], %add3A_249 {strides = array<i32>} : memref<8x128xi32, #tpu.memory_space<vmem>>, vector<16xi32>,
    %get3A_254 = arith.constant 320 : index
    %get3A_255 = tpu.vector_load %arg5[%get3A_254] {strides = array<i32>} : memref<1024xi32, #tpu.memory_space<vmem>>, vector<16xi32>,
    %get3A_256 = arith.constant 320 : index
    %get3A_257 = tpu.vector_load %arg6[%get3A_256] {strides = array<i32>} : memref<1024xi32, #tpu.memory_space<vmem>>, vector<16xi32>,
    %mul3A_258 = arith.constant 512 : i32
    %mul3A_259 = vector.broadcast %mul3A_258 : i32 to vector<16xi32>
    %mul3A_260 = arith.muli %get3A_255, %mul3A_259 : vector<16xi32>
    %add3A_261 = arith.addi %mul3A_260, %get3A_257 : vector<16xi32>
    %swap3A_262 = arith.constant 2 : i32
    %swap3A_263 = arith.index_cast %swap3A_262 : i32 to index
    %swap3A_264 = arith.constant 64 : index
    %swap3A_265 = tpu.vector_load %arg8[%swap3A_263, %swap3A_264] {strides = array<i32>} : memref<8x128xi32, #tpu.memory_space<vmem>>, vector<16xi32>,
    tpu.vector_store %arg8[%swap3A_263, %swap3A_264], %add3A_261 {strides = array<i32>} : memref<8x128xi32, #tpu.memory_space<vmem>>, vector<16xi32>,
    %get3A_266 = arith.constant 336 : index
    %get3A_267 = tpu.vector_load %arg5[%get3A_266] {strides = array<i32>} : memref<1024xi32, #tpu.memory_space<vmem>>, vector<16xi32>,
    %get3A_268 = arith.constant 336 : index
    %get3A_269 = tpu.vector_load %arg6[%get3A_268] {strides = array<i32>} : memref<1024xi32, #tpu.memory_space<vmem>>, vector<16xi32>,
    %mul3A_270 = arith.constant 512 : i32
    %mul3A_271 = vector.broadcast %mul3A_270 : i32 to vector<16xi32>
    %mul3A_272 = arith.muli %get3A_267, %mul3A_271 : vector<16xi32>
    %add3A_273 = arith.addi %mul3A_272, %get3A_269 : vector<16xi32>
    %swap3A_274 = arith.constant 2 : i32
    %swap3A_275 = arith.index_cast %swap3A_274 : i32 to index
    %swap3A_276 = arith.constant 80 : index
    %swap3A_277 = tpu.vector_load %arg8[%swap3A_275, %swap3A_276] {strides = array<i32>} : memref<8x128xi32, #tpu.memory_space<vmem>>, vector<16xi32>,
    tpu.vector_store %arg8[%swap3A_275, %swap3A_276], %add3A_273 {strides = array<i32>} : memref<8x128xi32, #tpu.memory_space<vmem>>, vector<16xi32>,
    %get3A_278 = arith.constant 352 : index
    %get3A_279 = tpu.vector_load %arg5[%get3A_278] {strides = array<i32>} : memref<1024xi32, #tpu.memory_space<vmem>>, vector<16xi32>,
    %get3A_280 = arith.constant 352 : index
    %get3A_281 = tpu.vector_load %arg6[%get3A_280] {strides = array<i32>} : memref<1024xi32, #tpu.memory_space<vmem>>, vector<16xi32>,
    %mul3A_282 = arith.constant 512 : i32
    %mul3A_283 = vector.broadcast %mul3A_282 : i32 to vector<16xi32>
    %mul3A_284 = arith.muli %get3A_279, %mul3A_283 : vector<16xi32>
    %add3A_285 = arith.addi %mul3A_284, %get3A_281 : vector<16xi32>
    %swap3A_286 = arith.constant 2 : i32
    %swap3A_287 = arith.index_cast %swap3A_286 : i32 to index
    %swap3A_288 = arith.constant 96 : index
    %swap3A_289 = tpu.vector_load %arg8[%swap3A_287, %swap3A_288] {strides = array<i32>} : memref<8x128xi32, #tpu.memory_space<vmem>>, vector<16xi32>,
    tpu.vector_store %arg8[%swap3A_287, %swap3A_288], %add3A_285 {strides = array<i32>} : memref<8x128xi32, #tpu.memory_space<vmem>>, vector<16xi32>,
    %get3A_290 = arith.constant 368 : index
    %get3A_291 = tpu.vector_load %arg5[%get3A_290] {strides = array<i32>} : memref<1024xi32, #tpu.memory_space<vmem>>, vector<16xi32>,
    %get3A_292 = arith.constant 368 : index
    %get3A_293 = tpu.vector_load %arg6[%get3A_292] {strides = array<i32>} : memref<1024xi32, #tpu.memory_space<vmem>>, vector<16xi32>,
    %mul3A_294 = arith.constant 512 : i32
    %mul3A_295 = vector.broadcast %mul3A_294 : i32 to vector<16xi32>
    %mul3A_296 = arith.muli %get3A_291, %mul3A_295 : vector<16xi32>
    %add3A_297 = arith.addi %mul3A_296, %get3A_293 : vector<16xi32>
    %swap3A_298 = arith.constant 2 : i32
    %swap3A_299 = arith.index_cast %swap3A_298 : i32 to index
    %swap3A_300 = arith.constant 112 : index
    %swap3A_301 = tpu.vector_load %arg8[%swap3A_299, %swap3A_300] {strides = array<i32>} : memref<8x128xi32, #tpu.memory_space<vmem>>, vector<16xi32>,
    tpu.vector_store %arg8[%swap3A_299, %swap3A_300], %add3A_297 {strides = array<i32>} : memref<8x128xi32, #tpu.memory_space<vmem>>, vector<16xi32>,
    %get3A_302 = arith.constant 384 : index
    %get3A_303 = tpu.vector_load %arg5[%get3A_302] {strides = array<i32>} : memref<1024xi32, #tpu.memory_space<vmem>>, vector<16xi32>,
    %get3A_304 = arith.constant 384 : index
    %get3A_305 = tpu.vector_load %arg6[%get3A_304] {strides = array<i32>} : memref<1024xi32, #tpu.memory_space<vmem>>, vector<16xi32>,
    %mul3A_306 = arith.constant 512 : i32
    %mul3A_307 = vector.broadcast %mul3A_306 : i32 to vector<16xi32>
    %mul3A_308 = arith.muli %get3A_303, %mul3A_307 : vector<16xi32>
    %add3A_309 = arith.addi %mul3A_308, %get3A_305 : vector<16xi32>
    %swap3A_310 = arith.constant 3 : i32
    %swap3A_311 = arith.index_cast %swap3A_310 : i32 to index
    %swap3A_312 = arith.constant 0 : index
    %swap3A_313 = tpu.vector_load %arg8[%swap3A_311, %swap3A_312] {strides = array<i32>} : memref<8x128xi32, #tpu.memory_space<vmem>>, vector<16xi32>,
    tpu.vector_store %arg8[%swap3A_311, %swap3A_312], %add3A_309 {strides = array<i32>} : memref<8x128xi32, #tpu.memory_space<vmem>>, vector<16xi32>,
    %get3A_314 = arith.constant 400 : index
    %get3A_315 = tpu.vector_load %arg5[%get3A_314] {strides = array<i32>} : memref<1024xi32, #tpu.memory_space<vmem>>, vector<16xi32>,
    %get3A_316 = arith.constant 400 : index
    %get3A_317 = tpu.vector_load %arg6[%get3A_316] {strides = array<i32>} : memref<1024xi32, #tpu.memory_space<vmem>>, vector<16xi32>,
    %mul3A_318 = arith.constant 512 : i32
    %mul3A_319 = vector.broadcast %mul3A_318 : i32 to vector<16xi32>
    %mul3A_320 = arith.muli %get3A_315, %mul3A_319 : vector<16xi32>
    %add3A_321 = arith.addi %mul3A_320, %get3A_317 : vector<16xi32>
    %swap3A_322 = arith.constant 3 : i32
    %swap3A_323 = arith.index_cast %swap3A_322 : i32 to index
    %swap3A_324 = arith.constant 16 : index
    %swap3A_325 = tpu.vector_load %arg8[%swap3A_323, %swap3A_324] {strides = array<i32>} : memref<8x128xi32, #tpu.memory_space<vmem>>, vector<16xi32>,
    tpu.vector_store %arg8[%swap3A_323, %swap3A_324], %add3A_321 {strides = array<i32>} : memref<8x128xi32, #tpu.memory_space<vmem>>, vector<16xi32>,
    %get3A_326 = arith.constant 416 : index
    %get3A_327 = tpu.vector_load %arg5[%get3A_326] {strides = array<i32>} : memref<1024xi32, #tpu.memory_space<vmem>>, vector<16xi32>,
    %get3A_328 = arith.constant 416 : index
    %get3A_329 = tpu.vector_load %arg6[%get3A_328] {strides = array<i32>} : memref<1024xi32, #tpu.memory_space<vmem>>, vector<16xi32>,
    %mul3A_330 = arith.constant 512 : i32
    %mul3A_331 = vector.broadcast %mul3A_330 : i32 to vector<16xi32>
    %mul3A_332 = arith.muli %get3A_327, %mul3A_331 : vector<16xi32>
    %add3A_333 = arith.addi %mul3A_332, %get3A_329 : vector<16xi32>
    %swap3A_334 = arith.constant 3 : i32
    %swap3A_335 = arith.index_cast %swap3A_334 : i32 to index
    %swap3A_336 = arith.constant 32 : index
    %swap3A_337 = tpu.vector_load %arg8[%swap3A_335, %swap3A_336] {strides = array<i32>} : memref<8x128xi32, #tpu.memory_space<vmem>>, vector<16xi32>,
    tpu.vector_store %arg8[%swap3A_335, %swap3A_336], %add3A_333 {strides = array<i32>} : memref<8x128xi32, #tpu.memory_space<vmem>>, vector<16xi32>,
    %get3A_338 = arith.constant 432 : index
    %get3A_339 = tpu.vector_load %arg5[%get3A_338] {strides = array<i32>} : memref<1024xi32, #tpu.memory_space<vmem>>, vector<16xi32>,
    %get3A_340 = arith.constant 432 : index
    %get3A_341 = tpu.vector_load %arg6[%get3A_340] {strides = array<i32>} : memref<1024xi32, #tpu.memory_space<vmem>>, vector<16xi32>,
    %mul3A_342 = arith.constant 512 : i32
    %mul3A_343 = vector.broadcast %mul3A_342 : i32 to vector<16xi32>
    %mul3A_344 = arith.muli %get3A_339, %mul3A_343 : vector<16xi32>
    %add3A_345 = arith.addi %mul3A_344, %get3A_341 : vector<16xi32>
    %swap3A_346 = arith.constant 3 : i32
    %swap3A_347 = arith.index_cast %swap3A_346 : i32 to index
    %swap3A_348 = arith.constant 48 : index
    %swap3A_349 = tpu.vector_load %arg8[%swap3A_347, %swap3A_348] {strides = array<i32>} : memref<8x128xi32, #tpu.memory_space<vmem>>, vector<16xi32>,
    tpu.vector_store %arg8[%swap3A_347, %swap3A_348], %add3A_345 {strides = array<i32>} : memref<8x128xi32, #tpu.memory_space<vmem>>, vector<16xi32>,
    %get3A_350 = arith.constant 448 : index
    %get3A_351 = tpu.vector_load %arg5[%get3A_350] {strides = array<i32>} : memref<1024xi32, #tpu.memory_space<vmem>>, vector<16xi32>,
    %get3A_352 = arith.constant 448 : index
    %get3A_353 = tpu.vector_load %arg6[%get3A_352] {strides = array<i32>} : memref<1024xi32, #tpu.memory_space<vmem>>, vector<16xi32>,
    %mul3A_354 = arith.constant 512 : i32
    %mul3A_355 = vector.broadcast %mul3A_354 : i32 to vector<16xi32>
    %mul3A_356 = arith.muli %get3A_351, %mul3A_355 : vector<16xi32>
    %add3A_357 = arith.addi %mul3A_356, %get3A_353 : vector<16xi32>
    %swap3A_358 = arith.constant 3 : i32
    %swap3A_359 = arith.index_cast %swap3A_358 : i32 to index
    %swap3A_360 = arith.constant 64 : index
    %swap3A_361 = tpu.vector_load %arg8[%swap3A_359, %swap3A_360] {strides = array<i32>} : memref<8x128xi32, #tpu.memory_space<vmem>>, vector<16xi32>,
    tpu.vector_store %arg8[%swap3A_359, %swap3A_360], %add3A_357 {strides = array<i32>} : memref<8x128xi32, #tpu.memory_space<vmem>>, vector<16xi32>,
    %get3A_362 = arith.constant 464 : index
    %get3A_363 = tpu.vector_load %arg5[%get3A_362] {strides = array<i32>} : memref<1024xi32, #tpu.memory_space<vmem>>, vector<16xi32>,
    %get3A_364 = arith.constant 464 : index
    %get3A_365 = tpu.vector_load %arg6[%get3A_364] {strides = array<i32>} : memref<1024xi32, #tpu.memory_space<vmem>>, vector<16xi32>,
    %mul3A_366 = arith.constant 512 : i32
    %mul3A_367 = vector.broadcast %mul3A_366 : i32 to vector<16xi32>
    %mul3A_368 = arith.muli %get3A_363, %mul3A_367 : vector<16xi32>
    %add3A_369 = arith.addi %mul3A_368, %get3A_365 : vector<16xi32>
    %swap3A_370 = arith.constant 3 : i32
    %swap3A_371 = arith.index_cast %swap3A_370 : i32 to index
    %swap3A_372 = arith.constant 80 : index
    %swap3A_373 = tpu.vector_load %arg8[%swap3A_371, %swap3A_372] {strides = array<i32>} : memref<8x128xi32, #tpu.memory_space<vmem>>, vector<16xi32>,
    tpu.vector_store %arg8[%swap3A_371, %swap3A_372], %add3A_369 {strides = array<i32>} : memref<8x128xi32, #tpu.memory_space<vmem>>, vector<16xi32>,
    %get3A_374 = arith.constant 480 : index
    %get3A_375 = tpu.vector_load %arg5[%get3A_374] {strides = array<i32>} : memref<1024xi32, #tpu.memory_space<vmem>>, vector<16xi32>,
    %get3A_376 = arith.constant 480 : index
    %get3A_377 = tpu.vector_load %arg6[%get3A_376] {strides = array<i32>} : memref<1024xi32, #tpu.memory_space<vmem>>, vector<16xi32>,
    %mul3A_378 = arith.constant 512 : i32
    %mul3A_379 = vector.broadcast %mul3A_378 : i32 to vector<16xi32>
    %mul3A_380 = arith.muli %get3A_375, %mul3A_379 : vector<16xi32>
    %add3A_381 = arith.addi %mul3A_380, %get3A_377 : vector<16xi32>
    %swap3A_382 = arith.constant 3 : i32
    %swap3A_383 = arith.index_cast %swap3A_382 : i32 to index
    %swap3A_384 = arith.constant 96 : index
    %swap3A_385 = tpu.vector_load %arg8[%swap3A_383, %swap3A_384] {strides = array<i32>} : memref<8x128xi32, #tpu.memory_space<vmem>>, vector<16xi32>,
    tpu.vector_store %arg8[%swap3A_383, %swap3A_384], %add3A_381 {strides = array<i32>} : memref<8x128xi32, #tpu.memory_space<vmem>>, vector<16xi32>,
    %get3A_386 = arith.constant 496 : index
    %get3A_387 = tpu.vector_load %arg5[%get3A_386] {strides = array<i32>} : memref<1024xi32, #tpu.memory_space<vmem>>, vector<16xi32>,
    %get3A_388 = arith.constant 496 : index
    %get3A_389 = tpu.vector_load %arg6[%get3A_388] {strides = array<i32>} : memref<1024xi32, #tpu.memory_space<vmem>>, vector<16xi32>,
    %mul3A_390 = arith.constant 512 : i32
    %mul3A_391 = vector.broadcast %mul3A_390 : i32 to vector<16xi32>
    %mul3A_392 = arith.muli %get3A_387, %mul3A_391 : vector<16xi32>
    %add3A_393 = arith.addi %mul3A_392, %get3A_389 : vector<16xi32>
    %swap3A_394 = arith.constant 3 : i32
    %swap3A_395 = arith.index_cast %swap3A_394 : i32 to index
    %swap3A_396 = arith.constant 112 : index
    %swap3A_397 = tpu.vector_load %arg8[%swap3A_395, %swap3A_396] {strides = array<i32>} : memref<8x128xi32, #tpu.memory_space<vmem>>, vector<16xi32>,
    tpu.vector_store %arg8[%swap3A_395, %swap3A_396], %add3A_393 {strides = array<i32>} : memref<8x128xi32, #tpu.memory_space<vmem>>, vector<16xi32>,
    %get3A_398 = arith.constant 512 : index
    %get3A_399 = tpu.vector_load %arg5[%get3A_398] {strides = array<i32>} : memref<1024xi32, #tpu.memory_space<vmem>>, vector<16xi32>,
    %get3A_400 = arith.constant 512 : index
    %get3A_401 = tpu.vector_load %arg6[%get3A_400] {strides = array<i32>} : memref<1024xi32, #tpu.memory_space<vmem>>, vector<16xi32>,
    %mul3A_402 = arith.constant 512 : i32
    %mul3A_403 = vector.broadcast %mul3A_402 : i32 to vector<16xi32>
    %mul3A_404 = arith.muli %get3A_399, %mul3A_403 : vector<16xi32>
    %add3A_405 = arith.addi %mul3A_404, %get3A_401 : vector<16xi32>
    %swap3A_406 = arith.constant 4 : i32
    %swap3A_407 = arith.index_cast %swap3A_406 : i32 to index
    %swap3A_408 = arith.constant 0 : index
    %swap3A_409 = tpu.vector_load %arg8[%swap3A_407, %swap3A_408] {strides = array<i32>} : memref<8x128xi32, #tpu.memory_space<vmem>>, vector<16xi32>,
    tpu.vector_store %arg8[%swap3A_407, %swap3A_408], %add3A_405 {strides = array<i32>} : memref<8x128xi32, #tpu.memory_space<vmem>>, vector<16xi32>,
    %get3A_410 = arith.constant 528 : index
    %get3A_411 = tpu.vector_load %arg5[%get3A_410] {strides = array<i32>} : memref<1024xi32, #tpu.memory_space<vmem>>, vector<16xi32>,
    %get3A_412 = arith.constant 528 : index
    %get3A_413 = tpu.vector_load %arg6[%get3A_412] {strides = array<i32>} : memref<1024xi32, #tpu.memory_space<vmem>>, vector<16xi32>,
    %mul3A_414 = arith.constant 512 : i32
    %mul3A_415 = vector.broadcast %mul3A_414 : i32 to vector<16xi32>
    %mul3A_416 = arith.muli %get3A_411, %mul3A_415 : vector<16xi32>
    %add3A_417 = arith.addi %mul3A_416, %get3A_413 : vector<16xi32>
    %swap3A_418 = arith.constant 4 : i32
    %swap3A_419 = arith.index_cast %swap3A_418 : i32 to index
    %swap3A_420 = arith.constant 16 : index
    %swap3A_421 = tpu.vector_load %arg8[%swap3A_419, %swap3A_420] {strides = array<i32>} : memref<8x128xi32, #tpu.memory_space<vmem>>, vector<16xi32>,
    tpu.vector_store %arg8[%swap3A_419, %swap3A_420], %add3A_417 {strides = array<i32>} : memref<8x128xi32, #tpu.memory_space<vmem>>, vector<16xi32>,
    %get3A_422 = arith.constant 544 : index
    %get3A_423 = tpu.vector_load %arg5[%get3A_422] {strides = array<i32>} : memref<1024xi32, #tpu.memory_space<vmem>>, vector<16xi32>,
    %get3A_424 = arith.constant 544 : index
    %get3A_425 = tpu.vector_load %arg6[%get3A_424] {strides = array<i32>} : memref<1024xi32, #tpu.memory_space<vmem>>, vector<16xi32>,
    %mul3A_426 = arith.constant 512 : i32
    %mul3A_427 = vector.broadcast %mul3A_426 : i32 to vector<16xi32>
    %mul3A_428 = arith.muli %get3A_423, %mul3A_427 : vector<16xi32>
    %add3A_429 = arith.addi %mul3A_428, %get3A_425 : vector<16xi32>
    %swap3A_430 = arith.constant 4 : i32
    %swap3A_431 = arith.index_cast %swap3A_430 : i32 to index
    %swap3A_432 = arith.constant 32 : index
    %swap3A_433 = tpu.vector_load %arg8[%swap3A_431, %swap3A_432] {strides = array<i32>} : memref<8x128xi32, #tpu.memory_space<vmem>>, vector<16xi32>,
    tpu.vector_store %arg8[%swap3A_431, %swap3A_432], %add3A_429 {strides = array<i32>} : memref<8x128xi32, #tpu.memory_space<vmem>>, vector<16xi32>,
    %get3A_434 = arith.constant 560 : index
    %get3A_435 = tpu.vector_load %arg5[%get3A_434] {strides = array<i32>} : memref<1024xi32, #tpu.memory_space<vmem>>, vector<16xi32>,
    %get3A_436 = arith.constant 560 : index
    %get3A_437 = tpu.vector_load %arg6[%get3A_436] {strides = array<i32>} : memref<1024xi32, #tpu.memory_space<vmem>>, vector<16xi32>,
    %mul3A_438 = arith.constant 512 : i32
    %mul3A_439 = vector.broadcast %mul3A_438 : i32 to vector<16xi32>
    %mul3A_440 = arith.muli %get3A_435, %mul3A_439 : vector<16xi32>
    %add3A_441 = arith.addi %mul3A_440, %get3A_437 : vector<16xi32>
    %swap3A_442 = arith.constant 4 : i32
    %swap3A_443 = arith.index_cast %swap3A_442 : i32 to index
    %swap3A_444 = arith.constant 48 : index
    %swap3A_445 = tpu.vector_load %arg8[%swap3A_443, %swap3A_444] {strides = array<i32>} : memref<8x128xi32, #tpu.memory_space<vmem>>, vector<16xi32>,
    tpu.vector_store %arg8[%swap3A_443, %swap3A_444], %add3A_441 {strides = array<i32>} : memref<8x128xi32, #tpu.memory_space<vmem>>, vector<16xi32>,
    %get3A_446 = arith.constant 576 : index
    %get3A_447 = tpu.vector_load %arg5[%get3A_446] {strides = array<i32>} : memref<1024xi32, #tpu.memory_space<vmem>>, vector<16xi32>,
    %get3A_448 = arith.constant 576 : index
    %get3A_449 = tpu.vector_load %arg6[%get3A_448] {strides = array<i32>} : memref<1024xi32, #tpu.memory_space<vmem>>, vector<16xi32>,
    %mul3A_450 = arith.constant 512 : i32
    %mul3A_451 = vector.broadcast %mul3A_450 : i32 to vector<16xi32>
    %mul3A_452 = arith.muli %get3A_447, %mul3A_451 : vector<16xi32>
    %add3A_453 = arith.addi %mul3A_452, %get3A_449 : vector<16xi32>
    %swap3A_454 = arith.constant 4 : i32
    %swap3A_455 = arith.index_cast %swap3A_454 : i32 to index
    %swap3A_456 = arith.constant 64 : index
    %swap3A_457 = tpu.vector_load %arg8[%swap3A_455, %swap3A_456] {strides = array<i32>} : memref<8x128xi32, #tpu.memory_space<vmem>>, vector<16xi32>,
    tpu.vector_store %arg8[%swap3A_455, %swap3A_456], %add3A_453 {strides = array<i32>} : memref<8x128xi32, #tpu.memory_space<vmem>>, vector<16xi32>,
    %get3A_458 = arith.constant 592 : index
    %get3A_459 = tpu.vector_load %arg5[%get3A_458] {strides = array<i32>} : memref<1024xi32, #tpu.memory_space<vmem>>, vector<16xi32>,
    %get3A_460 = arith.constant 592 : index
    %get3A_461 = tpu.vector_load %arg6[%get3A_460] {strides = array<i32>} : memref<1024xi32, #tpu.memory_space<vmem>>, vector<16xi32>,
    %mul3A_462 = arith.constant 512 : i32
    %mul3A_463 = vector.broadcast %mul3A_462 : i32 to vector<16xi32>
    %mul3A_464 = arith.muli %get3A_459, %mul3A_463 : vector<16xi32>
    %add3A_465 = arith.addi %mul3A_464, %get3A_461 : vector<16xi32>
    %swap3A_466 = arith.constant 4 : i32
    %swap3A_467 = arith.index_cast %swap3A_466 : i32 to index
    %swap3A_468 = arith.constant 80 : index
    %swap3A_469 = tpu.vector_load %arg8[%swap3A_467, %swap3A_468] {strides = array<i32>} : memref<8x128xi32, #tpu.memory_space<vmem>>, vector<16xi32>,
    tpu.vector_store %arg8[%swap3A_467, %swap3A_468], %add3A_465 {strides = array<i32>} : memref<8x128xi32, #tpu.memory_space<vmem>>, vector<16xi32>,
    %get3A_470 = arith.constant 608 : index
    %get3A_471 = tpu.vector_load %arg5[%get3A_470] {strides = array<i32>} : memref<1024xi32, #tpu.memory_space<vmem>>, vector<16xi32>,
    %get3A_472 = arith.constant 608 : index
    %get3A_473 = tpu.vector_load %arg6[%get3A_472] {strides = array<i32>} : memref<1024xi32, #tpu.memory_space<vmem>>, vector<16xi32>,
    %mul3A_474 = arith.constant 512 : i32
    %mul3A_475 = vector.broadcast %mul3A_474 : i32 to vector<16xi32>
    %mul3A_476 = arith.muli %get3A_471, %mul3A_475 : vector<16xi32>
    %add3A_477 = arith.addi %mul3A_476, %get3A_473 : vector<16xi32>
    %swap3A_478 = arith.constant 4 : i32
    %swap3A_479 = arith.index_cast %swap3A_478 : i32 to index
    %swap3A_480 = arith.constant 96 : index
    %swap3A_481 = tpu.vector_load %arg8[%swap3A_479, %swap3A_480] {strides = array<i32>} : memref<8x128xi32, #tpu.memory_space<vmem>>, vector<16xi32>,
    tpu.vector_store %arg8[%swap3A_479, %swap3A_480], %add3A_477 {strides = array<i32>} : memref<8x128xi32, #tpu.memory_space<vmem>>, vector<16xi32>,
    %get3A_482 = arith.constant 624 : index
    %get3A_483 = tpu.vector_load %arg5[%get3A_482] {strides = array<i32>} : memref<1024xi32, #tpu.memory_space<vmem>>, vector<16xi32>,
    %get3A_484 = arith.constant 624 : index
    %get3A_485 = tpu.vector_load %arg6[%get3A_484] {strides = array<i32>} : memref<1024xi32, #tpu.memory_space<vmem>>, vector<16xi32>,
    %mul3A_486 = arith.constant 512 : i32
    %mul3A_487 = vector.broadcast %mul3A_486 : i32 to vector<16xi32>
    %mul3A_488 = arith.muli %get3A_483, %mul3A_487 : vector<16xi32>
    %add3A_489 = arith.addi %mul3A_488, %get3A_485 : vector<16xi32>
    %swap3A_490 = arith.constant 4 : i32
    %swap3A_491 = arith.index_cast %swap3A_490 : i32 to index
    %swap3A_492 = arith.constant 112 : index
    %swap3A_493 = tpu.vector_load %arg8[%swap3A_491, %swap3A_492] {strides = array<i32>} : memref<8x128xi32, #tpu.memory_space<vmem>>, vector<16xi32>,
    tpu.vector_store %arg8[%swap3A_491, %swap3A_492], %add3A_489 {strides = array<i32>} : memref<8x128xi32, #tpu.memory_space<vmem>>, vector<16xi32>,
    %get3A_494 = arith.constant 640 : index
    %get3A_495 = tpu.vector_load %arg5[%get3A_494] {strides = array<i32>} : memref<1024xi32, #tpu.memory_space<vmem>>, vector<16xi32>,
    %get3A_496 = arith.constant 640 : index
    %get3A_497 = tpu.vector_load %arg6[%get3A_496] {strides = array<i32>} : memref<1024xi32, #tpu.memory_space<vmem>>, vector<16xi32>,
    %mul3A_498 = arith.constant 512 : i32
    %mul3A_499 = vector.broadcast %mul3A_498 : i32 to vector<16xi32>
    %mul3A_500 = arith.muli %get3A_495, %mul3A_499 : vector<16xi32>
    %add3A_501 = arith.addi %mul3A_500, %get3A_497 : vector<16xi32>
    %swap3A_502 = arith.constant 5 : i32
    %swap3A_503 = arith.index_cast %swap3A_502 : i32 to index
    %swap3A_504 = arith.constant 0 : index
    %swap3A_505 = tpu.vector_load %arg8[%swap3A_503, %swap3A_504] {strides = array<i32>} : memref<8x128xi32, #tpu.memory_space<vmem>>, vector<16xi32>,
    tpu.vector_store %arg8[%swap3A_503, %swap3A_504], %add3A_501 {strides = array<i32>} : memref<8x128xi32, #tpu.memory_space<vmem>>, vector<16xi32>,
    %get3A_506 = arith.constant 656 : index
    %get3A_507 = tpu.vector_load %arg5[%get3A_506] {strides = array<i32>} : memref<1024xi32, #tpu.memory_space<vmem>>, vector<16xi32>,
    %get3A_508 = arith.constant 656 : index
    %get3A_509 = tpu.vector_load %arg6[%get3A_508] {strides = array<i32>} : memref<1024xi32, #tpu.memory_space<vmem>>, vector<16xi32>,
    %mul3A_510 = arith.constant 512 : i32
    %mul3A_511 = vector.broadcast %mul3A_510 : i32 to vector<16xi32>
    %mul3A_512 = arith.muli %get3A_507, %mul3A_511 : vector<16xi32>
    %add3A_513 = arith.addi %mul3A_512, %get3A_509 : vector<16xi32>
    %swap3A_514 = arith.constant 5 : i32
    %swap3A_515 = arith.index_cast %swap3A_514 : i32 to index
    %swap3A_516 = arith.constant 16 : index
    %swap3A_517 = tpu.vector_load %arg8[%swap3A_515, %swap3A_516] {strides = array<i32>} : memref<8x128xi32, #tpu.memory_space<vmem>>, vector<16xi32>,
    tpu.vector_store %arg8[%swap3A_515, %swap3A_516], %add3A_513 {strides = array<i32>} : memref<8x128xi32, #tpu.memory_space<vmem>>, vector<16xi32>,
    %get3A_518 = arith.constant 672 : index
    %get3A_519 = tpu.vector_load %arg5[%get3A_518] {strides = array<i32>} : memref<1024xi32, #tpu.memory_space<vmem>>, vector<16xi32>,
    %get3A_520 = arith.constant 672 : index
    %get3A_521 = tpu.vector_load %arg6[%get3A_520] {strides = array<i32>} : memref<1024xi32, #tpu.memory_space<vmem>>, vector<16xi32>,
    %mul3A_522 = arith.constant 512 : i32
    %mul3A_523 = vector.broadcast %mul3A_522 : i32 to vector<16xi32>
    %mul3A_524 = arith.muli %get3A_519, %mul3A_523 : vector<16xi32>
    %add3A_525 = arith.addi %mul3A_524, %get3A_521 : vector<16xi32>
    %swap3A_526 = arith.constant 5 : i32
    %swap3A_527 = arith.index_cast %swap3A_526 : i32 to index
    %swap3A_528 = arith.constant 32 : index
    %swap3A_529 = tpu.vector_load %arg8[%swap3A_527, %swap3A_528] {strides = array<i32>} : memref<8x128xi32, #tpu.memory_space<vmem>>, vector<16xi32>,
    tpu.vector_store %arg8[%swap3A_527, %swap3A_528], %add3A_525 {strides = array<i32>} : memref<8x128xi32, #tpu.memory_space<vmem>>, vector<16xi32>,
    %get3A_530 = arith.constant 688 : index
    %get3A_531 = tpu.vector_load %arg5[%get3A_530] {strides = array<i32>} : memref<1024xi32, #tpu.memory_space<vmem>>, vector<16xi32>,
    %get3A_532 = arith.constant 688 : index
    %get3A_533 = tpu.vector_load %arg6[%get3A_532] {strides = array<i32>} : memref<1024xi32, #tpu.memory_space<vmem>>, vector<16xi32>,
    %mul3A_534 = arith.constant 512 : i32
    %mul3A_535 = vector.broadcast %mul3A_534 : i32 to vector<16xi32>
    %mul3A_536 = arith.muli %get3A_531, %mul3A_535 : vector<16xi32>
    %add3A_537 = arith.addi %mul3A_536, %get3A_533 : vector<16xi32>
    %swap3A_538 = arith.constant 5 : i32
    %swap3A_539 = arith.index_cast %swap3A_538 : i32 to index
    %swap3A_540 = arith.constant 48 : index
    %swap3A_541 = tpu.vector_load %arg8[%swap3A_539, %swap3A_540] {strides = array<i32>} : memref<8x128xi32, #tpu.memory_space<vmem>>, vector<16xi32>,
    tpu.vector_store %arg8[%swap3A_539, %swap3A_540], %add3A_537 {strides = array<i32>} : memref<8x128xi32, #tpu.memory_space<vmem>>, vector<16xi32>,
    %get3A_542 = arith.constant 704 : index
    %get3A_543 = tpu.vector_load %arg5[%get3A_542] {strides = array<i32>} : memref<1024xi32, #tpu.memory_space<vmem>>, vector<16xi32>,
    %get3A_544 = arith.constant 704 : index
    %get3A_545 = tpu.vector_load %arg6[%get3A_544] {strides = array<i32>} : memref<1024xi32, #tpu.memory_space<vmem>>, vector<16xi32>,
    %mul3A_546 = arith.constant 512 : i32
    %mul3A_547 = vector.broadcast %mul3A_546 : i32 to vector<16xi32>
    %mul3A_548 = arith.muli %get3A_543, %mul3A_547 : vector<16xi32>
    %add3A_549 = arith.addi %mul3A_548, %get3A_545 : vector<16xi32>
    %swap3A_550 = arith.constant 5 : i32
    %swap3A_551 = arith.index_cast %swap3A_550 : i32 to index
    %swap3A_552 = arith.constant 64 : index
    %swap3A_553 = tpu.vector_load %arg8[%swap3A_551, %swap3A_552] {strides = array<i32>} : memref<8x128xi32, #tpu.memory_space<vmem>>, vector<16xi32>,
    tpu.vector_store %arg8[%swap3A_551, %swap3A_552], %add3A_549 {strides = array<i32>} : memref<8x128xi32, #tpu.memory_space<vmem>>, vector<16xi32>,
    %get3A_554 = arith.constant 720 : index
    %get3A_555 = tpu.vector_load %arg5[%get3A_554] {strides = array<i32>} : memref<1024xi32, #tpu.memory_space<vmem>>, vector<16xi32>,
    %get3A_556 = arith.constant 720 : index
    %get3A_557 = tpu.vector_load %arg6[%get3A_556] {strides = array<i32>} : memref<1024xi32, #tpu.memory_space<vmem>>, vector<16xi32>,
    %mul3A_558 = arith.constant 512 : i32
    %mul3A_559 = vector.broadcast %mul3A_558 : i32 to vector<16xi32>
    %mul3A_560 = arith.muli %get3A_555, %mul3A_559 : vector<16xi32>
    %add3A_561 = arith.addi %mul3A_560, %get3A_557 : vector<16xi32>
    %swap3A_562 = arith.constant 5 : i32
    %swap3A_563 = arith.index_cast %swap3A_562 : i32 to index
    %swap3A_564 = arith.constant 80 : index
    %swap3A_565 = tpu.vector_load %arg8[%swap3A_563, %swap3A_564] {strides = array<i32>} : memref<8x128xi32, #tpu.memory_space<vmem>>, vector<16xi32>,
    tpu.vector_store %arg8[%swap3A_563, %swap3A_564], %add3A_561 {strides = array<i32>} : memref<8x128xi32, #tpu.memory_space<vmem>>, vector<16xi32>,
    %get3A_566 = arith.constant 736 : index
    %get3A_567 = tpu.vector_load %arg5[%get3A_566] {strides = array<i32>} : memref<1024xi32, #tpu.memory_space<vmem>>, vector<16xi32>,
    %get3A_568 = arith.constant 736 : index
    %get3A_569 = tpu.vector_load %arg6[%get3A_568] {strides = array<i32>} : memref<1024xi32, #tpu.memory_space<vmem>>, vector<16xi32>,
    %mul3A_570 = arith.constant 512 : i32
    %mul3A_571 = vector.broadcast %mul3A_570 : i32 to vector<16xi32>
    %mul3A_572 = arith.muli %get3A_567, %mul3A_571 : vector<16xi32>
    %add3A_573 = arith.addi %mul3A_572, %get3A_569 : vector<16xi32>
    %swap3A_574 = arith.constant 5 : i32
    %swap3A_575 = arith.index_cast %swap3A_574 : i32 to index
    %swap3A_576 = arith.constant 96 : index
    %swap3A_577 = tpu.vector_load %arg8[%swap3A_575, %swap3A_576] {strides = array<i32>} : memref<8x128xi32, #tpu.memory_space<vmem>>, vector<16xi32>,
    tpu.vector_store %arg8[%swap3A_575, %swap3A_576], %add3A_573 {strides = array<i32>} : memref<8x128xi32, #tpu.memory_space<vmem>>, vector<16xi32>,
    %get3A_578 = arith.constant 752 : index
    %get3A_579 = tpu.vector_load %arg5[%get3A_578] {strides = array<i32>} : memref<1024xi32, #tpu.memory_space<vmem>>, vector<16xi32>,
    %get3A_580 = arith.constant 752 : index
    %get3A_581 = tpu.vector_load %arg6[%get3A_580] {strides = array<i32>} : memref<1024xi32, #tpu.memory_space<vmem>>, vector<16xi32>,
    %mul3A_582 = arith.constant 512 : i32
    %mul3A_583 = vector.broadcast %mul3A_582 : i32 to vector<16xi32>
    %mul3A_584 = arith.muli %get3A_579, %mul3A_583 : vector<16xi32>
    %add3A_585 = arith.addi %mul3A_584, %get3A_581 : vector<16xi32>
    %swap3A_586 = arith.constant 5 : i32
    %swap3A_587 = arith.index_cast %swap3A_586 : i32 to index
    %swap3A_588 = arith.constant 112 : index
    %swap3A_589 = tpu.vector_load %arg8[%swap3A_587, %swap3A_588] {strides = array<i32>} : memref<8x128xi32, #tpu.memory_space<vmem>>, vector<16xi32>,
    tpu.vector_store %arg8[%swap3A_587, %swap3A_588], %add3A_585 {strides = array<i32>} : memref<8x128xi32, #tpu.memory_space<vmem>>, vector<16xi32>,
    %get3A_590 = arith.constant 768 : index
    %get3A_591 = tpu.vector_load %arg5[%get3A_590] {strides = array<i32>} : memref<1024xi32, #tpu.memory_space<vmem>>, vector<16xi32>,
    %get3A_592 = arith.constant 768 : index
    %get3A_593 = tpu.vector_load %arg6[%get3A_592] {strides = array<i32>} : memref<1024xi32, #tpu.memory_space<vmem>>, vector<16xi32>,
    %mul3A_594 = arith.constant 512 : i32
    %mul3A_595 = vector.broadcast %mul3A_594 : i32 to vector<16xi32>
    %mul3A_596 = arith.muli %get3A_591, %mul3A_595 : vector<16xi32>
    %add3A_597 = arith.addi %mul3A_596, %get3A_593 : vector<16xi32>
    %swap3A_598 = arith.constant 6 : i32
    %swap3A_599 = arith.index_cast %swap3A_598 : i32 to index
    %swap3A_600 = arith.constant 0 : index
    %swap3A_601 = tpu.vector_load %arg8[%swap3A_599, %swap3A_600] {strides = array<i32>} : memref<8x128xi32, #tpu.memory_space<vmem>>, vector<16xi32>,
    tpu.vector_store %arg8[%swap3A_599, %swap3A_600], %add3A_597 {strides = array<i32>} : memref<8x128xi32, #tpu.memory_space<vmem>>, vector<16xi32>,
    %get3A_602 = arith.constant 784 : index
    %get3A_603 = tpu.vector_load %arg5[%get3A_602] {strides = array<i32>} : memref<1024xi32, #tpu.memory_space<vmem>>, vector<16xi32>,
    %get3A_604 = arith.constant 784 : index
    %get3A_605 = tpu.vector_load %arg6[%get3A_604] {strides = array<i32>} : memref<1024xi32, #tpu.memory_space<vmem>>, vector<16xi32>,
    %mul3A_606 = arith.constant 512 : i32
    %mul3A_607 = vector.broadcast %mul3A_606 : i32 to vector<16xi32>
    %mul3A_608 = arith.muli %get3A_603, %mul3A_607 : vector<16xi32>
    %add3A_609 = arith.addi %mul3A_608, %get3A_605 : vector<16xi32>
    %swap3A_610 = arith.constant 6 : i32
    %swap3A_611 = arith.index_cast %swap3A_610 : i32 to index
    %swap3A_612 = arith.constant 16 : index
    %swap3A_613 = tpu.vector_load %arg8[%swap3A_611, %swap3A_612] {strides = array<i32>} : memref<8x128xi32, #tpu.memory_space<vmem>>, vector<16xi32>,
    tpu.vector_store %arg8[%swap3A_611, %swap3A_612], %add3A_609 {strides = array<i32>} : memref<8x128xi32, #tpu.memory_space<vmem>>, vector<16xi32>,
    %get3A_614 = arith.constant 800 : index
    %get3A_615 = tpu.vector_load %arg5[%get3A_614] {strides = array<i32>} : memref<1024xi32, #tpu.memory_space<vmem>>, vector<16xi32>,
    %get3A_616 = arith.constant 800 : index
    %get3A_617 = tpu.vector_load %arg6[%get3A_616] {strides = array<i32>} : memref<1024xi32, #tpu.memory_space<vmem>>, vector<16xi32>,
    %mul3A_618 = arith.constant 512 : i32
    %mul3A_619 = vector.broadcast %mul3A_618 : i32 to vector<16xi32>
    %mul3A_620 = arith.muli %get3A_615, %mul3A_619 : vector<16xi32>
    %add3A_621 = arith.addi %mul3A_620, %get3A_617 : vector<16xi32>
    %swap3A_622 = arith.constant 6 : i32
    %swap3A_623 = arith.index_cast %swap3A_622 : i32 to index
    %swap3A_624 = arith.constant 32 : index
    %swap3A_625 = tpu.vector_load %arg8[%swap3A_623, %swap3A_624] {strides = array<i32>} : memref<8x128xi32, #tpu.memory_space<vmem>>, vector<16xi32>,
    tpu.vector_store %arg8[%swap3A_623, %swap3A_624], %add3A_621 {strides = array<i32>} : memref<8x128xi32, #tpu.memory_space<vmem>>, vector<16xi32>,
    %get3A_626 = arith.constant 816 : index
    %get3A_627 = tpu.vector_load %arg5[%get3A_626] {strides = array<i32>} : memref<1024xi32, #tpu.memory_space<vmem>>, vector<16xi32>,
    %get3A_628 = arith.constant 816 : index
    %get3A_629 = tpu.vector_load %arg6[%get3A_628] {strides = array<i32>} : memref<1024xi32, #tpu.memory_space<vmem>>, vector<16xi32>,
    %mul3A_630 = arith.constant 512 : i32
    %mul3A_631 = vector.broadcast %mul3A_630 : i32 to vector<16xi32>
    %mul3A_632 = arith.muli %get3A_627, %mul3A_631 : vector<16xi32>
    %add3A_633 = arith.addi %mul3A_632, %get3A_629 : vector<16xi32>
    %swap3A_634 = arith.constant 6 : i32
    %swap3A_635 = arith.index_cast %swap3A_634 : i32 to index
    %swap3A_636 = arith.constant 48 : index
    %swap3A_637 = tpu.vector_load %arg8[%swap3A_635, %swap3A_636] {strides = array<i32>} : memref<8x128xi32, #tpu.memory_space<vmem>>, vector<16xi32>,
    tpu.vector_store %arg8[%swap3A_635, %swap3A_636], %add3A_633 {strides = array<i32>} : memref<8x128xi32, #tpu.memory_space<vmem>>, vector<16xi32>,
    %get3A_638 = arith.constant 832 : index
    %get3A_639 = tpu.vector_load %arg5[%get3A_638] {strides = array<i32>} : memref<1024xi32, #tpu.memory_space<vmem>>, vector<16xi32>,
    %get3A_640 = arith.constant 832 : index
    %get3A_641 = tpu.vector_load %arg6[%get3A_640] {strides = array<i32>} : memref<1024xi32, #tpu.memory_space<vmem>>, vector<16xi32>,
    %mul3A_642 = arith.constant 512 : i32
    %mul3A_643 = vector.broadcast %mul3A_642 : i32 to vector<16xi32>
    %mul3A_644 = arith.muli %get3A_639, %mul3A_643 : vector<16xi32>
    %add3A_645 = arith.addi %mul3A_644, %get3A_641 : vector<16xi32>
    %swap3A_646 = arith.constant 6 : i32
    %swap3A_647 = arith.index_cast %swap3A_646 : i32 to index
    %swap3A_648 = arith.constant 64 : index
    %swap3A_649 = tpu.vector_load %arg8[%swap3A_647, %swap3A_648] {strides = array<i32>} : memref<8x128xi32, #tpu.memory_space<vmem>>, vector<16xi32>,
    tpu.vector_store %arg8[%swap3A_647, %swap3A_648], %add3A_645 {strides = array<i32>} : memref<8x128xi32, #tpu.memory_space<vmem>>, vector<16xi32>,
    %get3A_650 = arith.constant 848 : index
    %get3A_651 = tpu.vector_load %arg5[%get3A_650] {strides = array<i32>} : memref<1024xi32, #tpu.memory_space<vmem>>, vector<16xi32>,
    %get3A_652 = arith.constant 848 : index
    %get3A_653 = tpu.vector_load %arg6[%get3A_652] {strides = array<i32>} : memref<1024xi32, #tpu.memory_space<vmem>>, vector<16xi32>,
    %mul3A_654 = arith.constant 512 : i32
    %mul3A_655 = vector.broadcast %mul3A_654 : i32 to vector<16xi32>
    %mul3A_656 = arith.muli %get3A_651, %mul3A_655 : vector<16xi32>
    %add3A_657 = arith.addi %mul3A_656, %get3A_653 : vector<16xi32>
    %swap3A_658 = arith.constant 6 : i32
    %swap3A_659 = arith.index_cast %swap3A_658 : i32 to index
    %swap3A_660 = arith.constant 80 : index
    %swap3A_661 = tpu.vector_load %arg8[%swap3A_659, %swap3A_660] {strides = array<i32>} : memref<8x128xi32, #tpu.memory_space<vmem>>, vector<16xi32>,
    tpu.vector_store %arg8[%swap3A_659, %swap3A_660], %add3A_657 {strides = array<i32>} : memref<8x128xi32, #tpu.memory_space<vmem>>, vector<16xi32>,
    %get3A_662 = arith.constant 864 : index
    %get3A_663 = tpu.vector_load %arg5[%get3A_662] {strides = array<i32>} : memref<1024xi32, #tpu.memory_space<vmem>>, vector<16xi32>,
    %get3A_664 = arith.constant 864 : index
    %get3A_665 = tpu.vector_load %arg6[%get3A_664] {strides = array<i32>} : memref<1024xi32, #tpu.memory_space<vmem>>, vector<16xi32>,
    %mul3A_666 = arith.constant 512 : i32
    %mul3A_667 = vector.broadcast %mul3A_666 : i32 to vector<16xi32>
    %mul3A_668 = arith.muli %get3A_663, %mul3A_667 : vector<16xi32>
    %add3A_669 = arith.addi %mul3A_668, %get3A_665 : vector<16xi32>
    %swap3A_670 = arith.constant 6 : i32
    %swap3A_671 = arith.index_cast %swap3A_670 : i32 to index
    %swap3A_672 = arith.constant 96 : index
    %swap3A_673 = tpu.vector_load %arg8[%swap3A_671, %swap3A_672] {strides = array<i32>} : memref<8x128xi32, #tpu.memory_space<vmem>>, vector<16xi32>,
    tpu.vector_store %arg8[%swap3A_671, %swap3A_672], %add3A_669 {strides = array<i32>} : memref<8x128xi32, #tpu.memory_space<vmem>>, vector<16xi32>,
    %get3A_674 = arith.constant 880 : index
    %get3A_675 = tpu.vector_load %arg5[%get3A_674] {strides = array<i32>} : memref<1024xi32, #tpu.memory_space<vmem>>, vector<16xi32>,
    %get3A_676 = arith.constant 880 : index
    %get3A_677 = tpu.vector_load %arg6[%get3A_676] {strides = array<i32>} : memref<1024xi32, #tpu.memory_space<vmem>>, vector<16xi32>,
    %mul3A_678 = arith.constant 512 : i32
    %mul3A_679 = vector.broadcast %mul3A_678 : i32 to vector<16xi32>
    %mul3A_680 = arith.muli %get3A_675, %mul3A_679 : vector<16xi32>
    %add3A_681 = arith.addi %mul3A_680, %get3A_677 : vector<16xi32>
    %swap3A_682 = arith.constant 6 : i32
    %swap3A_683 = arith.index_cast %swap3A_682 : i32 to index
    %swap3A_684 = arith.constant 112 : index
    %swap3A_685 = tpu.vector_load %arg8[%swap3A_683, %swap3A_684] {strides = array<i32>} : memref<8x128xi32, #tpu.memory_space<vmem>>, vector<16xi32>,
    tpu.vector_store %arg8[%swap3A_683, %swap3A_684], %add3A_681 {strides = array<i32>} : memref<8x128xi32, #tpu.memory_space<vmem>>, vector<16xi32>,
    %get3A_686 = arith.constant 896 : index
    %get3A_687 = tpu.vector_load %arg5[%get3A_686] {strides = array<i32>} : memref<1024xi32, #tpu.memory_space<vmem>>, vector<16xi32>,
    %get3A_688 = arith.constant 896 : index
    %get3A_689 = tpu.vector_load %arg6[%get3A_688] {strides = array<i32>} : memref<1024xi32, #tpu.memory_space<vmem>>, vector<16xi32>,
    %mul3A_690 = arith.constant 512 : i32
    %mul3A_691 = vector.broadcast %mul3A_690 : i32 to vector<16xi32>
    %mul3A_692 = arith.muli %get3A_687, %mul3A_691 : vector<16xi32>
    %add3A_693 = arith.addi %mul3A_692, %get3A_689 : vector<16xi32>
    %swap3A_694 = arith.constant 7 : i32
    %swap3A_695 = arith.index_cast %swap3A_694 : i32 to index
    %swap3A_696 = arith.constant 0 : index
    %swap3A_697 = tpu.vector_load %arg8[%swap3A_695, %swap3A_696] {strides = array<i32>} : memref<8x128xi32, #tpu.memory_space<vmem>>, vector<16xi32>,
    tpu.vector_store %arg8[%swap3A_695, %swap3A_696], %add3A_693 {strides = array<i32>} : memref<8x128xi32, #tpu.memory_space<vmem>>, vector<16xi32>,
    %get3A_698 = arith.constant 912 : index
    %get3A_699 = tpu.vector_load %arg5[%get3A_698] {strides = array<i32>} : memref<1024xi32, #tpu.memory_space<vmem>>, vector<16xi32>,
    %get3A_700 = arith.constant 912 : index
    %get3A_701 = tpu.vector_load %arg6[%get3A_700] {strides = array<i32>} : memref<1024xi32, #tpu.memory_space<vmem>>, vector<16xi32>,
    %mul3A_702 = arith.constant 512 : i32
    %mul3A_703 = vector.broadcast %mul3A_702 : i32 to vector<16xi32>
    %mul3A_704 = arith.muli %get3A_699, %mul3A_703 : vector<16xi32>
    %add3A_705 = arith.addi %mul3A_704, %get3A_701 : vector<16xi32>
    %swap3A_706 = arith.constant 7 : i32
    %swap3A_707 = arith.index_cast %swap3A_706 : i32 to index
    %swap3A_708 = arith.constant 16 : index
    %swap3A_709 = tpu.vector_load %arg8[%swap3A_707, %swap3A_708] {strides = array<i32>} : memref<8x128xi32, #tpu.memory_space<vmem>>, vector<16xi32>,
    tpu.vector_store %arg8[%swap3A_707, %swap3A_708], %add3A_705 {strides = array<i32>} : memref<8x128xi32, #tpu.memory_space<vmem>>, vector<16xi32>,
    %get3A_710 = arith.constant 928 : index
    %get3A_711 = tpu.vector_load %arg5[%get3A_710] {strides = array<i32>} : memref<1024xi32, #tpu.memory_space<vmem>>, vector<16xi32>,
    %get3A_712 = arith.constant 928 : index
    %get3A_713 = tpu.vector_load %arg6[%get3A_712] {strides = array<i32>} : memref<1024xi32, #tpu.memory_space<vmem>>, vector<16xi32>,
    %mul3A_714 = arith.constant 512 : i32
    %mul3A_715 = vector.broadcast %mul3A_714 : i32 to vector<16xi32>
    %mul3A_716 = arith.muli %get3A_711, %mul3A_715 : vector<16xi32>
    %add3A_717 = arith.addi %mul3A_716, %get3A_713 : vector<16xi32>
    %swap3A_718 = arith.constant 7 : i32
    %swap3A_719 = arith.index_cast %swap3A_718 : i32 to index
    %swap3A_720 = arith.constant 32 : index
    %swap3A_721 = tpu.vector_load %arg8[%swap3A_719, %swap3A_720] {strides = array<i32>} : memref<8x128xi32, #tpu.memory_space<vmem>>, vector<16xi32>,
    tpu.vector_store %arg8[%swap3A_719, %swap3A_720], %add3A_717 {strides = array<i32>} : memref<8x128xi32, #tpu.memory_space<vmem>>, vector<16xi32>,
    %get3A_722 = arith.constant 944 : index
    %get3A_723 = tpu.vector_load %arg5[%get3A_722] {strides = array<i32>} : memref<1024xi32, #tpu.memory_space<vmem>>, vector<16xi32>,
    %get3A_724 = arith.constant 944 : index
    %get3A_725 = tpu.vector_load %arg6[%get3A_724] {strides = array<i32>} : memref<1024xi32, #tpu.memory_space<vmem>>, vector<16xi32>,
    %mul3A_726 = arith.constant 512 : i32
    %mul3A_727 = vector.broadcast %mul3A_726 : i32 to vector<16xi32>
    %mul3A_728 = arith.muli %get3A_723, %mul3A_727 : vector<16xi32>
    %add3A_729 = arith.addi %mul3A_728, %get3A_725 : vector<16xi32>
    %swap3A_730 = arith.constant 7 : i32
    %swap3A_731 = arith.index_cast %swap3A_730 : i32 to index
    %swap3A_732 = arith.constant 48 : index
    %swap3A_733 = tpu.vector_load %arg8[%swap3A_731, %swap3A_732] {strides = array<i32>} : memref<8x128xi32, #tpu.memory_space<vmem>>, vector<16xi32>,
    tpu.vector_store %arg8[%swap3A_731, %swap3A_732], %add3A_729 {strides = array<i32>} : memref<8x128xi32, #tpu.memory_space<vmem>>, vector<16xi32>,
    %get3A_734 = arith.constant 960 : index
    %get3A_735 = tpu.vector_load %arg5[%get3A_734] {strides = array<i32>} : memref<1024xi32, #tpu.memory_space<vmem>>, vector<16xi32>,
    %get3A_736 = arith.constant 960 : index
    %get3A_737 = tpu.vector_load %arg6[%get3A_736] {strides = array<i32>} : memref<1024xi32, #tpu.memory_space<vmem>>, vector<16xi32>,
    %mul3A_738 = arith.constant 512 : i32
    %mul3A_739 = vector.broadcast %mul3A_738 : i32 to vector<16xi32>
    %mul3A_740 = arith.muli %get3A_735, %mul3A_739 : vector<16xi32>
    %add3A_741 = arith.addi %mul3A_740, %get3A_737 : vector<16xi32>
    %swap3A_742 = arith.constant 7 : i32
    %swap3A_743 = arith.index_cast %swap3A_742 : i32 to index
    %swap3A_744 = arith.constant 64 : index
    %swap3A_745 = tpu.vector_load %arg8[%swap3A_743, %swap3A_744] {strides = array<i32>} : memref<8x128xi32, #tpu.memory_space<vmem>>, vector<16xi32>,
    tpu.vector_store %arg8[%swap3A_743, %swap3A_744], %add3A_741 {strides = array<i32>} : memref<8x128xi32, #tpu.memory_space<vmem>>, vector<16xi32>,
    %get3A_746 = arith.constant 976 : index
    %get3A_747 = tpu.vector_load %arg5[%get3A_746] {strides = array<i32>} : memref<1024xi32, #tpu.memory_space<vmem>>, vector<16xi32>,
    %get3A_748 = arith.constant 976 : index
    %get3A_749 = tpu.vector_load %arg6[%get3A_748] {strides = array<i32>} : memref<1024xi32, #tpu.memory_space<vmem>>, vector<16xi32>,
    %mul3A_750 = arith.constant 512 : i32
    %mul3A_751 = vector.broadcast %mul3A_750 : i32 to vector<16xi32>
    %mul3A_752 = arith.muli %get3A_747, %mul3A_751 : vector<16xi32>
    %add3A_753 = arith.addi %mul3A_752, %get3A_749 : vector<16xi32>
    %swap3A_754 = arith.constant 7 : i32
    %swap3A_755 = arith.index_cast %swap3A_754 : i32 to index
    %swap3A_756 = arith.constant 80 : index
    %swap3A_757 = tpu.vector_load %arg8[%swap3A_755, %swap3A_756] {strides = array<i32>} : memref<8x128xi32, #tpu.memory_space<vmem>>, vector<16xi32>,
    tpu.vector_store %arg8[%swap3A_755, %swap3A_756], %add3A_753 {strides = array<i32>} : memref<8x128xi32, #tpu.memory_space<vmem>>, vector<16xi32>,
    %get3A_758 = arith.constant 992 : index
    %get3A_759 = tpu.vector_load %arg5[%get3A_758] {strides = array<i32>} : memref<1024xi32, #tpu.memory_space<vmem>>, vector<16xi32>,
    %get3A_760 = arith.constant 992 : index
    %get3A_761 = tpu.vector_load %arg6[%get3A_760] {strides = array<i32>} : memref<1024xi32, #tpu.memory_space<vmem>>, vector<16xi32>,
    %mul3A_762 = arith.constant 512 : i32
    %mul3A_763 = vector.broadcast %mul3A_762 : i32 to vector<16xi32>
    %mul3A_764 = arith.muli %get3A_759, %mul3A_763 : vector<16xi32>
    %add3A_765 = arith.addi %mul3A_764, %get3A_761 : vector<16xi32>
    %swap3A_766 = arith.constant 7 : i32
    %swap3A_767 = arith.index_cast %swap3A_766 : i32 to index
    %swap3A_768 = arith.constant 96 : index
    %swap3A_769 = tpu.vector_load %arg8[%swap3A_767, %swap3A_768] {strides = array<i32>} : memref<8x128xi32, #tpu.memory_space<vmem>>, vector<16xi32>,
    tpu.vector_store %arg8[%swap3A_767, %swap3A_768], %add3A_765 {strides = array<i32>} : memref<8x128xi32, #tpu.memory_space<vmem>>, vector<16xi32>,
    %get3A_770 = arith.constant 1008 : index
    %get3A_771 = tpu.vector_load %arg5[%get3A_770] {strides = array<i32>} : memref<1024xi32, #tpu.memory_space<vmem>>, vector<16xi32>,
    %get3A_772 = arith.constant 1008 : index
    %get3A_773 = tpu.vector_load %arg6[%get3A_772] {strides = array<i32>} : memref<1024xi32, #tpu.memory_space<vmem>>, vector<16xi32>,
    %mul3A_774 = arith.constant 512 : i32
    %mul3A_775 = vector.broadcast %mul3A_774 : i32 to vector<16xi32>
    %mul3A_776 = arith.muli %get3A_771, %mul3A_775 : vector<16xi32>
    %add3A_777 = arith.addi %mul3A_776, %get3A_773 : vector<16xi32>
    %swap3A_778 = arith.constant 7 : i32
    %swap3A_779 = arith.index_cast %swap3A_778 : i32 to index
    %swap3A_780 = arith.constant 112 : index
    %swap3A_781 = tpu.vector_load %arg8[%swap3A_779, %swap3A_780] {strides = array<i32>} : memref<8x128xi32, #tpu.memory_space<vmem>>, vector<16xi32>,
    tpu.vector_store %arg8[%swap3A_779, %swap3A_780], %add3A_777 {strides = array<i32>} : memref<8x128xi32, #tpu.memory_space<vmem>>, vector<16xi32>,
    %barrier3A = arith.constant 0 : index
    tpu.barrier barrier_id(%barrier3A)
    %dma_start3A = arith.constant 0 : i32
    %dma_start3A_782 = arith.constant 0 : i32
    %dma_start3A_783 = arith.constant 0 : i32
    %dma_start3A_784 = tpu.memref_slice %arg7[%dma_start3A, %dma_start3A_783] : memref<8x128xf32, #tpu.memory_space<vmem>> -> memref<1x128xf32, #tpu.memory_space<vmem>>
    %dma_start3A_785 = tpu.memref_squeeze %dma_start3A_784 : memref<1x128xf32, #tpu.memory_space<vmem>> -> memref<128xf32, #tpu.memory_space<vmem>>
    %dma_start3A_786 = arith.constant 0 : i32
    %dma_start3A_787 = tpu.memref_slice %arg8[%dma_start3A_782, %dma_start3A_786] : memref<8x128xi32, #tpu.memory_space<vmem>> -> memref<1x128xi32, #tpu.memory_space<vmem>>
    %dma_start3A_788 = tpu.memref_squeeze %dma_start3A_787 : memref<1x128xi32, #tpu.memory_space<vmem>> -> memref<128xi32, #tpu.memory_space<vmem>>
    %dma_start3A_789 = arith.constant 0 : i32
    %dma_start3A_790 = tpu.memref_slice %arg10[%dma_start3A_789] : memref<262144xf32, #tpu.memory_space<vmem_shared>> -> memref<262144xf32, #tpu.memory_space<vmem_shared>>
    tpu.enqueue_indirect_dma source(%dma_start3A_785 : memref<128xf32, #tpu.memory_space<vmem>>) target(%dma_start3A_790 : memref<262144xf32, #tpu.memory_space<vmem_shared>>) offsets(%dma_start3A_788 : memref<128xi32, #tpu.memory_space<vmem>>) semaphore(%arg11 : memref<!tpu.dma_semaphore, #tpu.memory_space<semaphore_mem>>) {add = true}
    %dma_start3A_791 = arith.constant 1 : i32
    %dma_start3A_792 = arith.constant 1 : i32
    %dma_start3A_793 = arith.constant 0 : i32
    %dma_start3A_794 = tpu.memref_slice %arg7[%dma_start3A_791, %dma_start3A_793] : memref<8x128xf32, #tpu.memory_space<vmem>> -> memref<1x128xf32, #tpu.memory_space<vmem>>
    %dma_start3A_795 = tpu.memref_squeeze %dma_start3A_794 : memref<1x128xf32, #tpu.memory_space<vmem>> -> memref<128xf32, #tpu.memory_space<vmem>>
    %dma_start3A_796 = arith.constant 0 : i32
    %dma_start3A_797 = tpu.memref_slice %arg8[%dma_start3A_792, %dma_start3A_796] : memref<8x128xi32, #tpu.memory_space<vmem>> -> memref<1x128xi32, #tpu.memory_space<vmem>>
    %dma_start3A_798 = tpu.memref_squeeze %dma_start3A_797 : memref<1x128xi32, #tpu.memory_space<vmem>> -> memref<128xi32, #tpu.memory_space<vmem>>
    %dma_start3A_799 = arith.constant 0 : i32
    %dma_start3A_800 = tpu.memref_slice %arg10[%dma_start3A_799] : memref<262144xf32, #tpu.memory_space<vmem_shared>> -> memref<262144xf32, #tpu.memory_space<vmem_shared>>
    tpu.enqueue_indirect_dma source(%dma_start3A_795 : memref<128xf32, #tpu.memory_space<vmem>>) target(%dma_start3A_800 : memref<262144xf32, #tpu.memory_space<vmem_shared>>) offsets(%dma_start3A_798 : memref<128xi32, #tpu.memory_space<vmem>>) semaphore(%arg11 : memref<!tpu.dma_semaphore, #tpu.memory_space<semaphore_mem>>) {add = true}
    %dma_start3A_801 = arith.constant 2 : i32
    %dma_start3A_802 = arith.constant 2 : i32
    %dma_start3A_803 = arith.constant 0 : i32
    %dma_start3A_804 = tpu.memref_slice %arg7[%dma_start3A_801, %dma_start3A_803] : memref<8x128xf32, #tpu.memory_space<vmem>> -> memref<1x128xf32, #tpu.memory_space<vmem>>
    %dma_start3A_805 = tpu.memref_squeeze %dma_start3A_804 : memref<1x128xf32, #tpu.memory_space<vmem>> -> memref<128xf32, #tpu.memory_space<vmem>>
    %dma_start3A_806 = arith.constant 0 : i32
    %dma_start3A_807 = tpu.memref_slice %arg8[%dma_start3A_802, %dma_start3A_806] : memref<8x128xi32, #tpu.memory_space<vmem>> -> memref<1x128xi32, #tpu.memory_space<vmem>>
    %dma_start3A_808 = tpu.memref_squeeze %dma_start3A_807 : memref<1x128xi32, #tpu.memory_space<vmem>> -> memref<128xi32, #tpu.memory_space<vmem>>
    %dma_start3A_809 = arith.constant 0 : i32
    %dma_start3A_810 = tpu.memref_slice %arg10[%dma_start3A_809] : memref<262144xf32, #tpu.memory_space<vmem_shared>> -> memref<262144xf32, #tpu.memory_space<vmem_shared>>
    tpu.enqueue_indirect_dma source(%dma_start3A_805 : memref<128xf32, #tpu.memory_space<vmem>>) target(%dma_start3A_810 : memref<262144xf32, #tpu.memory_space<vmem_shared>>) offsets(%dma_start3A_808 : memref<128xi32, #tpu.memory_space<vmem>>) semaphore(%arg11 : memref<!tpu.dma_semaphore, #tpu.memory_space<semaphore_mem>>) {add = true}
    %dma_start3A_811 = arith.constant 3 : i32
    %dma_start3A_812 = arith.constant 3 : i32
    %dma_start3A_813 = arith.constant 0 : i32
    %dma_start3A_814 = tpu.memref_slice %arg7[%dma_start3A_811, %dma_start3A_813] : memref<8x128xf32, #tpu.memory_space<vmem>> -> memref<1x128xf32, #tpu.memory_space<vmem>>
    %dma_start3A_815 = tpu.memref_squeeze %dma_start3A_814 : memref<1x128xf32, #tpu.memory_space<vmem>> -> memref<128xf32, #tpu.memory_space<vmem>>
    %dma_start3A_816 = arith.constant 0 : i32
    %dma_start3A_817 = tpu.memref_slice %arg8[%dma_start3A_812, %dma_start3A_816] : memref<8x128xi32, #tpu.memory_space<vmem>> -> memref<1x128xi32, #tpu.memory_space<vmem>>
    %dma_start3A_818 = tpu.memref_squeeze %dma_start3A_817 : memref<1x128xi32, #tpu.memory_space<vmem>> -> memref<128xi32, #tpu.memory_space<vmem>>
    %dma_start3A_819 = arith.constant 0 : i32
    %dma_start3A_820 = tpu.memref_slice %arg10[%dma_start3A_819] : memref<262144xf32, #tpu.memory_space<vmem_shared>> -> memref<262144xf32, #tpu.memory_space<vmem_shared>>
    tpu.enqueue_indirect_dma source(%dma_start3A_815 : memref<128xf32, #tpu.memory_space<vmem>>) target(%dma_start3A_820 : memref<262144xf32, #tpu.memory_space<vmem_shared>>) offsets(%dma_start3A_818 : memref<128xi32, #tpu.memory_space<vmem>>) semaphore(%arg11 : memref<!tpu.dma_semaphore, #tpu.memory_space<semaphore_mem>>) {add = true}
    %dma_start3A_821 = arith.constant 4 : i32
    %dma_start3A_822 = arith.constant 4 : i32
    %dma_start3A_823 = arith.constant 0 : i32
    %dma_start3A_824 = tpu.memref_slice %arg7[%dma_start3A_821, %dma_start3A_823] : memref<8x128xf32, #tpu.memory_space<vmem>> -> memref<1x128xf32, #tpu.memory_space<vmem>>
    %dma_start3A_825 = tpu.memref_squeeze %dma_start3A_824 : memref<1x128xf32, #tpu.memory_space<vmem>> -> memref<128xf32, #tpu.memory_space<vmem>>
    %dma_start3A_826 = arith.constant 0 : i32
    %dma_start3A_827 = tpu.memref_slice %arg8[%dma_start3A_822, %dma_start3A_826] : memref<8x128xi32, #tpu.memory_space<vmem>> -> memref<1x128xi32, #tpu.memory_space<vmem>>
    %dma_start3A_828 = tpu.memref_squeeze %dma_start3A_827 : memref<1x128xi32, #tpu.memory_space<vmem>> -> memref<128xi32, #tpu.memory_space<vmem>>
    %dma_start3A_829 = arith.constant 0 : i32
    %dma_start3A_830 = tpu.memref_slice %arg10[%dma_start3A_829] : memref<262144xf32, #tpu.memory_space<vmem_shared>> -> memref<262144xf32, #tpu.memory_space<vmem_shared>>
    tpu.enqueue_indirect_dma source(%dma_start3A_825 : memref<128xf32, #tpu.memory_space<vmem>>) target(%dma_start3A_830 : memref<262144xf32, #tpu.memory_space<vmem_shared>>) offsets(%dma_start3A_828 : memref<128xi32, #tpu.memory_space<vmem>>) semaphore(%arg11 : memref<!tpu.dma_semaphore, #tpu.memory_space<semaphore_mem>>) {add = true}
    %dma_start3A_831 = arith.constant 5 : i32
    %dma_start3A_832 = arith.constant 5 : i32
    %dma_start3A_833 = arith.constant 0 : i32
    %dma_start3A_834 = tpu.memref_slice %arg7[%dma_start3A_831, %dma_start3A_833] : memref<8x128xf32, #tpu.memory_space<vmem>> -> memref<1x128xf32, #tpu.memory_space<vmem>>
    %dma_start3A_835 = tpu.memref_squeeze %dma_start3A_834 : memref<1x128xf32, #tpu.memory_space<vmem>> -> memref<128xf32, #tpu.memory_space<vmem>>
    %dma_start3A_836 = arith.constant 0 : i32
    %dma_start3A_837 = tpu.memref_slice %arg8[%dma_start3A_832, %dma_start3A_836] : memref<8x128xi32, #tpu.memory_space<vmem>> -> memref<1x128xi32, #tpu.memory_space<vmem>>
    %dma_start3A_838 = tpu.memref_squeeze %dma_start3A_837 : memref<1x128xi32, #tpu.memory_space<vmem>> -> memref<128xi32, #tpu.memory_space<vmem>>
    %dma_start3A_839 = arith.constant 0 : i32
    %dma_start3A_840 = tpu.memref_slice %arg10[%dma_start3A_839] : memref<262144xf32, #tpu.memory_space<vmem_shared>> -> memref<262144xf32, #tpu.memory_space<vmem_shared>>
    tpu.enqueue_indirect_dma source(%dma_start3A_835 : memref<128xf32, #tpu.memory_space<vmem>>) target(%dma_start3A_840 : memref<262144xf32, #tpu.memory_space<vmem_shared>>) offsets(%dma_start3A_838 : memref<128xi32, #tpu.memory_space<vmem>>) semaphore(%arg11 : memref<!tpu.dma_semaphore, #tpu.memory_space<semaphore_mem>>) {add = true}
    %dma_start3A_841 = arith.constant 6 : i32
    %dma_start3A_842 = arith.constant 6 : i32
    %dma_start3A_843 = arith.constant 0 : i32
    %dma_start3A_844 = tpu.memref_slice %arg7[%dma_start3A_841, %dma_start3A_843] : memref<8x128xf32, #tpu.memory_space<vmem>> -> memref<1x128xf32, #tpu.memory_space<vmem>>
    %dma_start3A_845 = tpu.memref_squeeze %dma_start3A_844 : memref<1x128xf32, #tpu.memory_space<vmem>> -> memref<128xf32, #tpu.memory_space<vmem>>
    %dma_start3A_846 = arith.constant 0 : i32
    %dma_start3A_847 = tpu.memref_slice %arg8[%dma_start3A_842, %dma_start3A_846] : memref<8x128xi32, #tpu.memory_space<vmem>> -> memref<1x128xi32, #tpu.memory_space<vmem>>
    %dma_start3A_848 = tpu.memref_squeeze %dma_start3A_847 : memref<1x128xi32, #tpu.memory_space<vmem>> -> memref<128xi32, #tpu.memory_space<vmem>>
    %dma_start3A_849 = arith.constant 0 : i32
    %dma_start3A_850 = tpu.memref_slice %arg10[%dma_start3A_849] : memref<262144xf32, #tpu.memory_space<vmem_shared>> -> memref<262144xf32, #tpu.memory_space<vmem_shared>>
    tpu.enqueue_indirect_dma source(%dma_start3A_845 : memref<128xf32, #tpu.memory_space<vmem>>) target(%dma_start3A_850 : memref<262144xf32, #tpu.memory_space<vmem_shared>>) offsets(%dma_start3A_848 : memref<128xi32, #tpu.memory_space<vmem>>) semaphore(%arg11 : memref<!tpu.dma_semaphore, #tpu.memory_space<semaphore_mem>>) {add = true}
    %dma_start3A_851 = arith.constant 7 : i32
    %dma_start3A_852 = arith.constant 7 : i32
    %dma_start3A_853 = arith.constant 0 : i32
    %dma_start3A_854 = tpu.memref_slice %arg7[%dma_start3A_851, %dma_start3A_853] : memref<8x128xf32, #tpu.memory_space<vmem>> -> memref<1x128xf32, #tpu.memory_space<vmem>>
    %dma_start3A_855 = tpu.memref_squeeze %dma_start3A_854 : memref<1x128xf32, #tpu.memory_space<vmem>> -> memref<128xf32, #tpu.memory_space<vmem>>
    %dma_start3A_856 = arith.constant 0 : i32
    %dma_start3A_857 = tpu.memref_slice %arg8[%dma_start3A_852, %dma_start3A_856] : memref<8x128xi32, #tpu.memory_space<vmem>> -> memref<1x128xi32, #tpu.memory_space<vmem>>
    %dma_start3A_858 = tpu.memref_squeeze %dma_start3A_857 : memref<1x128xi32, #tpu.memory_space<vmem>> -> memref<128xi32, #tpu.memory_space<vmem>>
    %dma_start3A_859 = arith.constant 0 : i32
    %dma_start3A_860 = tpu.memref_slice %arg10[%dma_start3A_859] : memref<262144xf32, #tpu.memory_space<vmem_shared>> -> memref<262144xf32, #tpu.memory_space<vmem_shared>>
    tpu.enqueue_indirect_dma source(%dma_start3A_855 : memref<128xf32, #tpu.memory_space<vmem>>) target(%dma_start3A_860 : memref<262144xf32, #tpu.memory_space<vmem_shared>>) offsets(%dma_start3A_858 : memref<128xi32, #tpu.memory_space<vmem>>) semaphore(%arg11 : memref<!tpu.dma_semaphore, #tpu.memory_space<semaphore_mem>>) {add = true}
    %dma_wait3A = arith.constant 0 : i32
    %dma_wait3A_861 = arith.constant 0 : i32
    %dma_wait3A_862 = arith.constant 0 : i32
    %dma_wait3A_863 = tpu.memref_slice %arg7[%dma_wait3A, %dma_wait3A_862] : memref<8x128xf32, #tpu.memory_space<vmem>> -> memref<1x128xf32, #tpu.memory_space<vmem>>
    %dma_wait3A_864 = tpu.memref_squeeze %dma_wait3A_863 : memref<1x128xf32, #tpu.memory_space<vmem>> -> memref<128xf32, #tpu.memory_space<vmem>>
    %dma_wait3A_865 = arith.constant 0 : i32
    %dma_wait3A_866 = tpu.memref_slice %arg8[%dma_wait3A_861, %dma_wait3A_865] : memref<8x128xi32, #tpu.memory_space<vmem>> -> memref<1x128xi32, #tpu.memory_space<vmem>>
    %dma_wait3A_867 = tpu.memref_squeeze %dma_wait3A_866 : memref<1x128xi32, #tpu.memory_space<vmem>> -> memref<128xi32, #tpu.memory_space<vmem>>
    %dma_wait3A_868 = arith.constant 0 : i32
    %dma_wait3A_869 = tpu.memref_slice %arg10[%dma_wait3A_868] : memref<262144xf32, #tpu.memory_space<vmem_shared>> -> memref<262144xf32, #tpu.memory_space<vmem_shared>>
    tpu.wait_indirect_dma semaphore(%arg11 : memref<!tpu.dma_semaphore, #tpu.memory_space<semaphore_mem>>) src(%dma_wait3A_864 : memref<128xf32, #tpu.memory_space<vmem>>) dst(%dma_wait3A_869 : memref<262144xf32, #tpu.memory_space<vmem_shared>>)
    %dma_wait3A_870 = arith.constant 1 : i32
    %dma_wait3A_871 = arith.constant 1 : i32
    %dma_wait3A_872 = arith.constant 0 : i32
    %dma_wait3A_873 = tpu.memref_slice %arg7[%dma_wait3A_870, %dma_wait3A_872] : memref<8x128xf32, #tpu.memory_space<vmem>> -> memref<1x128xf32, #tpu.memory_space<vmem>>
    %dma_wait3A_874 = tpu.memref_squeeze %dma_wait3A_873 : memref<1x128xf32, #tpu.memory_space<vmem>> -> memref<128xf32, #tpu.memory_space<vmem>>
    %dma_wait3A_875 = arith.constant 0 : i32
    %dma_wait3A_876 = tpu.memref_slice %arg8[%dma_wait3A_871, %dma_wait3A_875] : memref<8x128xi32, #tpu.memory_space<vmem>> -> memref<1x128xi32, #tpu.memory_space<vmem>>
    %dma_wait3A_877 = tpu.memref_squeeze %dma_wait3A_876 : memref<1x128xi32, #tpu.memory_space<vmem>> -> memref<128xi32, #tpu.memory_space<vmem>>
    %dma_wait3A_878 = arith.constant 0 : i32
    %dma_wait3A_879 = tpu.memref_slice %arg10[%dma_wait3A_878] : memref<262144xf32, #tpu.memory_space<vmem_shared>> -> memref<262144xf32, #tpu.memory_space<vmem_shared>>
    tpu.wait_indirect_dma semaphore(%arg11 : memref<!tpu.dma_semaphore, #tpu.memory_space<semaphore_mem>>) src(%dma_wait3A_874 : memref<128xf32, #tpu.memory_space<vmem>>) dst(%dma_wait3A_879 : memref<262144xf32, #tpu.memory_space<vmem_shared>>)
    %dma_wait3A_880 = arith.constant 2 : i32
    %dma_wait3A_881 = arith.constant 2 : i32
    %dma_wait3A_882 = arith.constant 0 : i32
    %dma_wait3A_883 = tpu.memref_slice %arg7[%dma_wait3A_880, %dma_wait3A_882] : memref<8x128xf32, #tpu.memory_space<vmem>> -> memref<1x128xf32, #tpu.memory_space<vmem>>
    %dma_wait3A_884 = tpu.memref_squeeze %dma_wait3A_883 : memref<1x128xf32, #tpu.memory_space<vmem>> -> memref<128xf32, #tpu.memory_space<vmem>>
    %dma_wait3A_885 = arith.constant 0 : i32
    %dma_wait3A_886 = tpu.memref_slice %arg8[%dma_wait3A_881, %dma_wait3A_885] : memref<8x128xi32, #tpu.memory_space<vmem>> -> memref<1x128xi32, #tpu.memory_space<vmem>>
    %dma_wait3A_887 = tpu.memref_squeeze %dma_wait3A_886 : memref<1x128xi32, #tpu.memory_space<vmem>> -> memref<128xi32, #tpu.memory_space<vmem>>
    %dma_wait3A_888 = arith.constant 0 : i32
    %dma_wait3A_889 = tpu.memref_slice %arg10[%dma_wait3A_888] : memref<262144xf32, #tpu.memory_space<vmem_shared>> -> memref<262144xf32, #tpu.memory_space<vmem_shared>>
    tpu.wait_indirect_dma semaphore(%arg11 : memref<!tpu.dma_semaphore, #tpu.memory_space<semaphore_mem>>) src(%dma_wait3A_884 : memref<128xf32, #tpu.memory_space<vmem>>) dst(%dma_wait3A_889 : memref<262144xf32, #tpu.memory_space<vmem_shared>>)
    %dma_wait3A_890 = arith.constant 3 : i32
    %dma_wait3A_891 = arith.constant 3 : i32
    %dma_wait3A_892 = arith.constant 0 : i32
    %dma_wait3A_893 = tpu.memref_slice %arg7[%dma_wait3A_890, %dma_wait3A_892] : memref<8x128xf32, #tpu.memory_space<vmem>> -> memref<1x128xf32, #tpu.memory_space<vmem>>
    %dma_wait3A_894 = tpu.memref_squeeze %dma_wait3A_893 : memref<1x128xf32, #tpu.memory_space<vmem>> -> memref<128xf32, #tpu.memory_space<vmem>>
    %dma_wait3A_895 = arith.constant 0 : i32
    %dma_wait3A_896 = tpu.memref_slice %arg8[%dma_wait3A_891, %dma_wait3A_895] : memref<8x128xi32, #tpu.memory_space<vmem>> -> memref<1x128xi32, #tpu.memory_space<vmem>>
    %dma_wait3A_897 = tpu.memref_squeeze %dma_wait3A_896 : memref<1x128xi32, #tpu.memory_space<vmem>> -> memref<128xi32, #tpu.memory_space<vmem>>
    %dma_wait3A_898 = arith.constant 0 : i32
    %dma_wait3A_899 = tpu.memref_slice %arg10[%dma_wait3A_898] : memref<262144xf32, #tpu.memory_space<vmem_shared>> -> memref<262144xf32, #tpu.memory_space<vmem_shared>>
    tpu.wait_indirect_dma semaphore(%arg11 : memref<!tpu.dma_semaphore, #tpu.memory_space<semaphore_mem>>) src(%dma_wait3A_894 : memref<128xf32, #tpu.memory_space<vmem>>) dst(%dma_wait3A_899 : memref<262144xf32, #tpu.memory_space<vmem_shared>>)
    %dma_wait3A_900 = arith.constant 4 : i32
    %dma_wait3A_901 = arith.constant 4 : i32
    %dma_wait3A_902 = arith.constant 0 : i32
    %dma_wait3A_903 = tpu.memref_slice %arg7[%dma_wait3A_900, %dma_wait3A_902] : memref<8x128xf32, #tpu.memory_space<vmem>> -> memref<1x128xf32, #tpu.memory_space<vmem>>
    %dma_wait3A_904 = tpu.memref_squeeze %dma_wait3A_903 : memref<1x128xf32, #tpu.memory_space<vmem>> -> memref<128xf32, #tpu.memory_space<vmem>>
    %dma_wait3A_905 = arith.constant 0 : i32
    %dma_wait3A_906 = tpu.memref_slice %arg8[%dma_wait3A_901, %dma_wait3A_905] : memref<8x128xi32, #tpu.memory_space<vmem>> -> memref<1x128xi32, #tpu.memory_space<vmem>>
    %dma_wait3A_907 = tpu.memref_squeeze %dma_wait3A_906 : memref<1x128xi32, #tpu.memory_space<vmem>> -> memref<128xi32, #tpu.memory_space<vmem>>
    %dma_wait3A_908 = arith.constant 0 : i32
    %dma_wait3A_909 = tpu.memref_slice %arg10[%dma_wait3A_908] : memref<262144xf32, #tpu.memory_space<vmem_shared>> -> memref<262144xf32, #tpu.memory_space<vmem_shared>>
    tpu.wait_indirect_dma semaphore(%arg11 : memref<!tpu.dma_semaphore, #tpu.memory_space<semaphore_mem>>) src(%dma_wait3A_904 : memref<128xf32, #tpu.memory_space<vmem>>) dst(%dma_wait3A_909 : memref<262144xf32, #tpu.memory_space<vmem_shared>>)
    %dma_wait3A_910 = arith.constant 5 : i32
    %dma_wait3A_911 = arith.constant 5 : i32
    %dma_wait3A_912 = arith.constant 0 : i32
    %dma_wait3A_913 = tpu.memref_slice %arg7[%dma_wait3A_910, %dma_wait3A_912] : memref<8x128xf32, #tpu.memory_space<vmem>> -> memref<1x128xf32, #tpu.memory_space<vmem>>
    %dma_wait3A_914 = tpu.memref_squeeze %dma_wait3A_913 : memref<1x128xf32, #tpu.memory_space<vmem>> -> memref<128xf32, #tpu.memory_space<vmem>>
    %dma_wait3A_915 = arith.constant 0 : i32
    %dma_wait3A_916 = tpu.memref_slice %arg8[%dma_wait3A_911, %dma_wait3A_915] : memref<8x128xi32, #tpu.memory_space<vmem>> -> memref<1x128xi32, #tpu.memory_space<vmem>>
    %dma_wait3A_917 = tpu.memref_squeeze %dma_wait3A_916 : memref<1x128xi32, #tpu.memory_space<vmem>> -> memref<128xi32, #tpu.memory_space<vmem>>
    %dma_wait3A_918 = arith.constant 0 : i32
    %dma_wait3A_919 = tpu.memref_slice %arg10[%dma_wait3A_918] : memref<262144xf32, #tpu.memory_space<vmem_shared>> -> memref<262144xf32, #tpu.memory_space<vmem_shared>>
    tpu.wait_indirect_dma semaphore(%arg11 : memref<!tpu.dma_semaphore, #tpu.memory_space<semaphore_mem>>) src(%dma_wait3A_914 : memref<128xf32, #tpu.memory_space<vmem>>) dst(%dma_wait3A_919 : memref<262144xf32, #tpu.memory_space<vmem_shared>>)
    %dma_wait3A_920 = arith.constant 6 : i32
    %dma_wait3A_921 = arith.constant 6 : i32
    %dma_wait3A_922 = arith.constant 0 : i32
    %dma_wait3A_923 = tpu.memref_slice %arg7[%dma_wait3A_920, %dma_wait3A_922] : memref<8x128xf32, #tpu.memory_space<vmem>> -> memref<1x128xf32, #tpu.memory_space<vmem>>
    %dma_wait3A_924 = tpu.memref_squeeze %dma_wait3A_923 : memref<1x128xf32, #tpu.memory_space<vmem>> -> memref<128xf32, #tpu.memory_space<vmem>>
    %dma_wait3A_925 = arith.constant 0 : i32
    %dma_wait3A_926 = tpu.memref_slice %arg8[%dma_wait3A_921, %dma_wait3A_925] : memref<8x128xi32, #tpu.memory_space<vmem>> -> memref<1x128xi32, #tpu.memory_space<vmem>>
    %dma_wait3A_927 = tpu.memref_squeeze %dma_wait3A_926 : memref<1x128xi32, #tpu.memory_space<vmem>> -> memref<128xi32, #tpu.memory_space<vmem>>
    %dma_wait3A_928 = arith.constant 0 : i32
    %dma_wait3A_929 = tpu.memref_slice %arg10[%dma_wait3A_928] : memref<262144xf32, #tpu.memory_space<vmem_shared>> -> memref<262144xf32, #tpu.memory_space<vmem_shared>>
    tpu.wait_indirect_dma semaphore(%arg11 : memref<!tpu.dma_semaphore, #tpu.memory_space<semaphore_mem>>) src(%dma_wait3A_924 : memref<128xf32, #tpu.memory_space<vmem>>) dst(%dma_wait3A_929 : memref<262144xf32, #tpu.memory_space<vmem_shared>>)
    %dma_wait3A_930 = arith.constant 7 : i32
    %dma_wait3A_931 = arith.constant 7 : i32
    %dma_wait3A_932 = arith.constant 0 : i32
    %dma_wait3A_933 = tpu.memref_slice %arg7[%dma_wait3A_930, %dma_wait3A_932] : memref<8x128xf32, #tpu.memory_space<vmem>> -> memref<1x128xf32, #tpu.memory_space<vmem>>
    %dma_wait3A_934 = tpu.memref_squeeze %dma_wait3A_933 : memref<1x128xf32, #tpu.memory_space<vmem>> -> memref<128xf32, #tpu.memory_space<vmem>>
    %dma_wait3A_935 = arith.constant 0 : i32
    %dma_wait3A_936 = tpu.memref_slice %arg8[%dma_wait3A_931, %dma_wait3A_935] : memref<8x128xi32, #tpu.memory_space<vmem>> -> memref<1x128xi32, #tpu.memory_space<vmem>>
    %dma_wait3A_937 = tpu.memref_squeeze %dma_wait3A_936 : memref<1x128xi32, #tpu.memory_space<vmem>> -> memref<128xi32, #tpu.memory_space<vmem>>
    %dma_wait3A_938 = arith.constant 0 : i32
    %dma_wait3A_939 = tpu.memref_slice %arg10[%dma_wait3A_938] : memref<262144xf32, #tpu.memory_space<vmem_shared>> -> memref<262144xf32, #tpu.memory_space<vmem_shared>>
    tpu.wait_indirect_dma semaphore(%arg11 : memref<!tpu.dma_semaphore, #tpu.memory_space<semaphore_mem>>) src(%dma_wait3A_934 : memref<128xf32, #tpu.memory_space<vmem>>) dst(%dma_wait3A_939 : memref<262144xf32, #tpu.memory_space<vmem_shared>>)
    %barrier3A_940 = arith.constant 0 : index
    tpu.barrier barrier_id(%barrier3A_940)
    "tpu.region"() ({
      %run_scoped3A = tpu.sem_alloc : memref<!tpu.dma_semaphore, #tpu.memory_space<semaphore_mem>>
      %dma_start3A_1647 = tpu.memref_slice %arg10[%mul3A_15] : memref<262144xf32, #tpu.memory_space<vmem_shared>> -> memref<16384xf32, #tpu.memory_space<vmem_shared>>
      %dma_start3A_1648 = tpu.memref_slice %arg10[%mul3A_15] : memref<262144xf32, #tpu.memory_space<vmem_shared>> -> memref<16384xf32, #tpu.memory_space<vmem_shared>>
      tpu.enqueue_dma source(%dma_start3A_1648 : memref<16384xf32, #tpu.memory_space<vmem_shared>>) target(%arg9 : memref<16384xf32, #tpu.memory_space<vmem>>) target_semaphore(%run_scoped3A : memref<!tpu.dma_semaphore, #tpu.memory_space<semaphore_mem>>)
      %dma_wait3A_1649 = tpu.memref_slice %arg10[%mul3A_15] : memref<262144xf32, #tpu.memory_space<vmem_shared>> -> memref<16384xf32, #tpu.memory_space<vmem_shared>>
      %dma_wait3A_1650 = tpu.memref_slice %arg10[%mul3A_15] : memref<262144xf32, #tpu.memory_space<vmem_shared>> -> memref<16384xf32, #tpu.memory_space<vmem_shared>>
      tpu.wait_dma2 semaphore(%run_scoped3A : memref<!tpu.dma_semaphore, #tpu.memory_space<semaphore_mem>>) src(%dma_wait3A_1650 : memref<16384xf32, #tpu.memory_space<vmem_shared>>) dst(%arg9 : memref<16384xf32, #tpu.memory_space<vmem>>)
      tpu.yield
    }) : () -> ()
    %mul3A_941 = arith.constant 32 : i32
    %mul3A_942 = arith.muli %arg1, %mul3A_941 : i32
    %add3A_943 = arith.constant 0 : i32
    %add3A_944 = arith.addi %mul3A_942, %add3A_943 : i32
    %dma_start3A_945 = arith.constant 0 : i32
    %dma_start3A_946 = tpu.memref_slice %arg9[%dma_start3A_945] : memref<16384xf32, #tpu.memory_space<vmem>> -> memref<512xf32, #tpu.memory_space<vmem>>
    %dma_start3A_947 = arith.constant 0 : i32
    %dma_start3A_948 = tpu.memref_slice %arg4[%arg0, %add3A_944, %dma_start3A_947] : memref<2x512x512xf32, #tpu.memory_space<hbm>> -> memref<1x1x512xf32, #tpu.memory_space<hbm>>
    %dma_start3A_949 = tpu.memref_squeeze %dma_start3A_948 : memref<1x1x512xf32, #tpu.memory_space<hbm>> -> memref<512xf32, #tpu.memory_space<hbm>>
    %dma_start3A_950 = arith.constant 0 : i32
    %dma_start3A_951 = tpu.memref_slice %arg4[%arg0, %add3A_944, %dma_start3A_950] : memref<2x512x512xf32, #tpu.memory_space<hbm>> -> memref<1x1x512xf32, #tpu.memory_space<hbm>>
    %dma_start3A_952 = tpu.memref_squeeze %dma_start3A_951 : memref<1x1x512xf32, #tpu.memory_space<hbm>> -> memref<512xf32, #tpu.memory_space<hbm>>
    %dma_start3A_953 = arith.constant 0 : i32
    %dma_start3A_954 = tpu.memref_slice %arg9[%dma_start3A_953] : memref<16384xf32, #tpu.memory_space<vmem>> -> memref<512xf32, #tpu.memory_space<vmem>>
    tpu.enqueue_dma source(%dma_start3A_954 : memref<512xf32, #tpu.memory_space<vmem>>) target(%dma_start3A_952 : memref<512xf32, #tpu.memory_space<hbm>>) target_semaphore(%arg11 : memref<!tpu.dma_semaphore, #tpu.memory_space<semaphore_mem>>)
    %add3A_955 = arith.constant 1 : i32
    %add3A_956 = arith.addi %mul3A_942, %add3A_955 : i32
    %dma_start3A_957 = arith.constant 512 : i32
    %dma_start3A_958 = tpu.memref_slice %arg9[%dma_start3A_957] : memref<16384xf32, #tpu.memory_space<vmem>> -> memref<512xf32, #tpu.memory_space<vmem>>
    %dma_start3A_959 = arith.constant 0 : i32
    %dma_start3A_960 = tpu.memref_slice %arg4[%arg0, %add3A_956, %dma_start3A_959] : memref<2x512x512xf32, #tpu.memory_space<hbm>> -> memref<1x1x512xf32, #tpu.memory_space<hbm>>
    %dma_start3A_961 = tpu.memref_squeeze %dma_start3A_960 : memref<1x1x512xf32, #tpu.memory_space<hbm>> -> memref<512xf32, #tpu.memory_space<hbm>>
    %dma_start3A_962 = arith.constant 0 : i32
    %dma_start3A_963 = tpu.memref_slice %arg4[%arg0, %add3A_956, %dma_start3A_962] : memref<2x512x512xf32, #tpu.memory_space<hbm>> -> memref<1x1x512xf32, #tpu.memory_space<hbm>>
    %dma_start3A_964 = tpu.memref_squeeze %dma_start3A_963 : memref<1x1x512xf32, #tpu.memory_space<hbm>> -> memref<512xf32, #tpu.memory_space<hbm>>
    %dma_start3A_965 = arith.constant 512 : i32
    %dma_start3A_966 = tpu.memref_slice %arg9[%dma_start3A_965] : memref<16384xf32, #tpu.memory_space<vmem>> -> memref<512xf32, #tpu.memory_space<vmem>>
    tpu.enqueue_dma source(%dma_start3A_966 : memref<512xf32, #tpu.memory_space<vmem>>) target(%dma_start3A_964 : memref<512xf32, #tpu.memory_space<hbm>>) target_semaphore(%arg11 : memref<!tpu.dma_semaphore, #tpu.memory_space<semaphore_mem>>)
    %add3A_967 = arith.constant 2 : i32
    %add3A_968 = arith.addi %mul3A_942, %add3A_967 : i32
    %dma_start3A_969 = arith.constant 1024 : i32
    %dma_start3A_970 = tpu.memref_slice %arg9[%dma_start3A_969] : memref<16384xf32, #tpu.memory_space<vmem>> -> memref<512xf32, #tpu.memory_space<vmem>>
    %dma_start3A_971 = arith.constant 0 : i32
    %dma_start3A_972 = tpu.memref_slice %arg4[%arg0, %add3A_968, %dma_start3A_971] : memref<2x512x512xf32, #tpu.memory_space<hbm>> -> memref<1x1x512xf32, #tpu.memory_space<hbm>>
    %dma_start3A_973 = tpu.memref_squeeze %dma_start3A_972 : memref<1x1x512xf32, #tpu.memory_space<hbm>> -> memref<512xf32, #tpu.memory_space<hbm>>
    %dma_start3A_974 = arith.constant 0 : i32
    %dma_start3A_975 = tpu.memref_slice %arg4[%arg0, %add3A_968, %dma_start3A_974] : memref<2x512x512xf32, #tpu.memory_space<hbm>> -> memref<1x1x512xf32, #tpu.memory_space<hbm>>
    %dma_start3A_976 = tpu.memref_squeeze %dma_start3A_975 : memref<1x1x512xf32, #tpu.memory_space<hbm>> -> memref<512xf32, #tpu.memory_space<hbm>>
    %dma_start3A_977 = arith.constant 1024 : i32
    %dma_start3A_978 = tpu.memref_slice %arg9[%dma_start3A_977] : memref<16384xf32, #tpu.memory_space<vmem>> -> memref<512xf32, #tpu.memory_space<vmem>>
    tpu.enqueue_dma source(%dma_start3A_978 : memref<512xf32, #tpu.memory_space<vmem>>) target(%dma_start3A_976 : memref<512xf32, #tpu.memory_space<hbm>>) target_semaphore(%arg11 : memref<!tpu.dma_semaphore, #tpu.memory_space<semaphore_mem>>)
    %add3A_979 = arith.constant 3 : i32
    %add3A_980 = arith.addi %mul3A_942, %add3A_979 : i32
    %dma_start3A_981 = arith.constant 1536 : i32
    %dma_start3A_982 = tpu.memref_slice %arg9[%dma_start3A_981] : memref<16384xf32, #tpu.memory_space<vmem>> -> memref<512xf32, #tpu.memory_space<vmem>>
    %dma_start3A_983 = arith.constant 0 : i32
    %dma_start3A_984 = tpu.memref_slice %arg4[%arg0, %add3A_980, %dma_start3A_983] : memref<2x512x512xf32, #tpu.memory_space<hbm>> -> memref<1x1x512xf32, #tpu.memory_space<hbm>>
    %dma_start3A_985 = tpu.memref_squeeze %dma_start3A_984 : memref<1x1x512xf32, #tpu.memory_space<hbm>> -> memref<512xf32, #tpu.memory_space<hbm>>
    %dma_start3A_986 = arith.constant 0 : i32
    %dma_start3A_987 = tpu.memref_slice %arg4[%arg0, %add3A_980, %dma_start3A_986] : memref<2x512x512xf32, #tpu.memory_space<hbm>> -> memref<1x1x512xf32, #tpu.memory_space<hbm>>
    %dma_start3A_988 = tpu.memref_squeeze %dma_start3A_987 : memref<1x1x512xf32, #tpu.memory_space<hbm>> -> memref<512xf32, #tpu.memory_space<hbm>>
    %dma_start3A_989 = arith.constant 1536 : i32
    %dma_start3A_990 = tpu.memref_slice %arg9[%dma_start3A_989] : memref<16384xf32, #tpu.memory_space<vmem>> -> memref<512xf32, #tpu.memory_space<vmem>>
    tpu.enqueue_dma source(%dma_start3A_990 : memref<512xf32, #tpu.memory_space<vmem>>) target(%dma_start3A_988 : memref<512xf32, #tpu.memory_space<hbm>>) target_semaphore(%arg11 : memref<!tpu.dma_semaphore, #tpu.memory_space<semaphore_mem>>)
    %add3A_991 = arith.constant 4 : i32
    %add3A_992 = arith.addi %mul3A_942, %add3A_991 : i32
    %dma_start3A_993 = arith.constant 2048 : i32
    %dma_start3A_994 = tpu.memref_slice %arg9[%dma_start3A_993] : memref<16384xf32, #tpu.memory_space<vmem>> -> memref<512xf32, #tpu.memory_space<vmem>>
    %dma_start3A_995 = arith.constant 0 : i32
    %dma_start3A_996 = tpu.memref_slice %arg4[%arg0, %add3A_992, %dma_start3A_995] : memref<2x512x512xf32, #tpu.memory_space<hbm>> -> memref<1x1x512xf32, #tpu.memory_space<hbm>>
    %dma_start3A_997 = tpu.memref_squeeze %dma_start3A_996 : memref<1x1x512xf32, #tpu.memory_space<hbm>> -> memref<512xf32, #tpu.memory_space<hbm>>
    %dma_start3A_998 = arith.constant 0 : i32
    %dma_start3A_999 = tpu.memref_slice %arg4[%arg0, %add3A_992, %dma_start3A_998] : memref<2x512x512xf32, #tpu.memory_space<hbm>> -> memref<1x1x512xf32, #tpu.memory_space<hbm>>
    %dma_start3A_1000 = tpu.memref_squeeze %dma_start3A_999 : memref<1x1x512xf32, #tpu.memory_space<hbm>> -> memref<512xf32, #tpu.memory_space<hbm>>
    %dma_start3A_1001 = arith.constant 2048 : i32
    %dma_start3A_1002 = tpu.memref_slice %arg9[%dma_start3A_1001] : memref<16384xf32, #tpu.memory_space<vmem>> -> memref<512xf32, #tpu.memory_space<vmem>>
    tpu.enqueue_dma source(%dma_start3A_1002 : memref<512xf32, #tpu.memory_space<vmem>>) target(%dma_start3A_1000 : memref<512xf32, #tpu.memory_space<hbm>>) target_semaphore(%arg11 : memref<!tpu.dma_semaphore, #tpu.memory_space<semaphore_mem>>)
    %add3A_1003 = arith.constant 5 : i32
    %add3A_1004 = arith.addi %mul3A_942, %add3A_1003 : i32
    %dma_start3A_1005 = arith.constant 2560 : i32
    %dma_start3A_1006 = tpu.memref_slice %arg9[%dma_start3A_1005] : memref<16384xf32, #tpu.memory_space<vmem>> -> memref<512xf32, #tpu.memory_space<vmem>>
    %dma_start3A_1007 = arith.constant 0 : i32
    %dma_start3A_1008 = tpu.memref_slice %arg4[%arg0, %add3A_1004, %dma_start3A_1007] : memref<2x512x512xf32, #tpu.memory_space<hbm>> -> memref<1x1x512xf32, #tpu.memory_space<hbm>>
    %dma_start3A_1009 = tpu.memref_squeeze %dma_start3A_1008 : memref<1x1x512xf32, #tpu.memory_space<hbm>> -> memref<512xf32, #tpu.memory_space<hbm>>
    %dma_start3A_1010 = arith.constant 0 : i32
    %dma_start3A_1011 = tpu.memref_slice %arg4[%arg0, %add3A_1004, %dma_start3A_1010] : memref<2x512x512xf32, #tpu.memory_space<hbm>> -> memref<1x1x512xf32, #tpu.memory_space<hbm>>
    %dma_start3A_1012 = tpu.memref_squeeze %dma_start3A_1011 : memref<1x1x512xf32, #tpu.memory_space<hbm>> -> memref<512xf32, #tpu.memory_space<hbm>>
    %dma_start3A_1013 = arith.constant 2560 : i32
    %dma_start3A_1014 = tpu.memref_slice %arg9[%dma_start3A_1013] : memref<16384xf32, #tpu.memory_space<vmem>> -> memref<512xf32, #tpu.memory_space<vmem>>
    tpu.enqueue_dma source(%dma_start3A_1014 : memref<512xf32, #tpu.memory_space<vmem>>) target(%dma_start3A_1012 : memref<512xf32, #tpu.memory_space<hbm>>) target_semaphore(%arg11 : memref<!tpu.dma_semaphore, #tpu.memory_space<semaphore_mem>>)
    %add3A_1015 = arith.constant 6 : i32
    %add3A_1016 = arith.addi %mul3A_942, %add3A_1015 : i32
    %dma_start3A_1017 = arith.constant 3072 : i32
    %dma_start3A_1018 = tpu.memref_slice %arg9[%dma_start3A_1017] : memref<16384xf32, #tpu.memory_space<vmem>> -> memref<512xf32, #tpu.memory_space<vmem>>
    %dma_start3A_1019 = arith.constant 0 : i32
    %dma_start3A_1020 = tpu.memref_slice %arg4[%arg0, %add3A_1016, %dma_start3A_1019] : memref<2x512x512xf32, #tpu.memory_space<hbm>> -> memref<1x1x512xf32, #tpu.memory_space<hbm>>
    %dma_start3A_1021 = tpu.memref_squeeze %dma_start3A_1020 : memref<1x1x512xf32, #tpu.memory_space<hbm>> -> memref<512xf32, #tpu.memory_space<hbm>>
    %dma_start3A_1022 = arith.constant 0 : i32
    %dma_start3A_1023 = tpu.memref_slice %arg4[%arg0, %add3A_1016, %dma_start3A_1022] : memref<2x512x512xf32, #tpu.memory_space<hbm>> -> memref<1x1x512xf32, #tpu.memory_space<hbm>>
    %dma_start3A_1024 = tpu.memref_squeeze %dma_start3A_1023 : memref<1x1x512xf32, #tpu.memory_space<hbm>> -> memref<512xf32, #tpu.memory_space<hbm>>
    %dma_start3A_1025 = arith.constant 3072 : i32
    %dma_start3A_1026 = tpu.memref_slice %arg9[%dma_start3A_1025] : memref<16384xf32, #tpu.memory_space<vmem>> -> memref<512xf32, #tpu.memory_space<vmem>>
    tpu.enqueue_dma source(%dma_start3A_1026 : memref<512xf32, #tpu.memory_space<vmem>>) target(%dma_start3A_1024 : memref<512xf32, #tpu.memory_space<hbm>>) target_semaphore(%arg11 : memref<!tpu.dma_semaphore, #tpu.memory_space<semaphore_mem>>)
    %add3A_1027 = arith.constant 7 : i32
    %add3A_1028 = arith.addi %mul3A_942, %add3A_1027 : i32
    %dma_start3A_1029 = arith.constant 3584 : i32
    %dma_start3A_1030 = tpu.memref_slice %arg9[%dma_start3A_1029] : memref<16384xf32, #tpu.memory_space<vmem>> -> memref<512xf32, #tpu.memory_space<vmem>>
    %dma_start3A_1031 = arith.constant 0 : i32
    %dma_start3A_1032 = tpu.memref_slice %arg4[%arg0, %add3A_1028, %dma_start3A_1031] : memref<2x512x512xf32, #tpu.memory_space<hbm>> -> memref<1x1x512xf32, #tpu.memory_space<hbm>>
    %dma_start3A_1033 = tpu.memref_squeeze %dma_start3A_1032 : memref<1x1x512xf32, #tpu.memory_space<hbm>> -> memref<512xf32, #tpu.memory_space<hbm>>
    %dma_start3A_1034 = arith.constant 0 : i32
    %dma_start3A_1035 = tpu.memref_slice %arg4[%arg0, %add3A_1028, %dma_start3A_1034] : memref<2x512x512xf32, #tpu.memory_space<hbm>> -> memref<1x1x512xf32, #tpu.memory_space<hbm>>
    %dma_start3A_1036 = tpu.memref_squeeze %dma_start3A_1035 : memref<1x1x512xf32, #tpu.memory_space<hbm>> -> memref<512xf32, #tpu.memory_space<hbm>>
    %dma_start3A_1037 = arith.constant 3584 : i32
    %dma_start3A_1038 = tpu.memref_slice %arg9[%dma_start3A_1037] : memref<16384xf32, #tpu.memory_space<vmem>> -> memref<512xf32, #tpu.memory_space<vmem>>
    tpu.enqueue_dma source(%dma_start3A_1038 : memref<512xf32, #tpu.memory_space<vmem>>) target(%dma_start3A_1036 : memref<512xf32, #tpu.memory_space<hbm>>) target_semaphore(%arg11 : memref<!tpu.dma_semaphore, #tpu.memory_space<semaphore_mem>>)
    %add3A_1039 = arith.constant 8 : i32
    %add3A_1040 = arith.addi %mul3A_942, %add3A_1039 : i32
    %dma_start3A_1041 = arith.constant 4096 : i32
    %dma_start3A_1042 = tpu.memref_slice %arg9[%dma_start3A_1041] : memref<16384xf32, #tpu.memory_space<vmem>> -> memref<512xf32, #tpu.memory_space<vmem>>
    %dma_start3A_1043 = arith.constant 0 : i32
    %dma_start3A_1044 = tpu.memref_slice %arg4[%arg0, %add3A_1040, %dma_start3A_1043] : memref<2x512x512xf32, #tpu.memory_space<hbm>> -> memref<1x1x512xf32, #tpu.memory_space<hbm>>
    %dma_start3A_1045 = tpu.memref_squeeze %dma_start3A_1044 : memref<1x1x512xf32, #tpu.memory_space<hbm>> -> memref<512xf32, #tpu.memory_space<hbm>>
    %dma_start3A_1046 = arith.constant 0 : i32
    %dma_start3A_1047 = tpu.memref_slice %arg4[%arg0, %add3A_1040, %dma_start3A_1046] : memref<2x512x512xf32, #tpu.memory_space<hbm>> -> memref<1x1x512xf32, #tpu.memory_space<hbm>>
    %dma_start3A_1048 = tpu.memref_squeeze %dma_start3A_1047 : memref<1x1x512xf32, #tpu.memory_space<hbm>> -> memref<512xf32, #tpu.memory_space<hbm>>
    %dma_start3A_1049 = arith.constant 4096 : i32
    %dma_start3A_1050 = tpu.memref_slice %arg9[%dma_start3A_1049] : memref<16384xf32, #tpu.memory_space<vmem>> -> memref<512xf32, #tpu.memory_space<vmem>>
    tpu.enqueue_dma source(%dma_start3A_1050 : memref<512xf32, #tpu.memory_space<vmem>>) target(%dma_start3A_1048 : memref<512xf32, #tpu.memory_space<hbm>>) target_semaphore(%arg11 : memref<!tpu.dma_semaphore, #tpu.memory_space<semaphore_mem>>)
    %add3A_1051 = arith.constant 9 : i32
    %add3A_1052 = arith.addi %mul3A_942, %add3A_1051 : i32
    %dma_start3A_1053 = arith.constant 4608 : i32
    %dma_start3A_1054 = tpu.memref_slice %arg9[%dma_start3A_1053] : memref<16384xf32, #tpu.memory_space<vmem>> -> memref<512xf32, #tpu.memory_space<vmem>>
    %dma_start3A_1055 = arith.constant 0 : i32
    %dma_start3A_1056 = tpu.memref_slice %arg4[%arg0, %add3A_1052, %dma_start3A_1055] : memref<2x512x512xf32, #tpu.memory_space<hbm>> -> memref<1x1x512xf32, #tpu.memory_space<hbm>>
    %dma_start3A_1057 = tpu.memref_squeeze %dma_start3A_1056 : memref<1x1x512xf32, #tpu.memory_space<hbm>> -> memref<512xf32, #tpu.memory_space<hbm>>
    %dma_start3A_1058 = arith.constant 0 : i32
    %dma_start3A_1059 = tpu.memref_slice %arg4[%arg0, %add3A_1052, %dma_start3A_1058] : memref<2x512x512xf32, #tpu.memory_space<hbm>> -> memref<1x1x512xf32, #tpu.memory_space<hbm>>
    %dma_start3A_1060 = tpu.memref_squeeze %dma_start3A_1059 : memref<1x1x512xf32, #tpu.memory_space<hbm>> -> memref<512xf32, #tpu.memory_space<hbm>>
    %dma_start3A_1061 = arith.constant 4608 : i32
    %dma_start3A_1062 = tpu.memref_slice %arg9[%dma_start3A_1061] : memref<16384xf32, #tpu.memory_space<vmem>> -> memref<512xf32, #tpu.memory_space<vmem>>
    tpu.enqueue_dma source(%dma_start3A_1062 : memref<512xf32, #tpu.memory_space<vmem>>) target(%dma_start3A_1060 : memref<512xf32, #tpu.memory_space<hbm>>) target_semaphore(%arg11 : memref<!tpu.dma_semaphore, #tpu.memory_space<semaphore_mem>>)
    %add3A_1063 = arith.constant 10 : i32
    %add3A_1064 = arith.addi %mul3A_942, %add3A_1063 : i32
    %dma_start3A_1065 = arith.constant 5120 : i32
    %dma_start3A_1066 = tpu.memref_slice %arg9[%dma_start3A_1065] : memref<16384xf32, #tpu.memory_space<vmem>> -> memref<512xf32, #tpu.memory_space<vmem>>
    %dma_start3A_1067 = arith.constant 0 : i32
    %dma_start3A_1068 = tpu.memref_slice %arg4[%arg0, %add3A_1064, %dma_start3A_1067] : memref<2x512x512xf32, #tpu.memory_space<hbm>> -> memref<1x1x512xf32, #tpu.memory_space<hbm>>
    %dma_start3A_1069 = tpu.memref_squeeze %dma_start3A_1068 : memref<1x1x512xf32, #tpu.memory_space<hbm>> -> memref<512xf32, #tpu.memory_space<hbm>>
    %dma_start3A_1070 = arith.constant 0 : i32
    %dma_start3A_1071 = tpu.memref_slice %arg4[%arg0, %add3A_1064, %dma_start3A_1070] : memref<2x512x512xf32, #tpu.memory_space<hbm>> -> memref<1x1x512xf32, #tpu.memory_space<hbm>>
    %dma_start3A_1072 = tpu.memref_squeeze %dma_start3A_1071 : memref<1x1x512xf32, #tpu.memory_space<hbm>> -> memref<512xf32, #tpu.memory_space<hbm>>
    %dma_start3A_1073 = arith.constant 5120 : i32
    %dma_start3A_1074 = tpu.memref_slice %arg9[%dma_start3A_1073] : memref<16384xf32, #tpu.memory_space<vmem>> -> memref<512xf32, #tpu.memory_space<vmem>>
    tpu.enqueue_dma source(%dma_start3A_1074 : memref<512xf32, #tpu.memory_space<vmem>>) target(%dma_start3A_1072 : memref<512xf32, #tpu.memory_space<hbm>>) target_semaphore(%arg11 : memref<!tpu.dma_semaphore, #tpu.memory_space<semaphore_mem>>)
    %add3A_1075 = arith.constant 11 : i32
    %add3A_1076 = arith.addi %mul3A_942, %add3A_1075 : i32
    %dma_start3A_1077 = arith.constant 5632 : i32
    %dma_start3A_1078 = tpu.memref_slice %arg9[%dma_start3A_1077] : memref<16384xf32, #tpu.memory_space<vmem>> -> memref<512xf32, #tpu.memory_space<vmem>>
    %dma_start3A_1079 = arith.constant 0 : i32
    %dma_start3A_1080 = tpu.memref_slice %arg4[%arg0, %add3A_1076, %dma_start3A_1079] : memref<2x512x512xf32, #tpu.memory_space<hbm>> -> memref<1x1x512xf32, #tpu.memory_space<hbm>>
    %dma_start3A_1081 = tpu.memref_squeeze %dma_start3A_1080 : memref<1x1x512xf32, #tpu.memory_space<hbm>> -> memref<512xf32, #tpu.memory_space<hbm>>
    %dma_start3A_1082 = arith.constant 0 : i32
    %dma_start3A_1083 = tpu.memref_slice %arg4[%arg0, %add3A_1076, %dma_start3A_1082] : memref<2x512x512xf32, #tpu.memory_space<hbm>> -> memref<1x1x512xf32, #tpu.memory_space<hbm>>
    %dma_start3A_1084 = tpu.memref_squeeze %dma_start3A_1083 : memref<1x1x512xf32, #tpu.memory_space<hbm>> -> memref<512xf32, #tpu.memory_space<hbm>>
    %dma_start3A_1085 = arith.constant 5632 : i32
    %dma_start3A_1086 = tpu.memref_slice %arg9[%dma_start3A_1085] : memref<16384xf32, #tpu.memory_space<vmem>> -> memref<512xf32, #tpu.memory_space<vmem>>
    tpu.enqueue_dma source(%dma_start3A_1086 : memref<512xf32, #tpu.memory_space<vmem>>) target(%dma_start3A_1084 : memref<512xf32, #tpu.memory_space<hbm>>) target_semaphore(%arg11 : memref<!tpu.dma_semaphore, #tpu.memory_space<semaphore_mem>>)
    %add3A_1087 = arith.constant 12 : i32
    %add3A_1088 = arith.addi %mul3A_942, %add3A_1087 : i32
    %dma_start3A_1089 = arith.constant 6144 : i32
    %dma_start3A_1090 = tpu.memref_slice %arg9[%dma_start3A_1089] : memref<16384xf32, #tpu.memory_space<vmem>> -> memref<512xf32, #tpu.memory_space<vmem>>
    %dma_start3A_1091 = arith.constant 0 : i32
    %dma_start3A_1092 = tpu.memref_slice %arg4[%arg0, %add3A_1088, %dma_start3A_1091] : memref<2x512x512xf32, #tpu.memory_space<hbm>> -> memref<1x1x512xf32, #tpu.memory_space<hbm>>
    %dma_start3A_1093 = tpu.memref_squeeze %dma_start3A_1092 : memref<1x1x512xf32, #tpu.memory_space<hbm>> -> memref<512xf32, #tpu.memory_space<hbm>>
    %dma_start3A_1094 = arith.constant 0 : i32
    %dma_start3A_1095 = tpu.memref_slice %arg4[%arg0, %add3A_1088, %dma_start3A_1094] : memref<2x512x512xf32, #tpu.memory_space<hbm>> -> memref<1x1x512xf32, #tpu.memory_space<hbm>>
    %dma_start3A_1096 = tpu.memref_squeeze %dma_start3A_1095 : memref<1x1x512xf32, #tpu.memory_space<hbm>> -> memref<512xf32, #tpu.memory_space<hbm>>
    %dma_start3A_1097 = arith.constant 6144 : i32
    %dma_start3A_1098 = tpu.memref_slice %arg9[%dma_start3A_1097] : memref<16384xf32, #tpu.memory_space<vmem>> -> memref<512xf32, #tpu.memory_space<vmem>>
    tpu.enqueue_dma source(%dma_start3A_1098 : memref<512xf32, #tpu.memory_space<vmem>>) target(%dma_start3A_1096 : memref<512xf32, #tpu.memory_space<hbm>>) target_semaphore(%arg11 : memref<!tpu.dma_semaphore, #tpu.memory_space<semaphore_mem>>)
    %add3A_1099 = arith.constant 13 : i32
    %add3A_1100 = arith.addi %mul3A_942, %add3A_1099 : i32
    %dma_start3A_1101 = arith.constant 6656 : i32
    %dma_start3A_1102 = tpu.memref_slice %arg9[%dma_start3A_1101] : memref<16384xf32, #tpu.memory_space<vmem>> -> memref<512xf32, #tpu.memory_space<vmem>>
    %dma_start3A_1103 = arith.constant 0 : i32
    %dma_start3A_1104 = tpu.memref_slice %arg4[%arg0, %add3A_1100, %dma_start3A_1103] : memref<2x512x512xf32, #tpu.memory_space<hbm>> -> memref<1x1x512xf32, #tpu.memory_space<hbm>>
    %dma_start3A_1105 = tpu.memref_squeeze %dma_start3A_1104 : memref<1x1x512xf32, #tpu.memory_space<hbm>> -> memref<512xf32, #tpu.memory_space<hbm>>
    %dma_start3A_1106 = arith.constant 0 : i32
    %dma_start3A_1107 = tpu.memref_slice %arg4[%arg0, %add3A_1100, %dma_start3A_1106] : memref<2x512x512xf32, #tpu.memory_space<hbm>> -> memref<1x1x512xf32, #tpu.memory_space<hbm>>
    %dma_start3A_1108 = tpu.memref_squeeze %dma_start3A_1107 : memref<1x1x512xf32, #tpu.memory_space<hbm>> -> memref<512xf32, #tpu.memory_space<hbm>>
    %dma_start3A_1109 = arith.constant 6656 : i32
    %dma_start3A_1110 = tpu.memref_slice %arg9[%dma_start3A_1109] : memref<16384xf32, #tpu.memory_space<vmem>> -> memref<512xf32, #tpu.memory_space<vmem>>
    tpu.enqueue_dma source(%dma_start3A_1110 : memref<512xf32, #tpu.memory_space<vmem>>) target(%dma_start3A_1108 : memref<512xf32, #tpu.memory_space<hbm>>) target_semaphore(%arg11 : memref<!tpu.dma_semaphore, #tpu.memory_space<semaphore_mem>>)
    %add3A_1111 = arith.constant 14 : i32
    %add3A_1112 = arith.addi %mul3A_942, %add3A_1111 : i32
    %dma_start3A_1113 = arith.constant 7168 : i32
    %dma_start3A_1114 = tpu.memref_slice %arg9[%dma_start3A_1113] : memref<16384xf32, #tpu.memory_space<vmem>> -> memref<512xf32, #tpu.memory_space<vmem>>
    %dma_start3A_1115 = arith.constant 0 : i32
    %dma_start3A_1116 = tpu.memref_slice %arg4[%arg0, %add3A_1112, %dma_start3A_1115] : memref<2x512x512xf32, #tpu.memory_space<hbm>> -> memref<1x1x512xf32, #tpu.memory_space<hbm>>
    %dma_start3A_1117 = tpu.memref_squeeze %dma_start3A_1116 : memref<1x1x512xf32, #tpu.memory_space<hbm>> -> memref<512xf32, #tpu.memory_space<hbm>>
    %dma_start3A_1118 = arith.constant 0 : i32
    %dma_start3A_1119 = tpu.memref_slice %arg4[%arg0, %add3A_1112, %dma_start3A_1118] : memref<2x512x512xf32, #tpu.memory_space<hbm>> -> memref<1x1x512xf32, #tpu.memory_space<hbm>>
    %dma_start3A_1120 = tpu.memref_squeeze %dma_start3A_1119 : memref<1x1x512xf32, #tpu.memory_space<hbm>> -> memref<512xf32, #tpu.memory_space<hbm>>
    %dma_start3A_1121 = arith.constant 7168 : i32
    %dma_start3A_1122 = tpu.memref_slice %arg9[%dma_start3A_1121] : memref<16384xf32, #tpu.memory_space<vmem>> -> memref<512xf32, #tpu.memory_space<vmem>>
    tpu.enqueue_dma source(%dma_start3A_1122 : memref<512xf32, #tpu.memory_space<vmem>>) target(%dma_start3A_1120 : memref<512xf32, #tpu.memory_space<hbm>>) target_semaphore(%arg11 : memref<!tpu.dma_semaphore, #tpu.memory_space<semaphore_mem>>)
    %add3A_1123 = arith.constant 15 : i32
    %add3A_1124 = arith.addi %mul3A_942, %add3A_1123 : i32
    %dma_start3A_1125 = arith.constant 7680 : i32
    %dma_start3A_1126 = tpu.memref_slice %arg9[%dma_start3A_1125] : memref<16384xf32, #tpu.memory_space<vmem>> -> memref<512xf32, #tpu.memory_space<vmem>>
    %dma_start3A_1127 = arith.constant 0 : i32
    %dma_start3A_1128 = tpu.memref_slice %arg4[%arg0, %add3A_1124, %dma_start3A_1127] : memref<2x512x512xf32, #tpu.memory_space<hbm>> -> memref<1x1x512xf32, #tpu.memory_space<hbm>>
    %dma_start3A_1129 = tpu.memref_squeeze %dma_start3A_1128 : memref<1x1x512xf32, #tpu.memory_space<hbm>> -> memref<512xf32, #tpu.memory_space<hbm>>
    %dma_start3A_1130 = arith.constant 0 : i32
    %dma_start3A_1131 = tpu.memref_slice %arg4[%arg0, %add3A_1124, %dma_start3A_1130] : memref<2x512x512xf32, #tpu.memory_space<hbm>> -> memref<1x1x512xf32, #tpu.memory_space<hbm>>
    %dma_start3A_1132 = tpu.memref_squeeze %dma_start3A_1131 : memref<1x1x512xf32, #tpu.memory_space<hbm>> -> memref<512xf32, #tpu.memory_space<hbm>>
    %dma_start3A_1133 = arith.constant 7680 : i32
    %dma_start3A_1134 = tpu.memref_slice %arg9[%dma_start3A_1133] : memref<16384xf32, #tpu.memory_space<vmem>> -> memref<512xf32, #tpu.memory_space<vmem>>
    tpu.enqueue_dma source(%dma_start3A_1134 : memref<512xf32, #tpu.memory_space<vmem>>) target(%dma_start3A_1132 : memref<512xf32, #tpu.memory_space<hbm>>) target_semaphore(%arg11 : memref<!tpu.dma_semaphore, #tpu.memory_space<semaphore_mem>>)
    %add3A_1135 = arith.constant 16 : i32
    %add3A_1136 = arith.addi %mul3A_942, %add3A_1135 : i32
    %dma_start3A_1137 = arith.constant 8192 : i32
    %dma_start3A_1138 = tpu.memref_slice %arg9[%dma_start3A_1137] : memref<16384xf32, #tpu.memory_space<vmem>> -> memref<512xf32, #tpu.memory_space<vmem>>
    %dma_start3A_1139 = arith.constant 0 : i32
    %dma_start3A_1140 = tpu.memref_slice %arg4[%arg0, %add3A_1136, %dma_start3A_1139] : memref<2x512x512xf32, #tpu.memory_space<hbm>> -> memref<1x1x512xf32, #tpu.memory_space<hbm>>
    %dma_start3A_1141 = tpu.memref_squeeze %dma_start3A_1140 : memref<1x1x512xf32, #tpu.memory_space<hbm>> -> memref<512xf32, #tpu.memory_space<hbm>>
    %dma_start3A_1142 = arith.constant 0 : i32
    %dma_start3A_1143 = tpu.memref_slice %arg4[%arg0, %add3A_1136, %dma_start3A_1142] : memref<2x512x512xf32, #tpu.memory_space<hbm>> -> memref<1x1x512xf32, #tpu.memory_space<hbm>>
    %dma_start3A_1144 = tpu.memref_squeeze %dma_start3A_1143 : memref<1x1x512xf32, #tpu.memory_space<hbm>> -> memref<512xf32, #tpu.memory_space<hbm>>
    %dma_start3A_1145 = arith.constant 8192 : i32
    %dma_start3A_1146 = tpu.memref_slice %arg9[%dma_start3A_1145] : memref<16384xf32, #tpu.memory_space<vmem>> -> memref<512xf32, #tpu.memory_space<vmem>>
    tpu.enqueue_dma source(%dma_start3A_1146 : memref<512xf32, #tpu.memory_space<vmem>>) target(%dma_start3A_1144 : memref<512xf32, #tpu.memory_space<hbm>>) target_semaphore(%arg11 : memref<!tpu.dma_semaphore, #tpu.memory_space<semaphore_mem>>)
    %add3A_1147 = arith.constant 17 : i32
    %add3A_1148 = arith.addi %mul3A_942, %add3A_1147 : i32
    %dma_start3A_1149 = arith.constant 8704 : i32
    %dma_start3A_1150 = tpu.memref_slice %arg9[%dma_start3A_1149] : memref<16384xf32, #tpu.memory_space<vmem>> -> memref<512xf32, #tpu.memory_space<vmem>>
    %dma_start3A_1151 = arith.constant 0 : i32
    %dma_start3A_1152 = tpu.memref_slice %arg4[%arg0, %add3A_1148, %dma_start3A_1151] : memref<2x512x512xf32, #tpu.memory_space<hbm>> -> memref<1x1x512xf32, #tpu.memory_space<hbm>>
    %dma_start3A_1153 = tpu.memref_squeeze %dma_start3A_1152 : memref<1x1x512xf32, #tpu.memory_space<hbm>> -> memref<512xf32, #tpu.memory_space<hbm>>
    %dma_start3A_1154 = arith.constant 0 : i32
    %dma_start3A_1155 = tpu.memref_slice %arg4[%arg0, %add3A_1148, %dma_start3A_1154] : memref<2x512x512xf32, #tpu.memory_space<hbm>> -> memref<1x1x512xf32, #tpu.memory_space<hbm>>
    %dma_start3A_1156 = tpu.memref_squeeze %dma_start3A_1155 : memref<1x1x512xf32, #tpu.memory_space<hbm>> -> memref<512xf32, #tpu.memory_space<hbm>>
    %dma_start3A_1157 = arith.constant 8704 : i32
    %dma_start3A_1158 = tpu.memref_slice %arg9[%dma_start3A_1157] : memref<16384xf32, #tpu.memory_space<vmem>> -> memref<512xf32, #tpu.memory_space<vmem>>
    tpu.enqueue_dma source(%dma_start3A_1158 : memref<512xf32, #tpu.memory_space<vmem>>) target(%dma_start3A_1156 : memref<512xf32, #tpu.memory_space<hbm>>) target_semaphore(%arg11 : memref<!tpu.dma_semaphore, #tpu.memory_space<semaphore_mem>>)
    %add3A_1159 = arith.constant 18 : i32
    %add3A_1160 = arith.addi %mul3A_942, %add3A_1159 : i32
    %dma_start3A_1161 = arith.constant 9216 : i32
    %dma_start3A_1162 = tpu.memref_slice %arg9[%dma_start3A_1161] : memref<16384xf32, #tpu.memory_space<vmem>> -> memref<512xf32, #tpu.memory_space<vmem>>
    %dma_start3A_1163 = arith.constant 0 : i32
    %dma_start3A_1164 = tpu.memref_slice %arg4[%arg0, %add3A_1160, %dma_start3A_1163] : memref<2x512x512xf32, #tpu.memory_space<hbm>> -> memref<1x1x512xf32, #tpu.memory_space<hbm>>
    %dma_start3A_1165 = tpu.memref_squeeze %dma_start3A_1164 : memref<1x1x512xf32, #tpu.memory_space<hbm>> -> memref<512xf32, #tpu.memory_space<hbm>>
    %dma_start3A_1166 = arith.constant 0 : i32
    %dma_start3A_1167 = tpu.memref_slice %arg4[%arg0, %add3A_1160, %dma_start3A_1166] : memref<2x512x512xf32, #tpu.memory_space<hbm>> -> memref<1x1x512xf32, #tpu.memory_space<hbm>>
    %dma_start3A_1168 = tpu.memref_squeeze %dma_start3A_1167 : memref<1x1x512xf32, #tpu.memory_space<hbm>> -> memref<512xf32, #tpu.memory_space<hbm>>
    %dma_start3A_1169 = arith.constant 9216 : i32
    %dma_start3A_1170 = tpu.memref_slice %arg9[%dma_start3A_1169] : memref<16384xf32, #tpu.memory_space<vmem>> -> memref<512xf32, #tpu.memory_space<vmem>>
    tpu.enqueue_dma source(%dma_start3A_1170 : memref<512xf32, #tpu.memory_space<vmem>>) target(%dma_start3A_1168 : memref<512xf32, #tpu.memory_space<hbm>>) target_semaphore(%arg11 : memref<!tpu.dma_semaphore, #tpu.memory_space<semaphore_mem>>)
    %add3A_1171 = arith.constant 19 : i32
    %add3A_1172 = arith.addi %mul3A_942, %add3A_1171 : i32
    %dma_start3A_1173 = arith.constant 9728 : i32
    %dma_start3A_1174 = tpu.memref_slice %arg9[%dma_start3A_1173] : memref<16384xf32, #tpu.memory_space<vmem>> -> memref<512xf32, #tpu.memory_space<vmem>>
    %dma_start3A_1175 = arith.constant 0 : i32
    %dma_start3A_1176 = tpu.memref_slice %arg4[%arg0, %add3A_1172, %dma_start3A_1175] : memref<2x512x512xf32, #tpu.memory_space<hbm>> -> memref<1x1x512xf32, #tpu.memory_space<hbm>>
    %dma_start3A_1177 = tpu.memref_squeeze %dma_start3A_1176 : memref<1x1x512xf32, #tpu.memory_space<hbm>> -> memref<512xf32, #tpu.memory_space<hbm>>
    %dma_start3A_1178 = arith.constant 0 : i32
    %dma_start3A_1179 = tpu.memref_slice %arg4[%arg0, %add3A_1172, %dma_start3A_1178] : memref<2x512x512xf32, #tpu.memory_space<hbm>> -> memref<1x1x512xf32, #tpu.memory_space<hbm>>
    %dma_start3A_1180 = tpu.memref_squeeze %dma_start3A_1179 : memref<1x1x512xf32, #tpu.memory_space<hbm>> -> memref<512xf32, #tpu.memory_space<hbm>>
    %dma_start3A_1181 = arith.constant 9728 : i32
    %dma_start3A_1182 = tpu.memref_slice %arg9[%dma_start3A_1181] : memref<16384xf32, #tpu.memory_space<vmem>> -> memref<512xf32, #tpu.memory_space<vmem>>
    tpu.enqueue_dma source(%dma_start3A_1182 : memref<512xf32, #tpu.memory_space<vmem>>) target(%dma_start3A_1180 : memref<512xf32, #tpu.memory_space<hbm>>) target_semaphore(%arg11 : memref<!tpu.dma_semaphore, #tpu.memory_space<semaphore_mem>>)
    %add3A_1183 = arith.constant 20 : i32
    %add3A_1184 = arith.addi %mul3A_942, %add3A_1183 : i32
    %dma_start3A_1185 = arith.constant 10240 : i32
    %dma_start3A_1186 = tpu.memref_slice %arg9[%dma_start3A_1185] : memref<16384xf32, #tpu.memory_space<vmem>> -> memref<512xf32, #tpu.memory_space<vmem>>
    %dma_start3A_1187 = arith.constant 0 : i32
    %dma_start3A_1188 = tpu.memref_slice %arg4[%arg0, %add3A_1184, %dma_start3A_1187] : memref<2x512x512xf32, #tpu.memory_space<hbm>> -> memref<1x1x512xf32, #tpu.memory_space<hbm>>
    %dma_start3A_1189 = tpu.memref_squeeze %dma_start3A_1188 : memref<1x1x512xf32, #tpu.memory_space<hbm>> -> memref<512xf32, #tpu.memory_space<hbm>>
    %dma_start3A_1190 = arith.constant 0 : i32
    %dma_start3A_1191 = tpu.memref_slice %arg4[%arg0, %add3A_1184, %dma_start3A_1190] : memref<2x512x512xf32, #tpu.memory_space<hbm>> -> memref<1x1x512xf32, #tpu.memory_space<hbm>>
    %dma_start3A_1192 = tpu.memref_squeeze %dma_start3A_1191 : memref<1x1x512xf32, #tpu.memory_space<hbm>> -> memref<512xf32, #tpu.memory_space<hbm>>
    %dma_start3A_1193 = arith.constant 10240 : i32
    %dma_start3A_1194 = tpu.memref_slice %arg9[%dma_start3A_1193] : memref<16384xf32, #tpu.memory_space<vmem>> -> memref<512xf32, #tpu.memory_space<vmem>>
    tpu.enqueue_dma source(%dma_start3A_1194 : memref<512xf32, #tpu.memory_space<vmem>>) target(%dma_start3A_1192 : memref<512xf32, #tpu.memory_space<hbm>>) target_semaphore(%arg11 : memref<!tpu.dma_semaphore, #tpu.memory_space<semaphore_mem>>)
    %add3A_1195 = arith.constant 21 : i32
    %add3A_1196 = arith.addi %mul3A_942, %add3A_1195 : i32
    %dma_start3A_1197 = arith.constant 10752 : i32
    %dma_start3A_1198 = tpu.memref_slice %arg9[%dma_start3A_1197] : memref<16384xf32, #tpu.memory_space<vmem>> -> memref<512xf32, #tpu.memory_space<vmem>>
    %dma_start3A_1199 = arith.constant 0 : i32
    %dma_start3A_1200 = tpu.memref_slice %arg4[%arg0, %add3A_1196, %dma_start3A_1199] : memref<2x512x512xf32, #tpu.memory_space<hbm>> -> memref<1x1x512xf32, #tpu.memory_space<hbm>>
    %dma_start3A_1201 = tpu.memref_squeeze %dma_start3A_1200 : memref<1x1x512xf32, #tpu.memory_space<hbm>> -> memref<512xf32, #tpu.memory_space<hbm>>
    %dma_start3A_1202 = arith.constant 0 : i32
    %dma_start3A_1203 = tpu.memref_slice %arg4[%arg0, %add3A_1196, %dma_start3A_1202] : memref<2x512x512xf32, #tpu.memory_space<hbm>> -> memref<1x1x512xf32, #tpu.memory_space<hbm>>
    %dma_start3A_1204 = tpu.memref_squeeze %dma_start3A_1203 : memref<1x1x512xf32, #tpu.memory_space<hbm>> -> memref<512xf32, #tpu.memory_space<hbm>>
    %dma_start3A_1205 = arith.constant 10752 : i32
    %dma_start3A_1206 = tpu.memref_slice %arg9[%dma_start3A_1205] : memref<16384xf32, #tpu.memory_space<vmem>> -> memref<512xf32, #tpu.memory_space<vmem>>
    tpu.enqueue_dma source(%dma_start3A_1206 : memref<512xf32, #tpu.memory_space<vmem>>) target(%dma_start3A_1204 : memref<512xf32, #tpu.memory_space<hbm>>) target_semaphore(%arg11 : memref<!tpu.dma_semaphore, #tpu.memory_space<semaphore_mem>>)
    %add3A_1207 = arith.constant 22 : i32
    %add3A_1208 = arith.addi %mul3A_942, %add3A_1207 : i32
    %dma_start3A_1209 = arith.constant 11264 : i32
    %dma_start3A_1210 = tpu.memref_slice %arg9[%dma_start3A_1209] : memref<16384xf32, #tpu.memory_space<vmem>> -> memref<512xf32, #tpu.memory_space<vmem>>
    %dma_start3A_1211 = arith.constant 0 : i32
    %dma_start3A_1212 = tpu.memref_slice %arg4[%arg0, %add3A_1208, %dma_start3A_1211] : memref<2x512x512xf32, #tpu.memory_space<hbm>> -> memref<1x1x512xf32, #tpu.memory_space<hbm>>
    %dma_start3A_1213 = tpu.memref_squeeze %dma_start3A_1212 : memref<1x1x512xf32, #tpu.memory_space<hbm>> -> memref<512xf32, #tpu.memory_space<hbm>>
    %dma_start3A_1214 = arith.constant 0 : i32
    %dma_start3A_1215 = tpu.memref_slice %arg4[%arg0, %add3A_1208, %dma_start3A_1214] : memref<2x512x512xf32, #tpu.memory_space<hbm>> -> memref<1x1x512xf32, #tpu.memory_space<hbm>>
    %dma_start3A_1216 = tpu.memref_squeeze %dma_start3A_1215 : memref<1x1x512xf32, #tpu.memory_space<hbm>> -> memref<512xf32, #tpu.memory_space<hbm>>
    %dma_start3A_1217 = arith.constant 11264 : i32
    %dma_start3A_1218 = tpu.memref_slice %arg9[%dma_start3A_1217] : memref<16384xf32, #tpu.memory_space<vmem>> -> memref<512xf32, #tpu.memory_space<vmem>>
    tpu.enqueue_dma source(%dma_start3A_1218 : memref<512xf32, #tpu.memory_space<vmem>>) target(%dma_start3A_1216 : memref<512xf32, #tpu.memory_space<hbm>>) target_semaphore(%arg11 : memref<!tpu.dma_semaphore, #tpu.memory_space<semaphore_mem>>)
    %add3A_1219 = arith.constant 23 : i32
    %add3A_1220 = arith.addi %mul3A_942, %add3A_1219 : i32
    %dma_start3A_1221 = arith.constant 11776 : i32
    %dma_start3A_1222 = tpu.memref_slice %arg9[%dma_start3A_1221] : memref<16384xf32, #tpu.memory_space<vmem>> -> memref<512xf32, #tpu.memory_space<vmem>>
    %dma_start3A_1223 = arith.constant 0 : i32
    %dma_start3A_1224 = tpu.memref_slice %arg4[%arg0, %add3A_1220, %dma_start3A_1223] : memref<2x512x512xf32, #tpu.memory_space<hbm>> -> memref<1x1x512xf32, #tpu.memory_space<hbm>>
    %dma_start3A_1225 = tpu.memref_squeeze %dma_start3A_1224 : memref<1x1x512xf32, #tpu.memory_space<hbm>> -> memref<512xf32, #tpu.memory_space<hbm>>
    %dma_start3A_1226 = arith.constant 0 : i32
    %dma_start3A_1227 = tpu.memref_slice %arg4[%arg0, %add3A_1220, %dma_start3A_1226] : memref<2x512x512xf32, #tpu.memory_space<hbm>> -> memref<1x1x512xf32, #tpu.memory_space<hbm>>
    %dma_start3A_1228 = tpu.memref_squeeze %dma_start3A_1227 : memref<1x1x512xf32, #tpu.memory_space<hbm>> -> memref<512xf32, #tpu.memory_space<hbm>>
    %dma_start3A_1229 = arith.constant 11776 : i32
    %dma_start3A_1230 = tpu.memref_slice %arg9[%dma_start3A_1229] : memref<16384xf32, #tpu.memory_space<vmem>> -> memref<512xf32, #tpu.memory_space<vmem>>
    tpu.enqueue_dma source(%dma_start3A_1230 : memref<512xf32, #tpu.memory_space<vmem>>) target(%dma_start3A_1228 : memref<512xf32, #tpu.memory_space<hbm>>) target_semaphore(%arg11 : memref<!tpu.dma_semaphore, #tpu.memory_space<semaphore_mem>>)
    %add3A_1231 = arith.constant 24 : i32
    %add3A_1232 = arith.addi %mul3A_942, %add3A_1231 : i32
    %dma_start3A_1233 = arith.constant 12288 : i32
    %dma_start3A_1234 = tpu.memref_slice %arg9[%dma_start3A_1233] : memref<16384xf32, #tpu.memory_space<vmem>> -> memref<512xf32, #tpu.memory_space<vmem>>
    %dma_start3A_1235 = arith.constant 0 : i32
    %dma_start3A_1236 = tpu.memref_slice %arg4[%arg0, %add3A_1232, %dma_start3A_1235] : memref<2x512x512xf32, #tpu.memory_space<hbm>> -> memref<1x1x512xf32, #tpu.memory_space<hbm>>
    %dma_start3A_1237 = tpu.memref_squeeze %dma_start3A_1236 : memref<1x1x512xf32, #tpu.memory_space<hbm>> -> memref<512xf32, #tpu.memory_space<hbm>>
    %dma_start3A_1238 = arith.constant 0 : i32
    %dma_start3A_1239 = tpu.memref_slice %arg4[%arg0, %add3A_1232, %dma_start3A_1238] : memref<2x512x512xf32, #tpu.memory_space<hbm>> -> memref<1x1x512xf32, #tpu.memory_space<hbm>>
    %dma_start3A_1240 = tpu.memref_squeeze %dma_start3A_1239 : memref<1x1x512xf32, #tpu.memory_space<hbm>> -> memref<512xf32, #tpu.memory_space<hbm>>
    %dma_start3A_1241 = arith.constant 12288 : i32
    %dma_start3A_1242 = tpu.memref_slice %arg9[%dma_start3A_1241] : memref<16384xf32, #tpu.memory_space<vmem>> -> memref<512xf32, #tpu.memory_space<vmem>>
    tpu.enqueue_dma source(%dma_start3A_1242 : memref<512xf32, #tpu.memory_space<vmem>>) target(%dma_start3A_1240 : memref<512xf32, #tpu.memory_space<hbm>>) target_semaphore(%arg11 : memref<!tpu.dma_semaphore, #tpu.memory_space<semaphore_mem>>)
    %add3A_1243 = arith.constant 25 : i32
    %add3A_1244 = arith.addi %mul3A_942, %add3A_1243 : i32
    %dma_start3A_1245 = arith.constant 12800 : i32
    %dma_start3A_1246 = tpu.memref_slice %arg9[%dma_start3A_1245] : memref<16384xf32, #tpu.memory_space<vmem>> -> memref<512xf32, #tpu.memory_space<vmem>>
    %dma_start3A_1247 = arith.constant 0 : i32
    %dma_start3A_1248 = tpu.memref_slice %arg4[%arg0, %add3A_1244, %dma_start3A_1247] : memref<2x512x512xf32, #tpu.memory_space<hbm>> -> memref<1x1x512xf32, #tpu.memory_space<hbm>>
    %dma_start3A_1249 = tpu.memref_squeeze %dma_start3A_1248 : memref<1x1x512xf32, #tpu.memory_space<hbm>> -> memref<512xf32, #tpu.memory_space<hbm>>
    %dma_start3A_1250 = arith.constant 0 : i32
    %dma_start3A_1251 = tpu.memref_slice %arg4[%arg0, %add3A_1244, %dma_start3A_1250] : memref<2x512x512xf32, #tpu.memory_space<hbm>> -> memref<1x1x512xf32, #tpu.memory_space<hbm>>
    %dma_start3A_1252 = tpu.memref_squeeze %dma_start3A_1251 : memref<1x1x512xf32, #tpu.memory_space<hbm>> -> memref<512xf32, #tpu.memory_space<hbm>>
    %dma_start3A_1253 = arith.constant 12800 : i32
    %dma_start3A_1254 = tpu.memref_slice %arg9[%dma_start3A_1253] : memref<16384xf32, #tpu.memory_space<vmem>> -> memref<512xf32, #tpu.memory_space<vmem>>
    tpu.enqueue_dma source(%dma_start3A_1254 : memref<512xf32, #tpu.memory_space<vmem>>) target(%dma_start3A_1252 : memref<512xf32, #tpu.memory_space<hbm>>) target_semaphore(%arg11 : memref<!tpu.dma_semaphore, #tpu.memory_space<semaphore_mem>>)
    %add3A_1255 = arith.constant 26 : i32
    %add3A_1256 = arith.addi %mul3A_942, %add3A_1255 : i32
    %dma_start3A_1257 = arith.constant 13312 : i32
    %dma_start3A_1258 = tpu.memref_slice %arg9[%dma_start3A_1257] : memref<16384xf32, #tpu.memory_space<vmem>> -> memref<512xf32, #tpu.memory_space<vmem>>
    %dma_start3A_1259 = arith.constant 0 : i32
    %dma_start3A_1260 = tpu.memref_slice %arg4[%arg0, %add3A_1256, %dma_start3A_1259] : memref<2x512x512xf32, #tpu.memory_space<hbm>> -> memref<1x1x512xf32, #tpu.memory_space<hbm>>
    %dma_start3A_1261 = tpu.memref_squeeze %dma_start3A_1260 : memref<1x1x512xf32, #tpu.memory_space<hbm>> -> memref<512xf32, #tpu.memory_space<hbm>>
    %dma_start3A_1262 = arith.constant 0 : i32
    %dma_start3A_1263 = tpu.memref_slice %arg4[%arg0, %add3A_1256, %dma_start3A_1262] : memref<2x512x512xf32, #tpu.memory_space<hbm>> -> memref<1x1x512xf32, #tpu.memory_space<hbm>>
    %dma_start3A_1264 = tpu.memref_squeeze %dma_start3A_1263 : memref<1x1x512xf32, #tpu.memory_space<hbm>> -> memref<512xf32, #tpu.memory_space<hbm>>
    %dma_start3A_1265 = arith.constant 13312 : i32
    %dma_start3A_1266 = tpu.memref_slice %arg9[%dma_start3A_1265] : memref<16384xf32, #tpu.memory_space<vmem>> -> memref<512xf32, #tpu.memory_space<vmem>>
    tpu.enqueue_dma source(%dma_start3A_1266 : memref<512xf32, #tpu.memory_space<vmem>>) target(%dma_start3A_1264 : memref<512xf32, #tpu.memory_space<hbm>>) target_semaphore(%arg11 : memref<!tpu.dma_semaphore, #tpu.memory_space<semaphore_mem>>)
    %add3A_1267 = arith.constant 27 : i32
    %add3A_1268 = arith.addi %mul3A_942, %add3A_1267 : i32
    %dma_start3A_1269 = arith.constant 13824 : i32
    %dma_start3A_1270 = tpu.memref_slice %arg9[%dma_start3A_1269] : memref<16384xf32, #tpu.memory_space<vmem>> -> memref<512xf32, #tpu.memory_space<vmem>>
    %dma_start3A_1271 = arith.constant 0 : i32
    %dma_start3A_1272 = tpu.memref_slice %arg4[%arg0, %add3A_1268, %dma_start3A_1271] : memref<2x512x512xf32, #tpu.memory_space<hbm>> -> memref<1x1x512xf32, #tpu.memory_space<hbm>>
    %dma_start3A_1273 = tpu.memref_squeeze %dma_start3A_1272 : memref<1x1x512xf32, #tpu.memory_space<hbm>> -> memref<512xf32, #tpu.memory_space<hbm>>
    %dma_start3A_1274 = arith.constant 0 : i32
    %dma_start3A_1275 = tpu.memref_slice %arg4[%arg0, %add3A_1268, %dma_start3A_1274] : memref<2x512x512xf32, #tpu.memory_space<hbm>> -> memref<1x1x512xf32, #tpu.memory_space<hbm>>
    %dma_start3A_1276 = tpu.memref_squeeze %dma_start3A_1275 : memref<1x1x512xf32, #tpu.memory_space<hbm>> -> memref<512xf32, #tpu.memory_space<hbm>>
    %dma_start3A_1277 = arith.constant 13824 : i32
    %dma_start3A_1278 = tpu.memref_slice %arg9[%dma_start3A_1277] : memref<16384xf32, #tpu.memory_space<vmem>> -> memref<512xf32, #tpu.memory_space<vmem>>
    tpu.enqueue_dma source(%dma_start3A_1278 : memref<512xf32, #tpu.memory_space<vmem>>) target(%dma_start3A_1276 : memref<512xf32, #tpu.memory_space<hbm>>) target_semaphore(%arg11 : memref<!tpu.dma_semaphore, #tpu.memory_space<semaphore_mem>>)
    %add3A_1279 = arith.constant 28 : i32
    %add3A_1280 = arith.addi %mul3A_942, %add3A_1279 : i32
    %dma_start3A_1281 = arith.constant 14336 : i32
    %dma_start3A_1282 = tpu.memref_slice %arg9[%dma_start3A_1281] : memref<16384xf32, #tpu.memory_space<vmem>> -> memref<512xf32, #tpu.memory_space<vmem>>
    %dma_start3A_1283 = arith.constant 0 : i32
    %dma_start3A_1284 = tpu.memref_slice %arg4[%arg0, %add3A_1280, %dma_start3A_1283] : memref<2x512x512xf32, #tpu.memory_space<hbm>> -> memref<1x1x512xf32, #tpu.memory_space<hbm>>
    %dma_start3A_1285 = tpu.memref_squeeze %dma_start3A_1284 : memref<1x1x512xf32, #tpu.memory_space<hbm>> -> memref<512xf32, #tpu.memory_space<hbm>>
    %dma_start3A_1286 = arith.constant 0 : i32
    %dma_start3A_1287 = tpu.memref_slice %arg4[%arg0, %add3A_1280, %dma_start3A_1286] : memref<2x512x512xf32, #tpu.memory_space<hbm>> -> memref<1x1x512xf32, #tpu.memory_space<hbm>>
    %dma_start3A_1288 = tpu.memref_squeeze %dma_start3A_1287 : memref<1x1x512xf32, #tpu.memory_space<hbm>> -> memref<512xf32, #tpu.memory_space<hbm>>
    %dma_start3A_1289 = arith.constant 14336 : i32
    %dma_start3A_1290 = tpu.memref_slice %arg9[%dma_start3A_1289] : memref<16384xf32, #tpu.memory_space<vmem>> -> memref<512xf32, #tpu.memory_space<vmem>>
    tpu.enqueue_dma source(%dma_start3A_1290 : memref<512xf32, #tpu.memory_space<vmem>>) target(%dma_start3A_1288 : memref<512xf32, #tpu.memory_space<hbm>>) target_semaphore(%arg11 : memref<!tpu.dma_semaphore, #tpu.memory_space<semaphore_mem>>)
    %add3A_1291 = arith.constant 29 : i32
    %add3A_1292 = arith.addi %mul3A_942, %add3A_1291 : i32
    %dma_start3A_1293 = arith.constant 14848 : i32
    %dma_start3A_1294 = tpu.memref_slice %arg9[%dma_start3A_1293] : memref<16384xf32, #tpu.memory_space<vmem>> -> memref<512xf32, #tpu.memory_space<vmem>>
    %dma_start3A_1295 = arith.constant 0 : i32
    %dma_start3A_1296 = tpu.memref_slice %arg4[%arg0, %add3A_1292, %dma_start3A_1295] : memref<2x512x512xf32, #tpu.memory_space<hbm>> -> memref<1x1x512xf32, #tpu.memory_space<hbm>>
    %dma_start3A_1297 = tpu.memref_squeeze %dma_start3A_1296 : memref<1x1x512xf32, #tpu.memory_space<hbm>> -> memref<512xf32, #tpu.memory_space<hbm>>
    %dma_start3A_1298 = arith.constant 0 : i32
    %dma_start3A_1299 = tpu.memref_slice %arg4[%arg0, %add3A_1292, %dma_start3A_1298] : memref<2x512x512xf32, #tpu.memory_space<hbm>> -> memref<1x1x512xf32, #tpu.memory_space<hbm>>
    %dma_start3A_1300 = tpu.memref_squeeze %dma_start3A_1299 : memref<1x1x512xf32, #tpu.memory_space<hbm>> -> memref<512xf32, #tpu.memory_space<hbm>>
    %dma_start3A_1301 = arith.constant 14848 : i32
    %dma_start3A_1302 = tpu.memref_slice %arg9[%dma_start3A_1301] : memref<16384xf32, #tpu.memory_space<vmem>> -> memref<512xf32, #tpu.memory_space<vmem>>
    tpu.enqueue_dma source(%dma_start3A_1302 : memref<512xf32, #tpu.memory_space<vmem>>) target(%dma_start3A_1300 : memref<512xf32, #tpu.memory_space<hbm>>) target_semaphore(%arg11 : memref<!tpu.dma_semaphore, #tpu.memory_space<semaphore_mem>>)
    %add3A_1303 = arith.constant 30 : i32
    %add3A_1304 = arith.addi %mul3A_942, %add3A_1303 : i32
    %dma_start3A_1305 = arith.constant 15360 : i32
    %dma_start3A_1306 = tpu.memref_slice %arg9[%dma_start3A_1305] : memref<16384xf32, #tpu.memory_space<vmem>> -> memref<512xf32, #tpu.memory_space<vmem>>
    %dma_start3A_1307 = arith.constant 0 : i32
    %dma_start3A_1308 = tpu.memref_slice %arg4[%arg0, %add3A_1304, %dma_start3A_1307] : memref<2x512x512xf32, #tpu.memory_space<hbm>> -> memref<1x1x512xf32, #tpu.memory_space<hbm>>
    %dma_start3A_1309 = tpu.memref_squeeze %dma_start3A_1308 : memref<1x1x512xf32, #tpu.memory_space<hbm>> -> memref<512xf32, #tpu.memory_space<hbm>>
    %dma_start3A_1310 = arith.constant 0 : i32
    %dma_start3A_1311 = tpu.memref_slice %arg4[%arg0, %add3A_1304, %dma_start3A_1310] : memref<2x512x512xf32, #tpu.memory_space<hbm>> -> memref<1x1x512xf32, #tpu.memory_space<hbm>>
    %dma_start3A_1312 = tpu.memref_squeeze %dma_start3A_1311 : memref<1x1x512xf32, #tpu.memory_space<hbm>> -> memref<512xf32, #tpu.memory_space<hbm>>
    %dma_start3A_1313 = arith.constant 15360 : i32
    %dma_start3A_1314 = tpu.memref_slice %arg9[%dma_start3A_1313] : memref<16384xf32, #tpu.memory_space<vmem>> -> memref<512xf32, #tpu.memory_space<vmem>>
    tpu.enqueue_dma source(%dma_start3A_1314 : memref<512xf32, #tpu.memory_space<vmem>>) target(%dma_start3A_1312 : memref<512xf32, #tpu.memory_space<hbm>>) target_semaphore(%arg11 : memref<!tpu.dma_semaphore, #tpu.memory_space<semaphore_mem>>)
    %add3A_1315 = arith.constant 31 : i32
    %add3A_1316 = arith.addi %mul3A_942, %add3A_1315 : i32
    %dma_start3A_1317 = arith.constant 15872 : i32
    %dma_start3A_1318 = tpu.memref_slice %arg9[%dma_start3A_1317] : memref<16384xf32, #tpu.memory_space<vmem>> -> memref<512xf32, #tpu.memory_space<vmem>>
    %dma_start3A_1319 = arith.constant 0 : i32
    %dma_start3A_1320 = tpu.memref_slice %arg4[%arg0, %add3A_1316, %dma_start3A_1319] : memref<2x512x512xf32, #tpu.memory_space<hbm>> -> memref<1x1x512xf32, #tpu.memory_space<hbm>>
    %dma_start3A_1321 = tpu.memref_squeeze %dma_start3A_1320 : memref<1x1x512xf32, #tpu.memory_space<hbm>> -> memref<512xf32, #tpu.memory_space<hbm>>
    %dma_start3A_1322 = arith.constant 0 : i32
    %dma_start3A_1323 = tpu.memref_slice %arg4[%arg0, %add3A_1316, %dma_start3A_1322] : memref<2x512x512xf32, #tpu.memory_space<hbm>> -> memref<1x1x512xf32, #tpu.memory_space<hbm>>
    %dma_start3A_1324 = tpu.memref_squeeze %dma_start3A_1323 : memref<1x1x512xf32, #tpu.memory_space<hbm>> -> memref<512xf32, #tpu.memory_space<hbm>>
    %dma_start3A_1325 = arith.constant 15872 : i32
    %dma_start3A_1326 = tpu.memref_slice %arg9[%dma_start3A_1325] : memref<16384xf32, #tpu.memory_space<vmem>> -> memref<512xf32, #tpu.memory_space<vmem>>
    tpu.enqueue_dma source(%dma_start3A_1326 : memref<512xf32, #tpu.memory_space<vmem>>) target(%dma_start3A_1324 : memref<512xf32, #tpu.memory_space<hbm>>) target_semaphore(%arg11 : memref<!tpu.dma_semaphore, #tpu.memory_space<semaphore_mem>>)
    %dma_wait3A_1327 = arith.constant 0 : i32
    %dma_wait3A_1328 = tpu.memref_slice %arg9[%dma_wait3A_1327] : memref<16384xf32, #tpu.memory_space<vmem>> -> memref<512xf32, #tpu.memory_space<vmem>>
    %dma_wait3A_1329 = arith.constant 0 : i32
    %dma_wait3A_1330 = tpu.memref_slice %arg4[%arg0, %add3A_944, %dma_wait3A_1329] : memref<2x512x512xf32, #tpu.memory_space<hbm>> -> memref<1x1x512xf32, #tpu.memory_space<hbm>>
    %dma_wait3A_1331 = tpu.memref_squeeze %dma_wait3A_1330 : memref<1x1x512xf32, #tpu.memory_space<hbm>> -> memref<512xf32, #tpu.memory_space<hbm>>
    %dma_wait3A_1332 = arith.constant 0 : i32
    %dma_wait3A_1333 = tpu.memref_slice %arg4[%arg0, %add3A_944, %dma_wait3A_1332] : memref<2x512x512xf32, #tpu.memory_space<hbm>> -> memref<1x1x512xf32, #tpu.memory_space<hbm>>
    %dma_wait3A_1334 = tpu.memref_squeeze %dma_wait3A_1333 : memref<1x1x512xf32, #tpu.memory_space<hbm>> -> memref<512xf32, #tpu.memory_space<hbm>>
    %dma_wait3A_1335 = arith.constant 0 : i32
    %dma_wait3A_1336 = tpu.memref_slice %arg9[%dma_wait3A_1335] : memref<16384xf32, #tpu.memory_space<vmem>> -> memref<512xf32, #tpu.memory_space<vmem>>
    tpu.wait_dma2 semaphore(%arg11 : memref<!tpu.dma_semaphore, #tpu.memory_space<semaphore_mem>>) src(%dma_wait3A_1336 : memref<512xf32, #tpu.memory_space<vmem>>) dst(%dma_wait3A_1334 : memref<512xf32, #tpu.memory_space<hbm>>)
    %dma_wait3A_1337 = arith.constant 512 : i32
    %dma_wait3A_1338 = tpu.memref_slice %arg9[%dma_wait3A_1337] : memref<16384xf32, #tpu.memory_space<vmem>> -> memref<512xf32, #tpu.memory_space<vmem>>
    %dma_wait3A_1339 = arith.constant 0 : i32
    %dma_wait3A_1340 = tpu.memref_slice %arg4[%arg0, %add3A_956, %dma_wait3A_1339] : memref<2x512x512xf32, #tpu.memory_space<hbm>> -> memref<1x1x512xf32, #tpu.memory_space<hbm>>
    %dma_wait3A_1341 = tpu.memref_squeeze %dma_wait3A_1340 : memref<1x1x512xf32, #tpu.memory_space<hbm>> -> memref<512xf32, #tpu.memory_space<hbm>>
    %dma_wait3A_1342 = arith.constant 0 : i32
    %dma_wait3A_1343 = tpu.memref_slice %arg4[%arg0, %add3A_956, %dma_wait3A_1342] : memref<2x512x512xf32, #tpu.memory_space<hbm>> -> memref<1x1x512xf32, #tpu.memory_space<hbm>>
    %dma_wait3A_1344 = tpu.memref_squeeze %dma_wait3A_1343 : memref<1x1x512xf32, #tpu.memory_space<hbm>> -> memref<512xf32, #tpu.memory_space<hbm>>
    %dma_wait3A_1345 = arith.constant 512 : i32
    %dma_wait3A_1346 = tpu.memref_slice %arg9[%dma_wait3A_1345] : memref<16384xf32, #tpu.memory_space<vmem>> -> memref<512xf32, #tpu.memory_space<vmem>>
    tpu.wait_dma2 semaphore(%arg11 : memref<!tpu.dma_semaphore, #tpu.memory_space<semaphore_mem>>) src(%dma_wait3A_1346 : memref<512xf32, #tpu.memory_space<vmem>>) dst(%dma_wait3A_1344 : memref<512xf32, #tpu.memory_space<hbm>>)
    %dma_wait3A_1347 = arith.constant 1024 : i32
    %dma_wait3A_1348 = tpu.memref_slice %arg9[%dma_wait3A_1347] : memref<16384xf32, #tpu.memory_space<vmem>> -> memref<512xf32, #tpu.memory_space<vmem>>
    %dma_wait3A_1349 = arith.constant 0 : i32
    %dma_wait3A_1350 = tpu.memref_slice %arg4[%arg0, %add3A_968, %dma_wait3A_1349] : memref<2x512x512xf32, #tpu.memory_space<hbm>> -> memref<1x1x512xf32, #tpu.memory_space<hbm>>
    %dma_wait3A_1351 = tpu.memref_squeeze %dma_wait3A_1350 : memref<1x1x512xf32, #tpu.memory_space<hbm>> -> memref<512xf32, #tpu.memory_space<hbm>>
    %dma_wait3A_1352 = arith.constant 0 : i32
    %dma_wait3A_1353 = tpu.memref_slice %arg4[%arg0, %add3A_968, %dma_wait3A_1352] : memref<2x512x512xf32, #tpu.memory_space<hbm>> -> memref<1x1x512xf32, #tpu.memory_space<hbm>>
    %dma_wait3A_1354 = tpu.memref_squeeze %dma_wait3A_1353 : memref<1x1x512xf32, #tpu.memory_space<hbm>> -> memref<512xf32, #tpu.memory_space<hbm>>
    %dma_wait3A_1355 = arith.constant 1024 : i32
    %dma_wait3A_1356 = tpu.memref_slice %arg9[%dma_wait3A_1355] : memref<16384xf32, #tpu.memory_space<vmem>> -> memref<512xf32, #tpu.memory_space<vmem>>
    tpu.wait_dma2 semaphore(%arg11 : memref<!tpu.dma_semaphore, #tpu.memory_space<semaphore_mem>>) src(%dma_wait3A_1356 : memref<512xf32, #tpu.memory_space<vmem>>) dst(%dma_wait3A_1354 : memref<512xf32, #tpu.memory_space<hbm>>)
    %dma_wait3A_1357 = arith.constant 1536 : i32
    %dma_wait3A_1358 = tpu.memref_slice %arg9[%dma_wait3A_1357] : memref<16384xf32, #tpu.memory_space<vmem>> -> memref<512xf32, #tpu.memory_space<vmem>>
    %dma_wait3A_1359 = arith.constant 0 : i32
    %dma_wait3A_1360 = tpu.memref_slice %arg4[%arg0, %add3A_980, %dma_wait3A_1359] : memref<2x512x512xf32, #tpu.memory_space<hbm>> -> memref<1x1x512xf32, #tpu.memory_space<hbm>>
    %dma_wait3A_1361 = tpu.memref_squeeze %dma_wait3A_1360 : memref<1x1x512xf32, #tpu.memory_space<hbm>> -> memref<512xf32, #tpu.memory_space<hbm>>
    %dma_wait3A_1362 = arith.constant 0 : i32
    %dma_wait3A_1363 = tpu.memref_slice %arg4[%arg0, %add3A_980, %dma_wait3A_1362] : memref<2x512x512xf32, #tpu.memory_space<hbm>> -> memref<1x1x512xf32, #tpu.memory_space<hbm>>
    %dma_wait3A_1364 = tpu.memref_squeeze %dma_wait3A_1363 : memref<1x1x512xf32, #tpu.memory_space<hbm>> -> memref<512xf32, #tpu.memory_space<hbm>>
    %dma_wait3A_1365 = arith.constant 1536 : i32
    %dma_wait3A_1366 = tpu.memref_slice %arg9[%dma_wait3A_1365] : memref<16384xf32, #tpu.memory_space<vmem>> -> memref<512xf32, #tpu.memory_space<vmem>>
    tpu.wait_dma2 semaphore(%arg11 : memref<!tpu.dma_semaphore, #tpu.memory_space<semaphore_mem>>) src(%dma_wait3A_1366 : memref<512xf32, #tpu.memory_space<vmem>>) dst(%dma_wait3A_1364 : memref<512xf32, #tpu.memory_space<hbm>>)
    %dma_wait3A_1367 = arith.constant 2048 : i32
    %dma_wait3A_1368 = tpu.memref_slice %arg9[%dma_wait3A_1367] : memref<16384xf32, #tpu.memory_space<vmem>> -> memref<512xf32, #tpu.memory_space<vmem>>
    %dma_wait3A_1369 = arith.constant 0 : i32
    %dma_wait3A_1370 = tpu.memref_slice %arg4[%arg0, %add3A_992, %dma_wait3A_1369] : memref<2x512x512xf32, #tpu.memory_space<hbm>> -> memref<1x1x512xf32, #tpu.memory_space<hbm>>
    %dma_wait3A_1371 = tpu.memref_squeeze %dma_wait3A_1370 : memref<1x1x512xf32, #tpu.memory_space<hbm>> -> memref<512xf32, #tpu.memory_space<hbm>>
    %dma_wait3A_1372 = arith.constant 0 : i32
    %dma_wait3A_1373 = tpu.memref_slice %arg4[%arg0, %add3A_992, %dma_wait3A_1372] : memref<2x512x512xf32, #tpu.memory_space<hbm>> -> memref<1x1x512xf32, #tpu.memory_space<hbm>>
    %dma_wait3A_1374 = tpu.memref_squeeze %dma_wait3A_1373 : memref<1x1x512xf32, #tpu.memory_space<hbm>> -> memref<512xf32, #tpu.memory_space<hbm>>
    %dma_wait3A_1375 = arith.constant 2048 : i32
    %dma_wait3A_1376 = tpu.memref_slice %arg9[%dma_wait3A_1375] : memref<16384xf32, #tpu.memory_space<vmem>> -> memref<512xf32, #tpu.memory_space<vmem>>
    tpu.wait_dma2 semaphore(%arg11 : memref<!tpu.dma_semaphore, #tpu.memory_space<semaphore_mem>>) src(%dma_wait3A_1376 : memref<512xf32, #tpu.memory_space<vmem>>) dst(%dma_wait3A_1374 : memref<512xf32, #tpu.memory_space<hbm>>)
    %dma_wait3A_1377 = arith.constant 2560 : i32
    %dma_wait3A_1378 = tpu.memref_slice %arg9[%dma_wait3A_1377] : memref<16384xf32, #tpu.memory_space<vmem>> -> memref<512xf32, #tpu.memory_space<vmem>>
    %dma_wait3A_1379 = arith.constant 0 : i32
    %dma_wait3A_1380 = tpu.memref_slice %arg4[%arg0, %add3A_1004, %dma_wait3A_1379] : memref<2x512x512xf32, #tpu.memory_space<hbm>> -> memref<1x1x512xf32, #tpu.memory_space<hbm>>
    %dma_wait3A_1381 = tpu.memref_squeeze %dma_wait3A_1380 : memref<1x1x512xf32, #tpu.memory_space<hbm>> -> memref<512xf32, #tpu.memory_space<hbm>>
    %dma_wait3A_1382 = arith.constant 0 : i32
    %dma_wait3A_1383 = tpu.memref_slice %arg4[%arg0, %add3A_1004, %dma_wait3A_1382] : memref<2x512x512xf32, #tpu.memory_space<hbm>> -> memref<1x1x512xf32, #tpu.memory_space<hbm>>
    %dma_wait3A_1384 = tpu.memref_squeeze %dma_wait3A_1383 : memref<1x1x512xf32, #tpu.memory_space<hbm>> -> memref<512xf32, #tpu.memory_space<hbm>>
    %dma_wait3A_1385 = arith.constant 2560 : i32
    %dma_wait3A_1386 = tpu.memref_slice %arg9[%dma_wait3A_1385] : memref<16384xf32, #tpu.memory_space<vmem>> -> memref<512xf32, #tpu.memory_space<vmem>>
    tpu.wait_dma2 semaphore(%arg11 : memref<!tpu.dma_semaphore, #tpu.memory_space<semaphore_mem>>) src(%dma_wait3A_1386 : memref<512xf32, #tpu.memory_space<vmem>>) dst(%dma_wait3A_1384 : memref<512xf32, #tpu.memory_space<hbm>>)
    %dma_wait3A_1387 = arith.constant 3072 : i32
    %dma_wait3A_1388 = tpu.memref_slice %arg9[%dma_wait3A_1387] : memref<16384xf32, #tpu.memory_space<vmem>> -> memref<512xf32, #tpu.memory_space<vmem>>
    %dma_wait3A_1389 = arith.constant 0 : i32
    %dma_wait3A_1390 = tpu.memref_slice %arg4[%arg0, %add3A_1016, %dma_wait3A_1389] : memref<2x512x512xf32, #tpu.memory_space<hbm>> -> memref<1x1x512xf32, #tpu.memory_space<hbm>>
    %dma_wait3A_1391 = tpu.memref_squeeze %dma_wait3A_1390 : memref<1x1x512xf32, #tpu.memory_space<hbm>> -> memref<512xf32, #tpu.memory_space<hbm>>
    %dma_wait3A_1392 = arith.constant 0 : i32
    %dma_wait3A_1393 = tpu.memref_slice %arg4[%arg0, %add3A_1016, %dma_wait3A_1392] : memref<2x512x512xf32, #tpu.memory_space<hbm>> -> memref<1x1x512xf32, #tpu.memory_space<hbm>>
    %dma_wait3A_1394 = tpu.memref_squeeze %dma_wait3A_1393 : memref<1x1x512xf32, #tpu.memory_space<hbm>> -> memref<512xf32, #tpu.memory_space<hbm>>
    %dma_wait3A_1395 = arith.constant 3072 : i32
    %dma_wait3A_1396 = tpu.memref_slice %arg9[%dma_wait3A_1395] : memref<16384xf32, #tpu.memory_space<vmem>> -> memref<512xf32, #tpu.memory_space<vmem>>
    tpu.wait_dma2 semaphore(%arg11 : memref<!tpu.dma_semaphore, #tpu.memory_space<semaphore_mem>>) src(%dma_wait3A_1396 : memref<512xf32, #tpu.memory_space<vmem>>) dst(%dma_wait3A_1394 : memref<512xf32, #tpu.memory_space<hbm>>)
    %dma_wait3A_1397 = arith.constant 3584 : i32
    %dma_wait3A_1398 = tpu.memref_slice %arg9[%dma_wait3A_1397] : memref<16384xf32, #tpu.memory_space<vmem>> -> memref<512xf32, #tpu.memory_space<vmem>>
    %dma_wait3A_1399 = arith.constant 0 : i32
    %dma_wait3A_1400 = tpu.memref_slice %arg4[%arg0, %add3A_1028, %dma_wait3A_1399] : memref<2x512x512xf32, #tpu.memory_space<hbm>> -> memref<1x1x512xf32, #tpu.memory_space<hbm>>
    %dma_wait3A_1401 = tpu.memref_squeeze %dma_wait3A_1400 : memref<1x1x512xf32, #tpu.memory_space<hbm>> -> memref<512xf32, #tpu.memory_space<hbm>>
    %dma_wait3A_1402 = arith.constant 0 : i32
    %dma_wait3A_1403 = tpu.memref_slice %arg4[%arg0, %add3A_1028, %dma_wait3A_1402] : memref<2x512x512xf32, #tpu.memory_space<hbm>> -> memref<1x1x512xf32, #tpu.memory_space<hbm>>
    %dma_wait3A_1404 = tpu.memref_squeeze %dma_wait3A_1403 : memref<1x1x512xf32, #tpu.memory_space<hbm>> -> memref<512xf32, #tpu.memory_space<hbm>>
    %dma_wait3A_1405 = arith.constant 3584 : i32
    %dma_wait3A_1406 = tpu.memref_slice %arg9[%dma_wait3A_1405] : memref<16384xf32, #tpu.memory_space<vmem>> -> memref<512xf32, #tpu.memory_space<vmem>>
    tpu.wait_dma2 semaphore(%arg11 : memref<!tpu.dma_semaphore, #tpu.memory_space<semaphore_mem>>) src(%dma_wait3A_1406 : memref<512xf32, #tpu.memory_space<vmem>>) dst(%dma_wait3A_1404 : memref<512xf32, #tpu.memory_space<hbm>>)
    %dma_wait3A_1407 = arith.constant 4096 : i32
    %dma_wait3A_1408 = tpu.memref_slice %arg9[%dma_wait3A_1407] : memref<16384xf32, #tpu.memory_space<vmem>> -> memref<512xf32, #tpu.memory_space<vmem>>
    %dma_wait3A_1409 = arith.constant 0 : i32
    %dma_wait3A_1410 = tpu.memref_slice %arg4[%arg0, %add3A_1040, %dma_wait3A_1409] : memref<2x512x512xf32, #tpu.memory_space<hbm>> -> memref<1x1x512xf32, #tpu.memory_space<hbm>>
    %dma_wait3A_1411 = tpu.memref_squeeze %dma_wait3A_1410 : memref<1x1x512xf32, #tpu.memory_space<hbm>> -> memref<512xf32, #tpu.memory_space<hbm>>
    %dma_wait3A_1412 = arith.constant 0 : i32
    %dma_wait3A_1413 = tpu.memref_slice %arg4[%arg0, %add3A_1040, %dma_wait3A_1412] : memref<2x512x512xf32, #tpu.memory_space<hbm>> -> memref<1x1x512xf32, #tpu.memory_space<hbm>>
    %dma_wait3A_1414 = tpu.memref_squeeze %dma_wait3A_1413 : memref<1x1x512xf32, #tpu.memory_space<hbm>> -> memref<512xf32, #tpu.memory_space<hbm>>
    %dma_wait3A_1415 = arith.constant 4096 : i32
    %dma_wait3A_1416 = tpu.memref_slice %arg9[%dma_wait3A_1415] : memref<16384xf32, #tpu.memory_space<vmem>> -> memref<512xf32, #tpu.memory_space<vmem>>
    tpu.wait_dma2 semaphore(%arg11 : memref<!tpu.dma_semaphore, #tpu.memory_space<semaphore_mem>>) src(%dma_wait3A_1416 : memref<512xf32, #tpu.memory_space<vmem>>) dst(%dma_wait3A_1414 : memref<512xf32, #tpu.memory_space<hbm>>)
    %dma_wait3A_1417 = arith.constant 4608 : i32
    %dma_wait3A_1418 = tpu.memref_slice %arg9[%dma_wait3A_1417] : memref<16384xf32, #tpu.memory_space<vmem>> -> memref<512xf32, #tpu.memory_space<vmem>>
    %dma_wait3A_1419 = arith.constant 0 : i32
    %dma_wait3A_1420 = tpu.memref_slice %arg4[%arg0, %add3A_1052, %dma_wait3A_1419] : memref<2x512x512xf32, #tpu.memory_space<hbm>> -> memref<1x1x512xf32, #tpu.memory_space<hbm>>
    %dma_wait3A_1421 = tpu.memref_squeeze %dma_wait3A_1420 : memref<1x1x512xf32, #tpu.memory_space<hbm>> -> memref<512xf32, #tpu.memory_space<hbm>>
    %dma_wait3A_1422 = arith.constant 0 : i32
    %dma_wait3A_1423 = tpu.memref_slice %arg4[%arg0, %add3A_1052, %dma_wait3A_1422] : memref<2x512x512xf32, #tpu.memory_space<hbm>> -> memref<1x1x512xf32, #tpu.memory_space<hbm>>
    %dma_wait3A_1424 = tpu.memref_squeeze %dma_wait3A_1423 : memref<1x1x512xf32, #tpu.memory_space<hbm>> -> memref<512xf32, #tpu.memory_space<hbm>>
    %dma_wait3A_1425 = arith.constant 4608 : i32
    %dma_wait3A_1426 = tpu.memref_slice %arg9[%dma_wait3A_1425] : memref<16384xf32, #tpu.memory_space<vmem>> -> memref<512xf32, #tpu.memory_space<vmem>>
    tpu.wait_dma2 semaphore(%arg11 : memref<!tpu.dma_semaphore, #tpu.memory_space<semaphore_mem>>) src(%dma_wait3A_1426 : memref<512xf32, #tpu.memory_space<vmem>>) dst(%dma_wait3A_1424 : memref<512xf32, #tpu.memory_space<hbm>>)
    %dma_wait3A_1427 = arith.constant 5120 : i32
    %dma_wait3A_1428 = tpu.memref_slice %arg9[%dma_wait3A_1427] : memref<16384xf32, #tpu.memory_space<vmem>> -> memref<512xf32, #tpu.memory_space<vmem>>
    %dma_wait3A_1429 = arith.constant 0 : i32
    %dma_wait3A_1430 = tpu.memref_slice %arg4[%arg0, %add3A_1064, %dma_wait3A_1429] : memref<2x512x512xf32, #tpu.memory_space<hbm>> -> memref<1x1x512xf32, #tpu.memory_space<hbm>>
    %dma_wait3A_1431 = tpu.memref_squeeze %dma_wait3A_1430 : memref<1x1x512xf32, #tpu.memory_space<hbm>> -> memref<512xf32, #tpu.memory_space<hbm>>
    %dma_wait3A_1432 = arith.constant 0 : i32
    %dma_wait3A_1433 = tpu.memref_slice %arg4[%arg0, %add3A_1064, %dma_wait3A_1432] : memref<2x512x512xf32, #tpu.memory_space<hbm>> -> memref<1x1x512xf32, #tpu.memory_space<hbm>>
    %dma_wait3A_1434 = tpu.memref_squeeze %dma_wait3A_1433 : memref<1x1x512xf32, #tpu.memory_space<hbm>> -> memref<512xf32, #tpu.memory_space<hbm>>
    %dma_wait3A_1435 = arith.constant 5120 : i32
    %dma_wait3A_1436 = tpu.memref_slice %arg9[%dma_wait3A_1435] : memref<16384xf32, #tpu.memory_space<vmem>> -> memref<512xf32, #tpu.memory_space<vmem>>
    tpu.wait_dma2 semaphore(%arg11 : memref<!tpu.dma_semaphore, #tpu.memory_space<semaphore_mem>>) src(%dma_wait3A_1436 : memref<512xf32, #tpu.memory_space<vmem>>) dst(%dma_wait3A_1434 : memref<512xf32, #tpu.memory_space<hbm>>)
    %dma_wait3A_1437 = arith.constant 5632 : i32
    %dma_wait3A_1438 = tpu.memref_slice %arg9[%dma_wait3A_1437] : memref<16384xf32, #tpu.memory_space<vmem>> -> memref<512xf32, #tpu.memory_space<vmem>>
    %dma_wait3A_1439 = arith.constant 0 : i32
    %dma_wait3A_1440 = tpu.memref_slice %arg4[%arg0, %add3A_1076, %dma_wait3A_1439] : memref<2x512x512xf32, #tpu.memory_space<hbm>> -> memref<1x1x512xf32, #tpu.memory_space<hbm>>
    %dma_wait3A_1441 = tpu.memref_squeeze %dma_wait3A_1440 : memref<1x1x512xf32, #tpu.memory_space<hbm>> -> memref<512xf32, #tpu.memory_space<hbm>>
    %dma_wait3A_1442 = arith.constant 0 : i32
    %dma_wait3A_1443 = tpu.memref_slice %arg4[%arg0, %add3A_1076, %dma_wait3A_1442] : memref<2x512x512xf32, #tpu.memory_space<hbm>> -> memref<1x1x512xf32, #tpu.memory_space<hbm>>
    %dma_wait3A_1444 = tpu.memref_squeeze %dma_wait3A_1443 : memref<1x1x512xf32, #tpu.memory_space<hbm>> -> memref<512xf32, #tpu.memory_space<hbm>>
    %dma_wait3A_1445 = arith.constant 5632 : i32
    %dma_wait3A_1446 = tpu.memref_slice %arg9[%dma_wait3A_1445] : memref<16384xf32, #tpu.memory_space<vmem>> -> memref<512xf32, #tpu.memory_space<vmem>>
    tpu.wait_dma2 semaphore(%arg11 : memref<!tpu.dma_semaphore, #tpu.memory_space<semaphore_mem>>) src(%dma_wait3A_1446 : memref<512xf32, #tpu.memory_space<vmem>>) dst(%dma_wait3A_1444 : memref<512xf32, #tpu.memory_space<hbm>>)
    %dma_wait3A_1447 = arith.constant 6144 : i32
    %dma_wait3A_1448 = tpu.memref_slice %arg9[%dma_wait3A_1447] : memref<16384xf32, #tpu.memory_space<vmem>> -> memref<512xf32, #tpu.memory_space<vmem>>
    %dma_wait3A_1449 = arith.constant 0 : i32
    %dma_wait3A_1450 = tpu.memref_slice %arg4[%arg0, %add3A_1088, %dma_wait3A_1449] : memref<2x512x512xf32, #tpu.memory_space<hbm>> -> memref<1x1x512xf32, #tpu.memory_space<hbm>>
    %dma_wait3A_1451 = tpu.memref_squeeze %dma_wait3A_1450 : memref<1x1x512xf32, #tpu.memory_space<hbm>> -> memref<512xf32, #tpu.memory_space<hbm>>
    %dma_wait3A_1452 = arith.constant 0 : i32
    %dma_wait3A_1453 = tpu.memref_slice %arg4[%arg0, %add3A_1088, %dma_wait3A_1452] : memref<2x512x512xf32, #tpu.memory_space<hbm>> -> memref<1x1x512xf32, #tpu.memory_space<hbm>>
    %dma_wait3A_1454 = tpu.memref_squeeze %dma_wait3A_1453 : memref<1x1x512xf32, #tpu.memory_space<hbm>> -> memref<512xf32, #tpu.memory_space<hbm>>
    %dma_wait3A_1455 = arith.constant 6144 : i32
    %dma_wait3A_1456 = tpu.memref_slice %arg9[%dma_wait3A_1455] : memref<16384xf32, #tpu.memory_space<vmem>> -> memref<512xf32, #tpu.memory_space<vmem>>
    tpu.wait_dma2 semaphore(%arg11 : memref<!tpu.dma_semaphore, #tpu.memory_space<semaphore_mem>>) src(%dma_wait3A_1456 : memref<512xf32, #tpu.memory_space<vmem>>) dst(%dma_wait3A_1454 : memref<512xf32, #tpu.memory_space<hbm>>)
    %dma_wait3A_1457 = arith.constant 6656 : i32
    %dma_wait3A_1458 = tpu.memref_slice %arg9[%dma_wait3A_1457] : memref<16384xf32, #tpu.memory_space<vmem>> -> memref<512xf32, #tpu.memory_space<vmem>>
    %dma_wait3A_1459 = arith.constant 0 : i32
    %dma_wait3A_1460 = tpu.memref_slice %arg4[%arg0, %add3A_1100, %dma_wait3A_1459] : memref<2x512x512xf32, #tpu.memory_space<hbm>> -> memref<1x1x512xf32, #tpu.memory_space<hbm>>
    %dma_wait3A_1461 = tpu.memref_squeeze %dma_wait3A_1460 : memref<1x1x512xf32, #tpu.memory_space<hbm>> -> memref<512xf32, #tpu.memory_space<hbm>>
    %dma_wait3A_1462 = arith.constant 0 : i32
    %dma_wait3A_1463 = tpu.memref_slice %arg4[%arg0, %add3A_1100, %dma_wait3A_1462] : memref<2x512x512xf32, #tpu.memory_space<hbm>> -> memref<1x1x512xf32, #tpu.memory_space<hbm>>
    %dma_wait3A_1464 = tpu.memref_squeeze %dma_wait3A_1463 : memref<1x1x512xf32, #tpu.memory_space<hbm>> -> memref<512xf32, #tpu.memory_space<hbm>>
    %dma_wait3A_1465 = arith.constant 6656 : i32
    %dma_wait3A_1466 = tpu.memref_slice %arg9[%dma_wait3A_1465] : memref<16384xf32, #tpu.memory_space<vmem>> -> memref<512xf32, #tpu.memory_space<vmem>>
    tpu.wait_dma2 semaphore(%arg11 : memref<!tpu.dma_semaphore, #tpu.memory_space<semaphore_mem>>) src(%dma_wait3A_1466 : memref<512xf32, #tpu.memory_space<vmem>>) dst(%dma_wait3A_1464 : memref<512xf32, #tpu.memory_space<hbm>>)
    %dma_wait3A_1467 = arith.constant 7168 : i32
    %dma_wait3A_1468 = tpu.memref_slice %arg9[%dma_wait3A_1467] : memref<16384xf32, #tpu.memory_space<vmem>> -> memref<512xf32, #tpu.memory_space<vmem>>
    %dma_wait3A_1469 = arith.constant 0 : i32
    %dma_wait3A_1470 = tpu.memref_slice %arg4[%arg0, %add3A_1112, %dma_wait3A_1469] : memref<2x512x512xf32, #tpu.memory_space<hbm>> -> memref<1x1x512xf32, #tpu.memory_space<hbm>>
    %dma_wait3A_1471 = tpu.memref_squeeze %dma_wait3A_1470 : memref<1x1x512xf32, #tpu.memory_space<hbm>> -> memref<512xf32, #tpu.memory_space<hbm>>
    %dma_wait3A_1472 = arith.constant 0 : i32
    %dma_wait3A_1473 = tpu.memref_slice %arg4[%arg0, %add3A_1112, %dma_wait3A_1472] : memref<2x512x512xf32, #tpu.memory_space<hbm>> -> memref<1x1x512xf32, #tpu.memory_space<hbm>>
    %dma_wait3A_1474 = tpu.memref_squeeze %dma_wait3A_1473 : memref<1x1x512xf32, #tpu.memory_space<hbm>> -> memref<512xf32, #tpu.memory_space<hbm>>
    %dma_wait3A_1475 = arith.constant 7168 : i32
    %dma_wait3A_1476 = tpu.memref_slice %arg9[%dma_wait3A_1475] : memref<16384xf32, #tpu.memory_space<vmem>> -> memref<512xf32, #tpu.memory_space<vmem>>
    tpu.wait_dma2 semaphore(%arg11 : memref<!tpu.dma_semaphore, #tpu.memory_space<semaphore_mem>>) src(%dma_wait3A_1476 : memref<512xf32, #tpu.memory_space<vmem>>) dst(%dma_wait3A_1474 : memref<512xf32, #tpu.memory_space<hbm>>)
    %dma_wait3A_1477 = arith.constant 7680 : i32
    %dma_wait3A_1478 = tpu.memref_slice %arg9[%dma_wait3A_1477] : memref<16384xf32, #tpu.memory_space<vmem>> -> memref<512xf32, #tpu.memory_space<vmem>>
    %dma_wait3A_1479 = arith.constant 0 : i32
    %dma_wait3A_1480 = tpu.memref_slice %arg4[%arg0, %add3A_1124, %dma_wait3A_1479] : memref<2x512x512xf32, #tpu.memory_space<hbm>> -> memref<1x1x512xf32, #tpu.memory_space<hbm>>
    %dma_wait3A_1481 = tpu.memref_squeeze %dma_wait3A_1480 : memref<1x1x512xf32, #tpu.memory_space<hbm>> -> memref<512xf32, #tpu.memory_space<hbm>>
    %dma_wait3A_1482 = arith.constant 0 : i32
    %dma_wait3A_1483 = tpu.memref_slice %arg4[%arg0, %add3A_1124, %dma_wait3A_1482] : memref<2x512x512xf32, #tpu.memory_space<hbm>> -> memref<1x1x512xf32, #tpu.memory_space<hbm>>
    %dma_wait3A_1484 = tpu.memref_squeeze %dma_wait3A_1483 : memref<1x1x512xf32, #tpu.memory_space<hbm>> -> memref<512xf32, #tpu.memory_space<hbm>>
    %dma_wait3A_1485 = arith.constant 7680 : i32
    %dma_wait3A_1486 = tpu.memref_slice %arg9[%dma_wait3A_1485] : memref<16384xf32, #tpu.memory_space<vmem>> -> memref<512xf32, #tpu.memory_space<vmem>>
    tpu.wait_dma2 semaphore(%arg11 : memref<!tpu.dma_semaphore, #tpu.memory_space<semaphore_mem>>) src(%dma_wait3A_1486 : memref<512xf32, #tpu.memory_space<vmem>>) dst(%dma_wait3A_1484 : memref<512xf32, #tpu.memory_space<hbm>>)
    %dma_wait3A_1487 = arith.constant 8192 : i32
    %dma_wait3A_1488 = tpu.memref_slice %arg9[%dma_wait3A_1487] : memref<16384xf32, #tpu.memory_space<vmem>> -> memref<512xf32, #tpu.memory_space<vmem>>
    %dma_wait3A_1489 = arith.constant 0 : i32
    %dma_wait3A_1490 = tpu.memref_slice %arg4[%arg0, %add3A_1136, %dma_wait3A_1489] : memref<2x512x512xf32, #tpu.memory_space<hbm>> -> memref<1x1x512xf32, #tpu.memory_space<hbm>>
    %dma_wait3A_1491 = tpu.memref_squeeze %dma_wait3A_1490 : memref<1x1x512xf32, #tpu.memory_space<hbm>> -> memref<512xf32, #tpu.memory_space<hbm>>
    %dma_wait3A_1492 = arith.constant 0 : i32
    %dma_wait3A_1493 = tpu.memref_slice %arg4[%arg0, %add3A_1136, %dma_wait3A_1492] : memref<2x512x512xf32, #tpu.memory_space<hbm>> -> memref<1x1x512xf32, #tpu.memory_space<hbm>>
    %dma_wait3A_1494 = tpu.memref_squeeze %dma_wait3A_1493 : memref<1x1x512xf32, #tpu.memory_space<hbm>> -> memref<512xf32, #tpu.memory_space<hbm>>
    %dma_wait3A_1495 = arith.constant 8192 : i32
    %dma_wait3A_1496 = tpu.memref_slice %arg9[%dma_wait3A_1495] : memref<16384xf32, #tpu.memory_space<vmem>> -> memref<512xf32, #tpu.memory_space<vmem>>
    tpu.wait_dma2 semaphore(%arg11 : memref<!tpu.dma_semaphore, #tpu.memory_space<semaphore_mem>>) src(%dma_wait3A_1496 : memref<512xf32, #tpu.memory_space<vmem>>) dst(%dma_wait3A_1494 : memref<512xf32, #tpu.memory_space<hbm>>)
    %dma_wait3A_1497 = arith.constant 8704 : i32
    %dma_wait3A_1498 = tpu.memref_slice %arg9[%dma_wait3A_1497] : memref<16384xf32, #tpu.memory_space<vmem>> -> memref<512xf32, #tpu.memory_space<vmem>>
    %dma_wait3A_1499 = arith.constant 0 : i32
    %dma_wait3A_1500 = tpu.memref_slice %arg4[%arg0, %add3A_1148, %dma_wait3A_1499] : memref<2x512x512xf32, #tpu.memory_space<hbm>> -> memref<1x1x512xf32, #tpu.memory_space<hbm>>
    %dma_wait3A_1501 = tpu.memref_squeeze %dma_wait3A_1500 : memref<1x1x512xf32, #tpu.memory_space<hbm>> -> memref<512xf32, #tpu.memory_space<hbm>>
    %dma_wait3A_1502 = arith.constant 0 : i32
    %dma_wait3A_1503 = tpu.memref_slice %arg4[%arg0, %add3A_1148, %dma_wait3A_1502] : memref<2x512x512xf32, #tpu.memory_space<hbm>> -> memref<1x1x512xf32, #tpu.memory_space<hbm>>
    %dma_wait3A_1504 = tpu.memref_squeeze %dma_wait3A_1503 : memref<1x1x512xf32, #tpu.memory_space<hbm>> -> memref<512xf32, #tpu.memory_space<hbm>>
    %dma_wait3A_1505 = arith.constant 8704 : i32
    %dma_wait3A_1506 = tpu.memref_slice %arg9[%dma_wait3A_1505] : memref<16384xf32, #tpu.memory_space<vmem>> -> memref<512xf32, #tpu.memory_space<vmem>>
    tpu.wait_dma2 semaphore(%arg11 : memref<!tpu.dma_semaphore, #tpu.memory_space<semaphore_mem>>) src(%dma_wait3A_1506 : memref<512xf32, #tpu.memory_space<vmem>>) dst(%dma_wait3A_1504 : memref<512xf32, #tpu.memory_space<hbm>>)
    %dma_wait3A_1507 = arith.constant 9216 : i32
    %dma_wait3A_1508 = tpu.memref_slice %arg9[%dma_wait3A_1507] : memref<16384xf32, #tpu.memory_space<vmem>> -> memref<512xf32, #tpu.memory_space<vmem>>
    %dma_wait3A_1509 = arith.constant 0 : i32
    %dma_wait3A_1510 = tpu.memref_slice %arg4[%arg0, %add3A_1160, %dma_wait3A_1509] : memref<2x512x512xf32, #tpu.memory_space<hbm>> -> memref<1x1x512xf32, #tpu.memory_space<hbm>>
    %dma_wait3A_1511 = tpu.memref_squeeze %dma_wait3A_1510 : memref<1x1x512xf32, #tpu.memory_space<hbm>> -> memref<512xf32, #tpu.memory_space<hbm>>
    %dma_wait3A_1512 = arith.constant 0 : i32
    %dma_wait3A_1513 = tpu.memref_slice %arg4[%arg0, %add3A_1160, %dma_wait3A_1512] : memref<2x512x512xf32, #tpu.memory_space<hbm>> -> memref<1x1x512xf32, #tpu.memory_space<hbm>>
    %dma_wait3A_1514 = tpu.memref_squeeze %dma_wait3A_1513 : memref<1x1x512xf32, #tpu.memory_space<hbm>> -> memref<512xf32, #tpu.memory_space<hbm>>
    %dma_wait3A_1515 = arith.constant 9216 : i32
    %dma_wait3A_1516 = tpu.memref_slice %arg9[%dma_wait3A_1515] : memref<16384xf32, #tpu.memory_space<vmem>> -> memref<512xf32, #tpu.memory_space<vmem>>
    tpu.wait_dma2 semaphore(%arg11 : memref<!tpu.dma_semaphore, #tpu.memory_space<semaphore_mem>>) src(%dma_wait3A_1516 : memref<512xf32, #tpu.memory_space<vmem>>) dst(%dma_wait3A_1514 : memref<512xf32, #tpu.memory_space<hbm>>)
    %dma_wait3A_1517 = arith.constant 9728 : i32
    %dma_wait3A_1518 = tpu.memref_slice %arg9[%dma_wait3A_1517] : memref<16384xf32, #tpu.memory_space<vmem>> -> memref<512xf32, #tpu.memory_space<vmem>>
    %dma_wait3A_1519 = arith.constant 0 : i32
    %dma_wait3A_1520 = tpu.memref_slice %arg4[%arg0, %add3A_1172, %dma_wait3A_1519] : memref<2x512x512xf32, #tpu.memory_space<hbm>> -> memref<1x1x512xf32, #tpu.memory_space<hbm>>
    %dma_wait3A_1521 = tpu.memref_squeeze %dma_wait3A_1520 : memref<1x1x512xf32, #tpu.memory_space<hbm>> -> memref<512xf32, #tpu.memory_space<hbm>>
    %dma_wait3A_1522 = arith.constant 0 : i32
    %dma_wait3A_1523 = tpu.memref_slice %arg4[%arg0, %add3A_1172, %dma_wait3A_1522] : memref<2x512x512xf32, #tpu.memory_space<hbm>> -> memref<1x1x512xf32, #tpu.memory_space<hbm>>
    %dma_wait3A_1524 = tpu.memref_squeeze %dma_wait3A_1523 : memref<1x1x512xf32, #tpu.memory_space<hbm>> -> memref<512xf32, #tpu.memory_space<hbm>>
    %dma_wait3A_1525 = arith.constant 9728 : i32
    %dma_wait3A_1526 = tpu.memref_slice %arg9[%dma_wait3A_1525] : memref<16384xf32, #tpu.memory_space<vmem>> -> memref<512xf32, #tpu.memory_space<vmem>>
    tpu.wait_dma2 semaphore(%arg11 : memref<!tpu.dma_semaphore, #tpu.memory_space<semaphore_mem>>) src(%dma_wait3A_1526 : memref<512xf32, #tpu.memory_space<vmem>>) dst(%dma_wait3A_1524 : memref<512xf32, #tpu.memory_space<hbm>>)
    %dma_wait3A_1527 = arith.constant 10240 : i32
    %dma_wait3A_1528 = tpu.memref_slice %arg9[%dma_wait3A_1527] : memref<16384xf32, #tpu.memory_space<vmem>> -> memref<512xf32, #tpu.memory_space<vmem>>
    %dma_wait3A_1529 = arith.constant 0 : i32
    %dma_wait3A_1530 = tpu.memref_slice %arg4[%arg0, %add3A_1184, %dma_wait3A_1529] : memref<2x512x512xf32, #tpu.memory_space<hbm>> -> memref<1x1x512xf32, #tpu.memory_space<hbm>>
    %dma_wait3A_1531 = tpu.memref_squeeze %dma_wait3A_1530 : memref<1x1x512xf32, #tpu.memory_space<hbm>> -> memref<512xf32, #tpu.memory_space<hbm>>
    %dma_wait3A_1532 = arith.constant 0 : i32
    %dma_wait3A_1533 = tpu.memref_slice %arg4[%arg0, %add3A_1184, %dma_wait3A_1532] : memref<2x512x512xf32, #tpu.memory_space<hbm>> -> memref<1x1x512xf32, #tpu.memory_space<hbm>>
    %dma_wait3A_1534 = tpu.memref_squeeze %dma_wait3A_1533 : memref<1x1x512xf32, #tpu.memory_space<hbm>> -> memref<512xf32, #tpu.memory_space<hbm>>
    %dma_wait3A_1535 = arith.constant 10240 : i32
    %dma_wait3A_1536 = tpu.memref_slice %arg9[%dma_wait3A_1535] : memref<16384xf32, #tpu.memory_space<vmem>> -> memref<512xf32, #tpu.memory_space<vmem>>
    tpu.wait_dma2 semaphore(%arg11 : memref<!tpu.dma_semaphore, #tpu.memory_space<semaphore_mem>>) src(%dma_wait3A_1536 : memref<512xf32, #tpu.memory_space<vmem>>) dst(%dma_wait3A_1534 : memref<512xf32, #tpu.memory_space<hbm>>)
    %dma_wait3A_1537 = arith.constant 10752 : i32
    %dma_wait3A_1538 = tpu.memref_slice %arg9[%dma_wait3A_1537] : memref<16384xf32, #tpu.memory_space<vmem>> -> memref<512xf32, #tpu.memory_space<vmem>>
    %dma_wait3A_1539 = arith.constant 0 : i32
    %dma_wait3A_1540 = tpu.memref_slice %arg4[%arg0, %add3A_1196, %dma_wait3A_1539] : memref<2x512x512xf32, #tpu.memory_space<hbm>> -> memref<1x1x512xf32, #tpu.memory_space<hbm>>
    %dma_wait3A_1541 = tpu.memref_squeeze %dma_wait3A_1540 : memref<1x1x512xf32, #tpu.memory_space<hbm>> -> memref<512xf32, #tpu.memory_space<hbm>>
    %dma_wait3A_1542 = arith.constant 0 : i32
    %dma_wait3A_1543 = tpu.memref_slice %arg4[%arg0, %add3A_1196, %dma_wait3A_1542] : memref<2x512x512xf32, #tpu.memory_space<hbm>> -> memref<1x1x512xf32, #tpu.memory_space<hbm>>
    %dma_wait3A_1544 = tpu.memref_squeeze %dma_wait3A_1543 : memref<1x1x512xf32, #tpu.memory_space<hbm>> -> memref<512xf32, #tpu.memory_space<hbm>>
    %dma_wait3A_1545 = arith.constant 10752 : i32
    %dma_wait3A_1546 = tpu.memref_slice %arg9[%dma_wait3A_1545] : memref<16384xf32, #tpu.memory_space<vmem>> -> memref<512xf32, #tpu.memory_space<vmem>>
    tpu.wait_dma2 semaphore(%arg11 : memref<!tpu.dma_semaphore, #tpu.memory_space<semaphore_mem>>) src(%dma_wait3A_1546 : memref<512xf32, #tpu.memory_space<vmem>>) dst(%dma_wait3A_1544 : memref<512xf32, #tpu.memory_space<hbm>>)
    %dma_wait3A_1547 = arith.constant 11264 : i32
    %dma_wait3A_1548 = tpu.memref_slice %arg9[%dma_wait3A_1547] : memref<16384xf32, #tpu.memory_space<vmem>> -> memref<512xf32, #tpu.memory_space<vmem>>
    %dma_wait3A_1549 = arith.constant 0 : i32
    %dma_wait3A_1550 = tpu.memref_slice %arg4[%arg0, %add3A_1208, %dma_wait3A_1549] : memref<2x512x512xf32, #tpu.memory_space<hbm>> -> memref<1x1x512xf32, #tpu.memory_space<hbm>>
    %dma_wait3A_1551 = tpu.memref_squeeze %dma_wait3A_1550 : memref<1x1x512xf32, #tpu.memory_space<hbm>> -> memref<512xf32, #tpu.memory_space<hbm>>
    %dma_wait3A_1552 = arith.constant 0 : i32
    %dma_wait3A_1553 = tpu.memref_slice %arg4[%arg0, %add3A_1208, %dma_wait3A_1552] : memref<2x512x512xf32, #tpu.memory_space<hbm>> -> memref<1x1x512xf32, #tpu.memory_space<hbm>>
    %dma_wait3A_1554 = tpu.memref_squeeze %dma_wait3A_1553 : memref<1x1x512xf32, #tpu.memory_space<hbm>> -> memref<512xf32, #tpu.memory_space<hbm>>
    %dma_wait3A_1555 = arith.constant 11264 : i32
    %dma_wait3A_1556 = tpu.memref_slice %arg9[%dma_wait3A_1555] : memref<16384xf32, #tpu.memory_space<vmem>> -> memref<512xf32, #tpu.memory_space<vmem>>
    tpu.wait_dma2 semaphore(%arg11 : memref<!tpu.dma_semaphore, #tpu.memory_space<semaphore_mem>>) src(%dma_wait3A_1556 : memref<512xf32, #tpu.memory_space<vmem>>) dst(%dma_wait3A_1554 : memref<512xf32, #tpu.memory_space<hbm>>)
    %dma_wait3A_1557 = arith.constant 11776 : i32
    %dma_wait3A_1558 = tpu.memref_slice %arg9[%dma_wait3A_1557] : memref<16384xf32, #tpu.memory_space<vmem>> -> memref<512xf32, #tpu.memory_space<vmem>>
    %dma_wait3A_1559 = arith.constant 0 : i32
    %dma_wait3A_1560 = tpu.memref_slice %arg4[%arg0, %add3A_1220, %dma_wait3A_1559] : memref<2x512x512xf32, #tpu.memory_space<hbm>> -> memref<1x1x512xf32, #tpu.memory_space<hbm>>
    %dma_wait3A_1561 = tpu.memref_squeeze %dma_wait3A_1560 : memref<1x1x512xf32, #tpu.memory_space<hbm>> -> memref<512xf32, #tpu.memory_space<hbm>>
    %dma_wait3A_1562 = arith.constant 0 : i32
    %dma_wait3A_1563 = tpu.memref_slice %arg4[%arg0, %add3A_1220, %dma_wait3A_1562] : memref<2x512x512xf32, #tpu.memory_space<hbm>> -> memref<1x1x512xf32, #tpu.memory_space<hbm>>
    %dma_wait3A_1564 = tpu.memref_squeeze %dma_wait3A_1563 : memref<1x1x512xf32, #tpu.memory_space<hbm>> -> memref<512xf32, #tpu.memory_space<hbm>>
    %dma_wait3A_1565 = arith.constant 11776 : i32
    %dma_wait3A_1566 = tpu.memref_slice %arg9[%dma_wait3A_1565] : memref<16384xf32, #tpu.memory_space<vmem>> -> memref<512xf32, #tpu.memory_space<vmem>>
    tpu.wait_dma2 semaphore(%arg11 : memref<!tpu.dma_semaphore, #tpu.memory_space<semaphore_mem>>) src(%dma_wait3A_1566 : memref<512xf32, #tpu.memory_space<vmem>>) dst(%dma_wait3A_1564 : memref<512xf32, #tpu.memory_space<hbm>>)
    %dma_wait3A_1567 = arith.constant 12288 : i32
    %dma_wait3A_1568 = tpu.memref_slice %arg9[%dma_wait3A_1567] : memref<16384xf32, #tpu.memory_space<vmem>> -> memref<512xf32, #tpu.memory_space<vmem>>
    %dma_wait3A_1569 = arith.constant 0 : i32
    %dma_wait3A_1570 = tpu.memref_slice %arg4[%arg0, %add3A_1232, %dma_wait3A_1569] : memref<2x512x512xf32, #tpu.memory_space<hbm>> -> memref<1x1x512xf32, #tpu.memory_space<hbm>>
    %dma_wait3A_1571 = tpu.memref_squeeze %dma_wait3A_1570 : memref<1x1x512xf32, #tpu.memory_space<hbm>> -> memref<512xf32, #tpu.memory_space<hbm>>
    %dma_wait3A_1572 = arith.constant 0 : i32
    %dma_wait3A_1573 = tpu.memref_slice %arg4[%arg0, %add3A_1232, %dma_wait3A_1572] : memref<2x512x512xf32, #tpu.memory_space<hbm>> -> memref<1x1x512xf32, #tpu.memory_space<hbm>>
    %dma_wait3A_1574 = tpu.memref_squeeze %dma_wait3A_1573 : memref<1x1x512xf32, #tpu.memory_space<hbm>> -> memref<512xf32, #tpu.memory_space<hbm>>
    %dma_wait3A_1575 = arith.constant 12288 : i32
    %dma_wait3A_1576 = tpu.memref_slice %arg9[%dma_wait3A_1575] : memref<16384xf32, #tpu.memory_space<vmem>> -> memref<512xf32, #tpu.memory_space<vmem>>
    tpu.wait_dma2 semaphore(%arg11 : memref<!tpu.dma_semaphore, #tpu.memory_space<semaphore_mem>>) src(%dma_wait3A_1576 : memref<512xf32, #tpu.memory_space<vmem>>) dst(%dma_wait3A_1574 : memref<512xf32, #tpu.memory_space<hbm>>)
    %dma_wait3A_1577 = arith.constant 12800 : i32
    %dma_wait3A_1578 = tpu.memref_slice %arg9[%dma_wait3A_1577] : memref<16384xf32, #tpu.memory_space<vmem>> -> memref<512xf32, #tpu.memory_space<vmem>>
    %dma_wait3A_1579 = arith.constant 0 : i32
    %dma_wait3A_1580 = tpu.memref_slice %arg4[%arg0, %add3A_1244, %dma_wait3A_1579] : memref<2x512x512xf32, #tpu.memory_space<hbm>> -> memref<1x1x512xf32, #tpu.memory_space<hbm>>
    %dma_wait3A_1581 = tpu.memref_squeeze %dma_wait3A_1580 : memref<1x1x512xf32, #tpu.memory_space<hbm>> -> memref<512xf32, #tpu.memory_space<hbm>>
    %dma_wait3A_1582 = arith.constant 0 : i32
    %dma_wait3A_1583 = tpu.memref_slice %arg4[%arg0, %add3A_1244, %dma_wait3A_1582] : memref<2x512x512xf32, #tpu.memory_space<hbm>> -> memref<1x1x512xf32, #tpu.memory_space<hbm>>
    %dma_wait3A_1584 = tpu.memref_squeeze %dma_wait3A_1583 : memref<1x1x512xf32, #tpu.memory_space<hbm>> -> memref<512xf32, #tpu.memory_space<hbm>>
    %dma_wait3A_1585 = arith.constant 12800 : i32
    %dma_wait3A_1586 = tpu.memref_slice %arg9[%dma_wait3A_1585] : memref<16384xf32, #tpu.memory_space<vmem>> -> memref<512xf32, #tpu.memory_space<vmem>>
    tpu.wait_dma2 semaphore(%arg11 : memref<!tpu.dma_semaphore, #tpu.memory_space<semaphore_mem>>) src(%dma_wait3A_1586 : memref<512xf32, #tpu.memory_space<vmem>>) dst(%dma_wait3A_1584 : memref<512xf32, #tpu.memory_space<hbm>>)
    %dma_wait3A_1587 = arith.constant 13312 : i32
    %dma_wait3A_1588 = tpu.memref_slice %arg9[%dma_wait3A_1587] : memref<16384xf32, #tpu.memory_space<vmem>> -> memref<512xf32, #tpu.memory_space<vmem>>
    %dma_wait3A_1589 = arith.constant 0 : i32
    %dma_wait3A_1590 = tpu.memref_slice %arg4[%arg0, %add3A_1256, %dma_wait3A_1589] : memref<2x512x512xf32, #tpu.memory_space<hbm>> -> memref<1x1x512xf32, #tpu.memory_space<hbm>>
    %dma_wait3A_1591 = tpu.memref_squeeze %dma_wait3A_1590 : memref<1x1x512xf32, #tpu.memory_space<hbm>> -> memref<512xf32, #tpu.memory_space<hbm>>
    %dma_wait3A_1592 = arith.constant 0 : i32
    %dma_wait3A_1593 = tpu.memref_slice %arg4[%arg0, %add3A_1256, %dma_wait3A_1592] : memref<2x512x512xf32, #tpu.memory_space<hbm>> -> memref<1x1x512xf32, #tpu.memory_space<hbm>>
    %dma_wait3A_1594 = tpu.memref_squeeze %dma_wait3A_1593 : memref<1x1x512xf32, #tpu.memory_space<hbm>> -> memref<512xf32, #tpu.memory_space<hbm>>
    %dma_wait3A_1595 = arith.constant 13312 : i32
    %dma_wait3A_1596 = tpu.memref_slice %arg9[%dma_wait3A_1595] : memref<16384xf32, #tpu.memory_space<vmem>> -> memref<512xf32, #tpu.memory_space<vmem>>
    tpu.wait_dma2 semaphore(%arg11 : memref<!tpu.dma_semaphore, #tpu.memory_space<semaphore_mem>>) src(%dma_wait3A_1596 : memref<512xf32, #tpu.memory_space<vmem>>) dst(%dma_wait3A_1594 : memref<512xf32, #tpu.memory_space<hbm>>)
    %dma_wait3A_1597 = arith.constant 13824 : i32
    %dma_wait3A_1598 = tpu.memref_slice %arg9[%dma_wait3A_1597] : memref<16384xf32, #tpu.memory_space<vmem>> -> memref<512xf32, #tpu.memory_space<vmem>>
    %dma_wait3A_1599 = arith.constant 0 : i32
    %dma_wait3A_1600 = tpu.memref_slice %arg4[%arg0, %add3A_1268, %dma_wait3A_1599] : memref<2x512x512xf32, #tpu.memory_space<hbm>> -> memref<1x1x512xf32, #tpu.memory_space<hbm>>
    %dma_wait3A_1601 = tpu.memref_squeeze %dma_wait3A_1600 : memref<1x1x512xf32, #tpu.memory_space<hbm>> -> memref<512xf32, #tpu.memory_space<hbm>>
    %dma_wait3A_1602 = arith.constant 0 : i32
    %dma_wait3A_1603 = tpu.memref_slice %arg4[%arg0, %add3A_1268, %dma_wait3A_1602] : memref<2x512x512xf32, #tpu.memory_space<hbm>> -> memref<1x1x512xf32, #tpu.memory_space<hbm>>
    %dma_wait3A_1604 = tpu.memref_squeeze %dma_wait3A_1603 : memref<1x1x512xf32, #tpu.memory_space<hbm>> -> memref<512xf32, #tpu.memory_space<hbm>>
    %dma_wait3A_1605 = arith.constant 13824 : i32
    %dma_wait3A_1606 = tpu.memref_slice %arg9[%dma_wait3A_1605] : memref<16384xf32, #tpu.memory_space<vmem>> -> memref<512xf32, #tpu.memory_space<vmem>>
    tpu.wait_dma2 semaphore(%arg11 : memref<!tpu.dma_semaphore, #tpu.memory_space<semaphore_mem>>) src(%dma_wait3A_1606 : memref<512xf32, #tpu.memory_space<vmem>>) dst(%dma_wait3A_1604 : memref<512xf32, #tpu.memory_space<hbm>>)
    %dma_wait3A_1607 = arith.constant 14336 : i32
    %dma_wait3A_1608 = tpu.memref_slice %arg9[%dma_wait3A_1607] : memref<16384xf32, #tpu.memory_space<vmem>> -> memref<512xf32, #tpu.memory_space<vmem>>
    %dma_wait3A_1609 = arith.constant 0 : i32
    %dma_wait3A_1610 = tpu.memref_slice %arg4[%arg0, %add3A_1280, %dma_wait3A_1609] : memref<2x512x512xf32, #tpu.memory_space<hbm>> -> memref<1x1x512xf32, #tpu.memory_space<hbm>>
    %dma_wait3A_1611 = tpu.memref_squeeze %dma_wait3A_1610 : memref<1x1x512xf32, #tpu.memory_space<hbm>> -> memref<512xf32, #tpu.memory_space<hbm>>
    %dma_wait3A_1612 = arith.constant 0 : i32
    %dma_wait3A_1613 = tpu.memref_slice %arg4[%arg0, %add3A_1280, %dma_wait3A_1612] : memref<2x512x512xf32, #tpu.memory_space<hbm>> -> memref<1x1x512xf32, #tpu.memory_space<hbm>>
    %dma_wait3A_1614 = tpu.memref_squeeze %dma_wait3A_1613 : memref<1x1x512xf32, #tpu.memory_space<hbm>> -> memref<512xf32, #tpu.memory_space<hbm>>
    %dma_wait3A_1615 = arith.constant 14336 : i32
    %dma_wait3A_1616 = tpu.memref_slice %arg9[%dma_wait3A_1615] : memref<16384xf32, #tpu.memory_space<vmem>> -> memref<512xf32, #tpu.memory_space<vmem>>
    tpu.wait_dma2 semaphore(%arg11 : memref<!tpu.dma_semaphore, #tpu.memory_space<semaphore_mem>>) src(%dma_wait3A_1616 : memref<512xf32, #tpu.memory_space<vmem>>) dst(%dma_wait3A_1614 : memref<512xf32, #tpu.memory_space<hbm>>)
    %dma_wait3A_1617 = arith.constant 14848 : i32
    %dma_wait3A_1618 = tpu.memref_slice %arg9[%dma_wait3A_1617] : memref<16384xf32, #tpu.memory_space<vmem>> -> memref<512xf32, #tpu.memory_space<vmem>>
    %dma_wait3A_1619 = arith.constant 0 : i32
    %dma_wait3A_1620 = tpu.memref_slice %arg4[%arg0, %add3A_1292, %dma_wait3A_1619] : memref<2x512x512xf32, #tpu.memory_space<hbm>> -> memref<1x1x512xf32, #tpu.memory_space<hbm>>
    %dma_wait3A_1621 = tpu.memref_squeeze %dma_wait3A_1620 : memref<1x1x512xf32, #tpu.memory_space<hbm>> -> memref<512xf32, #tpu.memory_space<hbm>>
    %dma_wait3A_1622 = arith.constant 0 : i32
    %dma_wait3A_1623 = tpu.memref_slice %arg4[%arg0, %add3A_1292, %dma_wait3A_1622] : memref<2x512x512xf32, #tpu.memory_space<hbm>> -> memref<1x1x512xf32, #tpu.memory_space<hbm>>
    %dma_wait3A_1624 = tpu.memref_squeeze %dma_wait3A_1623 : memref<1x1x512xf32, #tpu.memory_space<hbm>> -> memref<512xf32, #tpu.memory_space<hbm>>
    %dma_wait3A_1625 = arith.constant 14848 : i32
    %dma_wait3A_1626 = tpu.memref_slice %arg9[%dma_wait3A_1625] : memref<16384xf32, #tpu.memory_space<vmem>> -> memref<512xf32, #tpu.memory_space<vmem>>
    tpu.wait_dma2 semaphore(%arg11 : memref<!tpu.dma_semaphore, #tpu.memory_space<semaphore_mem>>) src(%dma_wait3A_1626 : memref<512xf32, #tpu.memory_space<vmem>>) dst(%dma_wait3A_1624 : memref<512xf32, #tpu.memory_space<hbm>>)
    %dma_wait3A_1627 = arith.constant 15360 : i32
    %dma_wait3A_1628 = tpu.memref_slice %arg9[%dma_wait3A_1627] : memref<16384xf32, #tpu.memory_space<vmem>> -> memref<512xf32, #tpu.memory_space<vmem>>
    %dma_wait3A_1629 = arith.constant 0 : i32
    %dma_wait3A_1630 = tpu.memref_slice %arg4[%arg0, %add3A_1304, %dma_wait3A_1629] : memref<2x512x512xf32, #tpu.memory_space<hbm>> -> memref<1x1x512xf32, #tpu.memory_space<hbm>>
    %dma_wait3A_1631 = tpu.memref_squeeze %dma_wait3A_1630 : memref<1x1x512xf32, #tpu.memory_space<hbm>> -> memref<512xf32, #tpu.memory_space<hbm>>
    %dma_wait3A_1632 = arith.constant 0 : i32
    %dma_wait3A_1633 = tpu.memref_slice %arg4[%arg0, %add3A_1304, %dma_wait3A_1632] : memref<2x512x512xf32, #tpu.memory_space<hbm>> -> memref<1x1x512xf32, #tpu.memory_space<hbm>>
    %dma_wait3A_1634 = tpu.memref_squeeze %dma_wait3A_1633 : memref<1x1x512xf32, #tpu.memory_space<hbm>> -> memref<512xf32, #tpu.memory_space<hbm>>
    %dma_wait3A_1635 = arith.constant 15360 : i32
    %dma_wait3A_1636 = tpu.memref_slice %arg9[%dma_wait3A_1635] : memref<16384xf32, #tpu.memory_space<vmem>> -> memref<512xf32, #tpu.memory_space<vmem>>
    tpu.wait_dma2 semaphore(%arg11 : memref<!tpu.dma_semaphore, #tpu.memory_space<semaphore_mem>>) src(%dma_wait3A_1636 : memref<512xf32, #tpu.memory_space<vmem>>) dst(%dma_wait3A_1634 : memref<512xf32, #tpu.memory_space<hbm>>)
    %dma_wait3A_1637 = arith.constant 15872 : i32
    %dma_wait3A_1638 = tpu.memref_slice %arg9[%dma_wait3A_1637] : memref<16384xf32, #tpu.memory_space<vmem>> -> memref<512xf32, #tpu.memory_space<vmem>>
    %dma_wait3A_1639 = arith.constant 0 : i32
    %dma_wait3A_1640 = tpu.memref_slice %arg4[%arg0, %add3A_1316, %dma_wait3A_1639] : memref<2x512x512xf32, #tpu.memory_space<hbm>> -> memref<1x1x512xf32, #tpu.memory_space<hbm>>
    %dma_wait3A_1641 = tpu.memref_squeeze %dma_wait3A_1640 : memref<1x1x512xf32, #tpu.memory_space<hbm>> -> memref<512xf32, #tpu.memory_space<hbm>>
    %dma_wait3A_1642 = arith.constant 0 : i32
    %dma_wait3A_1643 = tpu.memref_slice %arg4[%arg0, %add3A_1316, %dma_wait3A_1642] : memref<2x512x512xf32, #tpu.memory_space<hbm>> -> memref<1x1x512xf32, #tpu.memory_space<hbm>>
    %dma_wait3A_1644 = tpu.memref_squeeze %dma_wait3A_1643 : memref<1x1x512xf32, #tpu.memory_space<hbm>> -> memref<512xf32, #tpu.memory_space<hbm>>
    %dma_wait3A_1645 = arith.constant 15872 : i32
    %dma_wait3A_1646 = tpu.memref_slice %arg9[%dma_wait3A_1645] : memref<16384xf32, #tpu.memory_space<vmem>> -> memref<512xf32, #tpu.memory_space<vmem>>
    tpu.wait_dma2 semaphore(%arg11 : memref<!tpu.dma_semaphore, #tpu.memory_space<semaphore_mem>>) src(%dma_wait3A_1646 : memref<512xf32, #tpu.memory_space<vmem>>) dst(%dma_wait3A_1644 : memref<512xf32, #tpu.memory_space<hbm>>)
    return
  }
}

module attributes {stable_mosaic.version = 14 : i64} {
  func.func @_tc_dense_body(%arg0: memref<2x512x512xf32, #tpu.memory_space<vmem>>, %arg1: memref<512x128xf32, #tpu.memory_space<vmem>>, %arg2: memref<256x128xf32, #tpu.memory_space<vmem>>, %arg3: memref<128xf32, #tpu.memory_space<vmem>>, %arg4: memref<258x2xf32, #tpu.memory_space<vmem>>, %arg5: memref<2xf32, #tpu.memory_space<vmem>>, %arg6: memref<512x128xf32, #tpu.memory_space<vmem>>, %arg7: memref<2x512x512xf32, #tpu.memory_space<vmem>>) attributes {dimension_semantics = [], scalar_prefetch = 0 : i64, scratch_operands = 0 : i64, tpu.core_type = #tpu.core_type<tc>} {
    %get3A = arith.constant 0 : index
    %get3A_0 = arith.constant 0 : index
    %get3A_1 = vector.load %arg1[%get3A, %get3A_0] : memref<512x128xf32, #tpu.memory_space<vmem>>, vector<512x128xf32>
    %get3A_2 = arith.constant 0 : index
    %get3A_3 = arith.constant 0 : index
    %get3A_4 = arith.constant 0 : index
    %get3A_5 = vector.load %arg0[%get3A_2, %get3A_3, %get3A_4] : memref<2x512x512xf32, #tpu.memory_space<vmem>>, vector<1x512x512xf32>
    %get3A_6 = vector.shape_cast %get3A_5 : vector<1x512x512xf32> to vector<512x512xf32>
    %get3A_7 = arith.constant 1 : index
    %get3A_8 = arith.constant 0 : index
    %get3A_9 = arith.constant 0 : index
    %get3A_10 = vector.load %arg0[%get3A_7, %get3A_8, %get3A_9] : memref<2x512x512xf32, #tpu.memory_space<vmem>>, vector<1x512x512xf32>
    %get3A_11 = vector.shape_cast %get3A_10 : vector<1x512x512xf32> to vector<512x512xf32>
    %dot_general3A = arith.constant dense<0.000000e+00> : vector<512x128xf32>
    %dot_general3A_12 = tpu.matmul %get3A_6, %get3A_1, %dot_general3A {dimension_numbers = #tpu.dot_dimension_numbers<[0], [0], [1], [1], [0, 1, 1, 1], [], []>, transpose_lhs_hint = false} : vector<512x512xf32>, vector<512x128xf32>, vector<512x128xf32> -> vector<512x128xf32>
    %dot_general3A_13 = arith.constant dense<0.000000e+00> : vector<512x128xf32>
    %dot_general3A_14 = tpu.matmul %get3A_11, %get3A_1, %dot_general3A_13 {dimension_numbers = #tpu.dot_dimension_numbers<[0], [0], [1], [1], [0, 1, 1, 1], [], []>, transpose_lhs_hint = false} : vector<512x512xf32>, vector<512x128xf32>, vector<512x128xf32> -> vector<512x128xf32>
    %add3A = arith.addf %dot_general3A_12, %get3A_1 : vector<512x128xf32>
    %add3A_15 = arith.addf %dot_general3A_14, %get3A_1 : vector<512x128xf32>
    %get3A_16 = arith.constant 0 : index
    %get3A_17 = arith.constant 0 : index
    %get3A_18 = vector.load %arg2[%get3A_16, %get3A_17] : memref<256x128xf32, #tpu.memory_space<vmem>>, vector<128x128xf32>
    %dot_general3A_19 = arith.constant dense<0.000000e+00> : vector<512x128xf32>
    %dot_general3A_20 = tpu.matmul %add3A, %get3A_18, %dot_general3A_19 {dimension_numbers = #tpu.dot_dimension_numbers<[1], [0], [0], [1], [0, 0, 1, 1], [], []>, precision = #tpu.contract_precision<fp32>, transpose_lhs_hint = false} : vector<512x128xf32>, vector<128x128xf32>, vector<512x128xf32> -> vector<512x128xf32>
    %get3A_21 = arith.constant 128 : index
    %get3A_22 = arith.constant 0 : index
    %get3A_23 = vector.load %arg2[%get3A_21, %get3A_22] : memref<256x128xf32, #tpu.memory_space<vmem>>, vector<128x128xf32>
    %dot_general3A_24 = arith.constant dense<0.000000e+00> : vector<512x128xf32>
    %dot_general3A_25 = tpu.matmul %add3A_15, %get3A_23, %dot_general3A_24 {dimension_numbers = #tpu.dot_dimension_numbers<[1], [0], [0], [1], [0, 0, 1, 1], [], []>, precision = #tpu.contract_precision<fp32>, transpose_lhs_hint = false} : vector<512x128xf32>, vector<128x128xf32>, vector<512x128xf32> -> vector<512x128xf32>
    %add3A_26 = arith.addf %dot_general3A_20, %dot_general3A_25 : vector<512x128xf32>
    %get3A_27 = arith.constant 0 : index
    %get3A_28 = vector.load %arg3[%get3A_27] : memref<128xf32, #tpu.memory_space<vmem>>, vector<128xf32>
    %broadcast_in_dim3A = vector.shape_cast %get3A_28 : vector<128xf32> to vector<1x128xf32>
    %add3A_29 = vector.broadcast %broadcast_in_dim3A : vector<1x128xf32> to vector<512x128xf32>
    %add3A_30 = arith.addf %add3A_26, %add3A_29 : vector<512x128xf32>
    %swap3A = arith.constant 0 : index
    %swap3A_31 = arith.constant 0 : index
    %swap3A_32 = vector.load %arg6[%swap3A, %swap3A_31] : memref<512x128xf32, #tpu.memory_space<vmem>>, vector<512x128xf32>
    tpu.vector_store %arg6[%swap3A, %swap3A_31], %add3A_30 {strides = array<i32>} : memref<512x128xf32, #tpu.memory_space<vmem>>, vector<512x128xf32>,
    %transpose3A = tpu.transpose %get3A_6, [1, 0] : vector<512x512xf32> -> vector<512x512xf32>
    %add3A_33 = arith.addf %get3A_6, %transpose3A : vector<512x512xf32>
    %transpose3A_34 = tpu.transpose %get3A_11, [1, 0] : vector<512x512xf32> -> vector<512x512xf32>
    %add3A_35 = arith.addf %get3A_11, %transpose3A_34 : vector<512x512xf32>
    %get3A_36 = arith.constant 2 : index
    %get3A_37 = arith.constant 0 : index
    %get3A_38 = vector.load %arg4[%get3A_36, %get3A_37] : memref<258x2xf32, #tpu.memory_space<vmem>>, vector<128x2xf32>
    %get3A_39 = arith.constant 130 : index
    %get3A_40 = arith.constant 0 : index
    %get3A_41 = vector.load %arg4[%get3A_39, %get3A_40] : memref<258x2xf32, #tpu.memory_space<vmem>>, vector<128x2xf32>
    %add3A_42 = arith.addf %get3A_38, %get3A_41 : vector<128x2xf32>
    %dot_general3A_43 = arith.constant dense<0.000000e+00> : vector<512x2xf32>
    %dot_general3A_44 = tpu.matmul %add3A_30, %add3A_42, %dot_general3A_43 {dimension_numbers = #tpu.dot_dimension_numbers<[1], [0], [0], [1], [0, 0, 1, 1], [], []>, precision = #tpu.contract_precision<fp32>, transpose_lhs_hint = false} : vector<512x128xf32>, vector<128x2xf32>, vector<512x2xf32> -> vector<512x2xf32>
    %dot_general3A_45 = arith.constant dense<0.000000e+00> : vector<2x512xf32>
    %dot_general3A_46 = tpu.matmul %add3A_42, %add3A_30, %dot_general3A_45 {dimension_numbers = #tpu.dot_dimension_numbers<[0], [1], [1], [0], [0, 1, 1, 0], [], []>, precision = #tpu.contract_precision<fp32>, transpose_lhs_hint = false} : vector<128x2xf32>, vector<512x128xf32>, vector<2x512xf32> -> vector<2x512xf32>
    %get3A_47 = arith.constant 0 : index
    %get3A_48 = arith.constant 0 : index
    %get3A_49 = vector.load %arg4[%get3A_47, %get3A_48] : memref<258x2xf32, #tpu.memory_space<vmem>>, vector<1x1xf32>
    %mul3A = vector.broadcast %get3A_49 : vector<1x1xf32> to vector<512x512xf32>
    %mul3A_50 = arith.mulf %add3A_33, %mul3A : vector<512x512xf32>
    %get3A_51 = arith.constant 1 : index
    %get3A_52 = arith.constant 0 : index
    %get3A_53 = vector.load %arg4[%get3A_51, %get3A_52] : memref<258x2xf32, #tpu.memory_space<vmem>>, vector<1x1xf32>
    %mul3A_54 = vector.broadcast %get3A_53 : vector<1x1xf32> to vector<512x512xf32>
    %mul3A_55 = arith.mulf %add3A_35, %mul3A_54 : vector<512x512xf32>
    %add3A_56 = arith.addf %mul3A_50, %mul3A_55 : vector<512x512xf32>
    %slice3A = vector.extract_strided_slice %dot_general3A_44 {offsets = [0, 0], sizes = [512, 1], strides = [1, 1]} : vector<512x2xf32> to vector<512x1xf32>
    %add3A_57 = vector.broadcast %slice3A : vector<512x1xf32> to vector<512x512xf32>
    %add3A_58 = arith.addf %add3A_56, %add3A_57 : vector<512x512xf32>
    %slice3A_59 = vector.extract_strided_slice %dot_general3A_46 {offsets = [0, 0], sizes = [1, 512], strides = [1, 1]} : vector<2x512xf32> to vector<1x512xf32>
    %add3A_60 = vector.broadcast %slice3A_59 : vector<1x512xf32> to vector<512x512xf32>
    %add3A_61 = arith.addf %add3A_58, %add3A_60 : vector<512x512xf32>
    %get3A_62 = arith.constant 0 : index
    %get3A_63 = vector.load %arg5[%get3A_62] : memref<2xf32, #tpu.memory_space<vmem>>, vector<1xf32>
    %mul3A_64 = arith.constant 2.000000e+00 : f32
    %mul3A_65 = vector.broadcast %mul3A_64 : f32 to vector<1xf32>
    %mul3A_66 = arith.mulf %mul3A_65, %get3A_63 : vector<1xf32>
    %broadcast_in_dim3A_67 = vector.shape_cast %mul3A_66 : vector<1xf32> to vector<1x1xf32>
    %add3A_68 = vector.broadcast %broadcast_in_dim3A_67 : vector<1x1xf32> to vector<512x512xf32>
    %add3A_69 = arith.addf %add3A_61, %add3A_68 : vector<512x512xf32>
    %swap3A_70 = arith.constant 0 : index
    %swap3A_71 = arith.constant 0 : index
    %swap3A_72 = arith.constant 0 : index
    %swap3A_73 = vector.load %arg7[%swap3A_70, %swap3A_71, %swap3A_72] : memref<2x512x512xf32, #tpu.memory_space<vmem>>, vector<1x512x512xf32>
    %swap3A_74 = vector.shape_cast %swap3A_73 : vector<1x512x512xf32> to vector<512x512xf32>
    %swap3A_75 = vector.shape_cast %add3A_69 : vector<512x512xf32> to vector<1x512x512xf32>
    tpu.vector_store %arg7[%swap3A_70, %swap3A_71, %swap3A_72], %swap3A_75 {strides = array<i32>} : memref<2x512x512xf32, #tpu.memory_space<vmem>>, vector<1x512x512xf32>,
    %get3A_76 = arith.constant 0 : index
    %get3A_77 = arith.constant 1 : index
    %get3A_78 = vector.load %arg4[%get3A_76, %get3A_77] : memref<258x2xf32, #tpu.memory_space<vmem>>, vector<1x1xf32>
    %mul3A_79 = vector.broadcast %get3A_78 : vector<1x1xf32> to vector<512x512xf32>
    %mul3A_80 = arith.mulf %add3A_33, %mul3A_79 : vector<512x512xf32>
    %get3A_81 = arith.constant 1 : index
    %get3A_82 = arith.constant 1 : index
    %get3A_83 = vector.load %arg4[%get3A_81, %get3A_82] : memref<258x2xf32, #tpu.memory_space<vmem>>, vector<1x1xf32>
    %mul3A_84 = vector.broadcast %get3A_83 : vector<1x1xf32> to vector<512x512xf32>
    %mul3A_85 = arith.mulf %add3A_35, %mul3A_84 : vector<512x512xf32>
    %add3A_86 = arith.addf %mul3A_80, %mul3A_85 : vector<512x512xf32>
    %slice3A_87 = vector.extract_strided_slice %dot_general3A_44 {offsets = [0, 1], sizes = [512, 1], strides = [1, 1]} : vector<512x2xf32> to vector<512x1xf32>
    %add3A_88 = vector.broadcast %slice3A_87 : vector<512x1xf32> to vector<512x512xf32>
    %add3A_89 = arith.addf %add3A_86, %add3A_88 : vector<512x512xf32>
    %slice3A_90 = vector.extract_strided_slice %dot_general3A_46 {offsets = [1, 0], sizes = [1, 512], strides = [1, 1]} : vector<2x512xf32> to vector<1x512xf32>
    %add3A_91 = vector.broadcast %slice3A_90 : vector<1x512xf32> to vector<512x512xf32>
    %add3A_92 = arith.addf %add3A_89, %add3A_91 : vector<512x512xf32>
    %get3A_93 = arith.constant 1 : index
    %get3A_94 = vector.load %arg5[%get3A_93] : memref<2xf32, #tpu.memory_space<vmem>>, vector<1xf32>
    %mul3A_95 = arith.constant 2.000000e+00 : f32
    %mul3A_96 = vector.broadcast %mul3A_95 : f32 to vector<1xf32>
    %mul3A_97 = arith.mulf %mul3A_96, %get3A_94 : vector<1xf32>
    %broadcast_in_dim3A_98 = vector.shape_cast %mul3A_97 : vector<1xf32> to vector<1x1xf32>
    %add3A_99 = vector.broadcast %broadcast_in_dim3A_98 : vector<1x1xf32> to vector<512x512xf32>
    %add3A_100 = arith.addf %add3A_92, %add3A_99 : vector<512x512xf32>
    %swap3A_101 = arith.constant 1 : index
    %swap3A_102 = arith.constant 0 : index
    %swap3A_103 = arith.constant 0 : index
    %swap3A_104 = vector.load %arg7[%swap3A_101, %swap3A_102, %swap3A_103] : memref<2x512x512xf32, #tpu.memory_space<vmem>>, vector<1x512x512xf32>
    %swap3A_105 = vector.shape_cast %swap3A_104 : vector<1x512x512xf32> to vector<512x512xf32>
    %swap3A_106 = vector.shape_cast %add3A_100 : vector<512x512xf32> to vector<1x512x512xf32>
    tpu.vector_store %arg7[%swap3A_101, %swap3A_102, %swap3A_103], %swap3A_106 {strides = array<i32>} : memref<2x512x512xf32, #tpu.memory_space<vmem>>, vector<1x512x512xf32>,
    return
  }
}

</mosaic_0001>

<sc_bundles>
// kernel: kernel.4.cloned.1.call-start
scs
__scs_entry_jumppad:
0x0: {  	(pc) =	sbr.rel $0x88, $3  }
0x1: {  	(tag) =	ssettag $0x0;
	lr =	simm.s32 $0x1  }
0x2: {  	[smem:$0x3F98] =	sst lr;
	_ =	strace $0xD0000000  }
0x3: {  	_ = 	snop  }
0x4: {  	_ = 	snop  }
0x5: {  	_ = 	snop  }
0x6: {  	_ = 	snop  }
0x7: {  	_ = 	snop  }
__scs_overlays_trampoline_lowered:
0x8: {  	[smem:$0x3FA7] =	sst s0  }
0x9: {  	[smem:$0x3FA8] =	sst s1  }
0xa: {  	[smem:$0x3FA9] =	sst s2  }
0xb: {  	[smem:$0x3FAA] =	sst s3  }
0xc: {  	[smem:$0x3FAB] =	sst s4  }
0xd: {  	[smem:$0x3FAC] =	sst s5  }
0xe: {  	[smem:$0x3FAD] =	sst s6  }
0xf: {  	[smem:$0x3FAE] =	sst s7  }
0x10: {  	[smem:$0x3FAF] =	sst s8  }
0x11: {  	[smem:$0x3FB0] =	sst s9;
	s0 =	simm.s32 @!p0 $0x0  }
0x12: {  	s1 =	sld [smem:$0x3F96];
	s0 =	simm.s32 @p0 $0x1  }
0x13: {  	[smem:$0x3FB1] =	sst s0;
	s0 =	simm.s32 @!p1 $0x0  }
0x14: {  	s2 =	sld [smem:$0x3F95];
	s0 =	simm.s32 @p1 $0x1  }
0x15: {  	[smem:$0x3FB2] =	sst s0;
	s0 =	simm.s32 @!p2 $0x0  }
0x16: {  	s3 =	sld [smem:$0x3FDB];
	s0 =	simm.s32 @p2 $0x1  }
0x17: {  	s4 =	simm.s32 $0x1BF5;
	[smem:$0x3FB4] =	sst s0  }
0x18: {  	s0 =	sld [smem:$0x3F97];
	_ =	swait.ge [sflag:s4], $0x0  }
0x19: {  	s7 =	sld [smem:$0x3F98]  }
0x1a: {  	s8 =	sadd.s32 $0xFFFFE003, lr  }
0x1b: {  	s9 =	sadd.s32 $0xFFFFFEF7, lr;
	s5 =	simm.s32 $0xFFFFFFFF;
	p2 =	slt.u32 s8, $0xFFFFF086  }
0x1c: {  	p1 =	slt.u32 s9, $0xF7A;
	s5 =	simm.s32 @!p2 $0x0  }
0x1d: {  	s5 =	simm.s32 @p1 $0x1;
	p0 =	seq.s32 s7, s2  }
0x1e: {  	s7 =	smul.u32 @!p0 $0xF7A, s2;
	p2 =	seq.s32 @!p0 s5, $0x0  }
0x1f: {  	s9 =	smul.u32 $0xF7A, s1;
	s8 =	simm.s32 @!p0 $0x1BF5;
	p2 =	por !p2, p0  }
0x20: {  	[sflag:s8] =	ssyncset.s32 @!p0 $0xFFFFF086;
	s6 =	sadd.s32 @!p0 s3, s7;
	s7 =	simm.s32 @!p0 $0x108  }
0x21: {  	s3 =	sadd.s32 s3, s9;
	s6 =	sadd.s32 @!p0 $0x88, s6;
	s7 =	simm.s32 @p2 $0x1082  }
0x22: {  	[simem:s7], [sflag:s8] =	dma.local @!p0 [hbm:s6], $0xF7A  }
0x23: {  	s9 =	sor.u32 $0xD0000000, s2;
	s6 =	simm.s32 $0x108;
	_ =	swait.ge @!p0 [sflag:s8], $0x0  }
0x24: {  	s3 =	sadd.s32 $0x88, s3;
	s6 =	simm.s32 @!p1 $0x1082;
	[sflag:s4] =	ssyncset.s32 $0xFFFFF086  }
0x25: {  	[simem:s6], [sflag:s4] =	dma.local [hbm:s3], $0xF7A  }
0x26: {  	[smem:$0x3F98] =	sst s1;
	(tag) =	ssettag s2;
	_ =	strace s9  }
0x27: {  	s1 =	sld [smem:$0x3FA8]  }
0x28: {  	s2 =	sld [smem:$0x3FA9]  }
0x29: {  	s4 =	sld [smem:$0x3FAB]  }
0x2a: {  	p0 =	seq.s32 s5, $0x0;
	s5 =	sld [smem:$0x3FAC]  }
0x2b: {  	s6 =	sld [smem:$0x3FAD]  }
0x2c: {  	s7 =	sld [smem:$0x3FAE]  }
0x2d: {  	s3 =	simm.s32 $0x108;
	s8 =	sld [smem:$0x3FAF]  }
0x2e: {  	s3 =	simm.s32 @!p0 $0x1082;
	s9 =	sld [smem:$0x3FB0]  }
0x2f: {  	lr =	sadd.s32 s0, s3;
	s0 =	sld [smem:$0x3FA7]  }
0x30: {  	s3 =	sld [smem:$0x3FAA]  }
0x31: {  	[smem:$0x3FB3] =	sst s10  }
0x32: {  	s10 =	sld [smem:$0x3FB1];
	_ =	sdelay $0x3  }
0x33: {  	p0 =	seq.s32 s10, $0x1;
	s10 =	sld [smem:$0x3FB3];
	_ =	sdelay $0x3  }
0x34: {  	[smem:$0x3FB3] =	sst s10  }
0x35: {  	s10 =	sld [smem:$0x3FB2];
	_ =	sdelay $0x3  }
0x36: {  	p1 =	seq.s32 s10, $0x1;
	s10 =	sld [smem:$0x3FB3];
	_ =	sdelay $0x3  }
0x37: {  	[smem:$0x3FB3] =	sst s10  }
0x38: {  	s10 =	sld [smem:$0x3FB4]  }
0x39: {  	_ = 	snop;
	(pc) =	sbr.ind lr, $3  }
0x3a: {  	_ = 	snop  }
0x3b: {  	_ = 	snop  }
0x3c: {  	p2 =	seq.s32 s10, $0x1;
	s10 =	sld [smem:$0x3FB3]  }
0x3d: {  	_ =	shalt  }
0x3e: {  	_ =	shalt  }
0x3f: {  	_ =	shalt  }
0x40: {  	_ =	shalt  }
0x41: {  	_ =	shalt  }
0x42: {  	_ =	shalt  }
0x43: {  	_ =	shalt  }
0x44: {  	_ =	shalt  }
0x45: {  	_ =	shalt  }
0x46: {  	_ =	shalt  }
0x47: {  	_ =	shalt  }
0x48: {  	_ =	shalt  }
0x49: {  	_ =	shalt  }
0x4a: {  	_ =	shalt  }
0x4b: {  	_ =	shalt  }
0x4c: {  	_ =	shalt  }
0x4d: {  	_ =	shalt  }
0x4e: {  	_ =	shalt  }
0x4f: {  	_ =	shalt  }
0x50: {  	_ =	shalt  }
0x51: {  	_ =	shalt  }
0x52: {  	_ =	shalt  }
0x53: {  	_ =	shalt  }
0x54: {  	_ =	shalt  }
0x55: {  	_ =	shalt  }
0x56: {  	_ =	shalt  }
0x57: {  	_ =	shalt  }
0x58: {  	_ =	shalt  }
0x59: {  	_ =	shalt  }
0x5a: {  	_ =	shalt  }
0x5b: {  	_ =	shalt  }
0x5c: {  	_ =	shalt  }
0x5d: {  	_ =	shalt  }
0x5e: {  	_ =	shalt  }
0x5f: {  	_ =	shalt  }
0x60: {  	_ =	shalt  }
0x61: {  	_ =	shalt  }
0x62: {  	_ =	shalt  }
0x63: {  	_ =	shalt  }
0x64: {  	_ =	shalt  }
0x65: {  	_ =	shalt  }
0x66: {  	_ =	shalt  }
0x67: {  	_ =	shalt  }
0x68: {  	_ =	shalt  }
0x69: {  	_ =	shalt  }
0x6a: {  	_ =	shalt  }
0x6b: {  	_ =	shalt  }
0x6c: {  	_ =	shalt  }
0x6d: {  	_ =	shalt  }
0x6e: {  	_ =	shalt  }
0x6f: {  	_ =	shalt  }
0x70: {  	_ =	shalt  }
0x71: {  	_ =	shalt  }
0x72: {  	_ =	shalt  }
0x73: {  	_ =	shalt  }
0x74: {  	_ =	shalt  }
0x75: {  	_ =	shalt  }
0x76: {  	_ =	shalt  }
0x77: {  	_ =	shalt  }
0x78: {  	_ =	shalt  }
0x79: {  	_ =	shalt  }
0x7a: {  	_ =	shalt  }
0x7b: {  	_ =	shalt  }
0x7c: {  	_ =	shalt  }
0x7d: {  	_ =	shalt  }
0x7e: {  	_ =	shalt  }
0x7f: {  	_ =	shalt  }
0x80: {  	_ =	shalt  }
0x81: {  	_ =	shalt  }
0x82: {  	_ =	shalt  }
0x83: {  	_ =	shalt  }
0x84: {  	_ =	shalt  }
0x85: {  	_ =	shalt  }
0x86: {  	_ =	shalt  }
0x87: {  	_ =	shalt  }
.Lfunc_end0:
.L_simem_size_0:
called_computation_lowered:
.L_overlay_start_0:
0x88: {  	s2 =	sld [smem:$0x3FD9]  }
0x89: {  	s3 =	sld [smem:$0x3FFE];
	_ =	sdelay $0x1  }
0x8a: {  	s1 =	srdreg.scid  }
0x8b: {  	s0 =	sand.u32 $0x1, s1  }
0x8c: {  	s14 =	sshll.u32 s0, $0xA;
	s2 =	sadd.s32 s3, s2  }
0x8d: {  	s2 =	sadd.s32 s2, s14  }
0x8e: {  	[smem:$0x3FBF] =	sst s2  }
0x8f: {  	_ = 	snop  }
0x90: {  	s2 =	sld [smem:$0x3FD0];
	_ =	sdelay $0x2  }
0x91: {  	s15 =	simm.s32 $0xA;
	s4 =	simm.s32 $0x10  }
0x92: {  	[smem:s4], [sflag:s15] =	dma.local [hbm:s2], $0x1  }
0x93: {  	_ =	swait.eq [sflag:s15], $0x1  }
0x94: {  	[sflag:s15] =	ssyncset.done $0x0  }
0x95: {  	s16 =	sld [smem:$0x10];
	[sflag:s15] =	ssyncadd.s32 $0xFFFFFFFF  }
0x96: {  	s17 =	sld [smem:$0x11];
	(tm) =	ssettm $0x1  }
0x97: {  	s18 =	sld [smem:$0x3FFB];
	_ =	sdelay $0x3  }
0x98: {  	_ =	strace s18  }
0x99: {  	s4 =	sld [smem:$0x3FFC];
	_ =	sdelay $0x3  }
0x9a: {  	_ =	strace s4  }
0x9b: {  	s4 =	sld [smem:$0x3FFD];
	_ =	sdelay $0x3  }
0x9c: {  	_ =	strace s4  }
0x9d: {  	_ =	strace $0x8FFFFFFF  }
0x9e: {  	s19 =	sld [smem:$0x3FDB];
	_ =	sdelay $0x1  }
0x9f: {  	s5 =	simm.s32 $_scs_section_size  }
0xa0: {  	s6 =	simm.s32 $_size__tile_overlayer_lowered;
	s7 =	simm.s32 $_tile_overlayer_lowered  }
0xa1: {  	s22 =	simm.s32 $0x1BFF;
	s21 =	sshll.u32 s7, $0x1;
	s4 =	sadd.s32 s5, s19  }
0xa2: {  	s8 =	simm.s32 $0x0;
	s20 =	sshll.u32 s6, $0x1;
	s6 =	sadd.s32 s21, s4  }
0xa3: {  	[timem:s8], [sflag:s22] =	dma.local [hbm:s6], s20  }
0xa4: {  	_ =	swait.ge [sflag:s22], s20  }
0xa5: {  	s5 =	ssub.s32 $0x0, s20;
	[sflag:s22] =	ssyncset.done $0x0  }
0xa6: {  	[sflag:s22] =	ssyncadd.s32 s5;
	_ =	sdelay $0x1  }
0xa7: {  	s23 =	simm.s32 $0x1B8B  }
0xa8: {  	_ =	swait.ge [sflag:s23], $0x1  }
0xa9: {  	[sflag:s23] =	ssyncset.done $0x0  }
0xaa: {  	s25 =	simm.s32 $0x1B8E;
	s24 =	sld [smem:$0x3FFE];
	[sflag:s23] =	ssyncadd.s32 $0xFFFFFFFF  }
0xab: {  	s26 =	simm.s32 $execute0_lowered;
	[smem:$0x3FD2] =	sst s25  }
0xac: {  	s6 =	sshll.u32 s26, $0x1;
	_ =	strace $0x80000046;
	[dreg:$0x1] =	wrdreg $0xFFFFFFFF  }
0xad: {  	s28 =	simm.s32 $_size_execute0_lowered;
	s4 =	sadd.s32 s4, s6;
	[dreg:$0x0] =	wrdreg $0x0  }
0xae: {  	s6 =	sshll.u32 s28, $0x1;
	[dreg:$0x2] =	wrdreg s4  }
0xaf: {  	[dreg:$0x3] =	wrdreg s6  }
0xb0: {  	[dreg:$0x4] =	wrdreg $0xC0  }
0xb1: {  	_ =	task [dreg:s8], $0x5FFFF  }
0xb2: {  	[dreg:$0x1] =	wrdreg $0xFFFFFFFF  }
0xb3: {  	[dreg:$0x0] =	wrdreg $0x60  }
0xb4: {  	[dreg:$0x2] =	wrdreg s16  }
0xb5: {  	[dreg:$0x3] =	wrdreg s24  }
0xb6: {  	[dreg:$0x4] =	wrdreg s17  }
0xb7: {  	[dreg:$0x5] =	wrdreg $0x50000  }
0xb8: {  	[dreg:$0x6] =	wrdreg $0x9  }
0xb9: {  	_ =	task.clear_ibuf [dreg:s8], $0x7FFFF;
	_ =	strace $0x90000046  }
0xba: {  	s29 =	simm.s32 $0x9;
	_ =	strace $0x80000048  }
0xbb: {  	_ =	swait.ge [sflag:s29], $0x1  }
0xbc: {  	[sflag:s29] =	ssyncadd.s32 $0xFFFFFFFF  }
0xbd: {  	_ =	strace $0x90000048  }
0xbe: {  	_ =	sfence  }
0xbf: {  	s30 =	sld [smem:$0x0];
	_ =	sdelay $0x2  }
0xc0: {  	s31 =	sshll.u32 s1, $0xD;
	s1 =	sshrl.u32 s1, $0x2  }
0xc1: {  	s3 =	sand.u32 $0x4000, s31;
	s1 =	sadd.s32 s1, s30  }
0xc2: {  	s0 =	sor.u32 s3, s0;
	s1 =	sshll.u32 s1, $0x11  }
0xc3: {  	s0 =	sor.u32 s1, s0  }
0xc4: {  	s0 =	sadd.s32 $0x8F2B, s0  }
0xc5: {  	[sflag:s0] =	ssyncadd.remote.s32 $0x1  }
0xc6: {  	_ =	sfence.sel $0xFFFF  }
0xc7: {  	[dreg:$0x0] =	wrdreg $0xFFFFFFFF;
	(pc) =	sbr.abs _section_cstart, $3  }
0xc8: {  	[dreg:$0x1] =	wrdreg $0xFFFFFFFF  }
0xc9: {  	_ =	task.clear_ibuf [dreg:s8], $0x2FFFF;
	_ =	strace $0x9FFFFFFF  }
0xca: {  	(tm) =	ssettm $0x7FFFFFFF  }
0xcb: {  	_ =	shalt  }
tec
execute0_lowered:
.L_overlay_start_1:
0x0: {  	(tag) =	ssettag $0x1  }
0x1: {  	s0 =	rddreg [dreg:$0x0]  }
0x2: {  	s2 =	rddreg [dreg:$0x1]  }
0x3: {  	s1 =	srdreg.scid;
	s14 =	stileid.u32  }
0x4: {  	s3 =	rddreg [dreg:$0x2];
	s4 =	sand.u32 $0x1, s1;
	s5 =	sshll.u32 s14, $0xA  }
0x5: {  	s6 =	sshll.u32 s4, $0xE;
	s7 =	ssub.s32 $0x2, s4;
	s4 =	sshll.u32 s4, $0xF  }
0x6: {  	s1 =	simm.s32 $0x0;
	s6 =	sor.u32 s5, s6;
	s5 =	sor.u32 s5, s4  }
0x7: {  	s23 =	sshll.u32 s14, $0xB;
	[smem:$0x7FF] =	sst s1;
	s5 =	sshrl.u32 s5, $0x3  }
0x8: {  	s22 =	sshrl.u32 s7, $0x1;
	s15 =	sadd.s32 s0, s5;
	s0 =	sor.u32 s23, s4  }
0x9: {  	s6 =	sshrl.u32 s6, $0x3;
	s9 =	ssub.s32 s7, s22;
	s11 =	sor.u32 $0x200, s0  }
0xa: {  	s2 =	sadd.s32 s6, s2;
	s4 =	sadd.s32 $0x10, s3;
	s13 =	sadd.s32 s3, s11  }
0xb: {  	s5 =	sadd.s32 $0x20, s3;
	s24 =	sadd.s32 s11, s4;
	[dreg:$0x5] =	wrdreg s13  }
0xc: {  	s6 =	sadd.s32 $0x30, s3;
	s25 =	sadd.s32 s11, s5;
	[dreg:$0x6] =	wrdreg s24  }
0xd: {  	s7 =	sadd.s32 $0x40, s3;
	s26 =	sadd.s32 s11, s6;
	[dreg:$0x7] =	wrdreg s25  }
0xe: {  	s8 =	sadd.s32 $0x50, s3;
	s16 =	sadd.s32 s11, s7;
	[dreg:$0x8] =	wrdreg s26  }
0xf: {  	s10 =	sadd.s32 $0x60, s3;
	s17 =	sadd.s32 s11, s8;
	[dreg:$0x9] =	wrdreg s16  }
0x10: {  	s12 =	sadd.s32 $0x70, s3;
	s18 =	sadd.s32 s11, s10;
	[dreg:$0xa] =	wrdreg s17  }
0x11: {  	s19 =	sor.u32 $0x400, s0;
	s11 =	sadd.s32 s11, s12;
	[dreg:$0xb] =	wrdreg s18  }
0x12: {  	s20 =	sadd.s32 s3, s19;
	[dreg:$0xc] =	wrdreg s11  }
0x13: {  	s21 =	sadd.s32 s19, s4;
	[dreg:$0xd] =	wrdreg s20  }
0x14: {  	s22 =	sadd.s32 s19, s5;
	[dreg:$0xe] =	wrdreg s21  }
0x15: {  	s23 =	sadd.s32 s19, s6;
	[dreg:$0xf] =	wrdreg s22  }
0x16: {  	s9 =	smax.u32 s9, $0x1;
	[dreg:$0x10] =	wrdreg s23;
	s24 =	sadd.s32 s19, s7  }
0x17: {  	s25 =	sadd.s32 s19, s8;
	s26 =	sadd.s32 s19, s10;
	s16 =	sadd.s32 s19, s12  }
0x18: {  	s17 =	sadd.s32 s3, s0;
	s20 =	sadd.s32 s0, s4;
	[dreg:$0x11] =	wrdreg s24  }
0x19: {  	s21 =	sadd.s32 s0, s5;
	s22 =	sadd.s32 s0, s6;
	[dreg:$0x12] =	wrdreg s25  }
0x1a: {  	s23 =	sadd.s32 s0, s7;
	s18 =	sor.u32 $0x600, s0;
	[dreg:$0x13] =	wrdreg s26  }
0x1b: {  	s19 =	sshll.u32 s14, $0xE;
	s11 =	simm.s32 $0x2;
	[dreg:$0x14] =	wrdreg s16  }
0x1c: {  	s13 =	simm.s32 $0x1000;
	s14 =	simm.s32 $0x80;
	[dreg:$0x15] =	wrdreg s17  }
0x1d: {  	s24 =	sadd.s32 s0, s8;
	s25 =	sadd.s32 s0, s10;
	s26 =	sadd.s32 s0, s12  }
0x1e: {  	s28 =	sadd.s32 s3, s18;
	s29 =	sadd.s32 s18, s4;
	s31 =	sadd.s32 s18, s5  }
0x1f: {  	s30 =	sadd.s32 s18, s6;
	s0 =	sadd.s32 s18, s7;
	s3 =	rddreg [dreg:$0x3]  }
0x20: {  	s4 =	sadd.s32 s18, s8;
	s5 =	sadd.s32 s18, s10;
	s6 =	sadd.s32 s18, s12  }
0x21: {  	s7 =	sadd.s32 $0x1200, s2;
	s10 =	sadd.s32 $0x800, s15;
	s2 =	simm.s32 $0x400  }
0x22: {  	s12 =	simm.s32 $0x800;
	s16 =	simm.s32 $0x0;
	_ =	strace $0x80000047  }
0x23: {  	v0 =	vimm.f32 $0.0e+00;
	s8 =	sadd.s32 s19, s3;
	s19 =	smov.u32 s15;
	s15 =	simm.s32 $0x1  }
.LBB2_1:
0x24: {  	[tilespmem:s1], [sflag:$0x2] =	stream.linear.gather [hbm4b:s19+s1], $0x400, $0x38;
	[tilespmem:$0x9000] =	vst v63  }
0x25: {  	_ =	swait.ge [sflag:s11], $0x400  }
0x26: {  	[sflag:s11] =	ssyncset.done $0x0  }
0x27: {  	[sflag:s11] =	ssyncadd.s32 $0xFFFFFC00  }
0x28: {  	[tilespmem:s2], [sflag:$0x2] =	stream.linear.gather [hbm4b:s10+s1], $0x400, $0x38;
	[tilespmem:$0x9000] =	vst v63  }
0x29: {  	_ =	swait.ge [sflag:s11], $0x400  }
0x2a: {  	[sflag:s11] =	ssyncset.done $0x0  }
0x2b: {  	[sflag:s11] =	ssyncadd.s32 $0xFFFFFC00  }
0x2c: {  	[tilespmem:s12], [sflag:$0x2] =	stream.linear.gather [hbm4b:s7+s1], $0x400, $0x38;
	[tilespmem:$0x9000] =	vst v63  }
0x2d: {  	_ =	swait.ge [sflag:s11], $0x400  }
0x2e: {  	[sflag:s11] =	ssyncset.done $0x0  }
0x2f: {  	s17 =	simm.s32 $0x0;
	s18 =	simm.s32 $0x200;
	[sflag:s11] =	ssyncadd.s32 $0xFFFFFC00  }
.LBB2_2:
0x30: {  	p0 =	sne.s32 s18, $0xFE00;
	[tilespmem:s17+$0x1070] =	vst v0  }
0x31: {  	[tilespmem:s17+$0x1000] =	vst v0  }
0x32: {  	[tilespmem:s17+$0x1010] =	vst v0  }
.Ltmp0:
0x33: {  	[tilespmem:s17+$0x1020] =	vst v0;
	(pc) =	sbr.rel @p0 .LBB2_2-.Ltmp0, $4  }
0x34: {  	[tilespmem:s17+$0x1030] =	vst v0  }
0x35: {  	[tilespmem:s17+$0x1040] =	vst v0  }
0x36: {  	[tilespmem:s17+$0x1050] =	vst v0  }
0x37: {  	[tilespmem:s17+$0x1060] =	vst v0;
	s17 =	sshra.s32 s18, $0x2;
	s18 =	sadd.s32 $0x200, s18  }
0x38: {  	[tilespmem:s17+$0x1070] =	vst v0  }
0x39: {  	[tilespmem:s17+$0x1000] =	vst v0  }
0x3a: {  	[tilespmem:s17+$0x1010] =	vst v0  }
0x3b: {  	[tilespmem:s17+$0x1020] =	vst v0  }
0x3c: {  	[tilespmem:s17+$0x1030] =	vst v0  }
0x3d: {  	[tilespmem:s17+$0x1040] =	vst v0  }
0x3e: {  	[tilespmem:s17+$0x1050] =	vst v0  }
0x3f: {  	[tilespmem:s17+$0x1060] =	vst v0  }
0x40: {  	[spmem:s8] =	stream.linear.scatter [tilespmem:s13], [sflag:$0x2], $0x4000, $0x38;
	[tilespmem:$0x9000] =	vst v63  }
0x41: {  	_ =	swait.ge [sflag:s11], $0x4000  }
0x42: {  	[sflag:s11] =	ssyncset.done $0x0  }
0x43: {  	[sflag:s11] =	ssyncadd.s32 $0xFFFFC000  }
0x44: {  	v2 =	vld [tilespmem:$0x0]  }
0x45: {  	v3 =	vld [tilespmem:$0x400]  }
0x46: {  	v8 =	vld [tilespmem:$0x10]  }
0x47: {  	v9 =	vld [tilespmem:$0x410]  }
0x48: {  	v12 =	vld [tilespmem:$0x20]  }
0x49: {  	v13 =	vld [tilespmem:$0x420]  }
0x4a: {  	v14 =	vld [tilespmem:$0x30]  }
0x4b: {  	v15 =	vld [tilespmem:$0x430]  }
0x4c: {  	v16 =	vld [tilespmem:$0x40]  }
0x4d: {  	v17 =	vld [tilespmem:$0x440]  }
0x4e: {  	v18 =	vld [tilespmem:$0x50]  }
0x4f: {  	v19 =	vld [tilespmem:$0x450]  }
0x50: {  	v20 =	vld [tilespmem:$0x60]  }
0x51: {  	v21 =	vld [tilespmem:$0x460]  }
0x52: {  	v22 =	vld [tilespmem:$0x70]  }
0x53: {  	v23 =	vld [tilespmem:$0x470]  }
0x54: {  	v24 =	vld [tilespmem:$0x80]  }
0x55: {  	v25 =	vld [tilespmem:$0x480]  }
0x56: {  	v26 =	vld [tilespmem:$0x90]  }
0x57: {  	v27 =	vld [tilespmem:$0x490]  }
0x58: {  	v28 =	vld [tilespmem:$0xA0]  }
0x59: {  	v29 =	vld [tilespmem:$0x4A0]  }
0x5a: {  	v30 =	vld [tilespmem:$0xB0]  }
0x5b: {  	v31 =	vld [tilespmem:$0x4B0]  }
0x5c: {  	v1 =	vld [tilespmem:$0x5E0]  }
0x5d: {  	v32 =	vld [tilespmem:$0xC0]  }
0x5e: {  	v33 =	vld [tilespmem:$0x4C0]  }
0x5f: {  	v34 =	vld [tilespmem:$0xD0]  }
0x60: {  	v35 =	vld [tilespmem:$0x4D0]  }
0x61: {  	[tilespmem:$0x1FFA0] =	vst v1;
	v1 =	vld [tilespmem:$0x5F0]  }
0x62: {  	v36 =	vld [tilespmem:$0xE0]  }
0x63: {  	v37 =	vld [tilespmem:$0x4E0]  }
0x64: {  	v38 =	vld [tilespmem:$0xF0]  }
0x65: {  	v39 =	vld [tilespmem:$0x4F0]  }
0x66: {  	[tilespmem:$0x1FFB0] =	vst v1;
	v1 =	vld [tilespmem:$0x200]  }
0x67: {  	v40 =	vld [tilespmem:$0x100]  }
0x68: {  	v41 =	vld [tilespmem:$0x500]  }
0x69: {  	v42 =	vld [tilespmem:$0x110]  }
0x6a: {  	v43 =	vld [tilespmem:$0x510]  }
0x6b: {  	[tilespmem:$0x1FFC0] =	vst v1;
	v1 =	vld [tilespmem:$0x600]  }
0x6c: {  	v44 =	vld [tilespmem:$0x120]  }
0x6d: {  	v45 =	vld [tilespmem:$0x520]  }
0x6e: {  	v46 =	vld [tilespmem:$0x130]  }
0x6f: {  	v47 =	vld [tilespmem:$0x530]  }
0x70: {  	[tilespmem:$0x1FFD0] =	vst v1;
	v1 =	vld [tilespmem:$0x210]  }
0x71: {  	v48 =	vld [tilespmem:$0x140]  }
0x72: {  	v49 =	vld [tilespmem:$0x540]  }
0x73: {  	v50 =	vld [tilespmem:$0x150]  }
0x74: {  	v51 =	vld [tilespmem:$0x550]  }
0x75: {  	[tilespmem:$0x1FFE0] =	vst v1;
	v1 =	vld [tilespmem:$0x610]  }
0x76: {  	v52 =	vld [tilespmem:$0x160]  }
0x77: {  	v53 =	vld [tilespmem:$0x560]  }
0x78: {  	v54 =	vld [tilespmem:$0x170]  }
0x79: {  	v55 =	vld [tilespmem:$0x570]  }
0x7a: {  	v56 =	vld [tilespmem:$0x180];
	[tilespmem:$0x1FFF0] =	vst v1;
	v1 =	vshll.u32 v2, $0x9  }
0x7b: {  	v57 =	vld [tilespmem:$0x580];
	v8 =	vshll.u32 v8, $0x9;
	v1 =	vadd.s32 v3, v1  }
0x7c: {  	v58 =	vld [tilespmem:$0x190];
	v12 =	vshll.u32 v12, $0x9;
	[tilespmem:$0xC00] =	vst v1;
	v1 =	vadd.s32 v9, v8  }
0x7d: {  	v59 =	vld [tilespmem:$0x590];
	[tilespmem:$0xC10] =	vst v1;
	v1 =	vadd.s32 v13, v12;
	v12 =	vshll.u32 v14, $0x9  }
0x7e: {  	v60 =	vld [tilespmem:$0x1A0];
	v16 =	vshll.u32 v16, $0x9;
	[tilespmem:$0xC20] =	vst v1;
	v1 =	vadd.s32 v15, v12  }
0x7f: {  	v61 =	vld [tilespmem:$0x5A0];
	v18 =	vshll.u32 v18, $0x9;
	[tilespmem:$0xC30] =	vst v1;
	v1 =	vadd.s32 v17, v16  }
0x80: {  	v62 =	vld [tilespmem:$0x1B0];
	v20 =	vshll.u32 v20, $0x9;
	[tilespmem:$0xC40] =	vst v1;
	v1 =	vadd.s32 v19, v18  }
0x81: {  	v63 =	vld [tilespmem:$0x5B0];
	v22 =	vshll.u32 v22, $0x9;
	[tilespmem:$0xC50] =	vst v1;
	v1 =	vadd.s32 v21, v20  }
0x82: {  	v4 =	vld [tilespmem:$0x1C0];
	v24 =	vshll.u32 v24, $0x9;
	[tilespmem:$0xC60] =	vst v1;
	v1 =	vadd.s32 v23, v22  }
0x83: {  	v6 =	vld [tilespmem:$0x5C0];
	v26 =	vshll.u32 v26, $0x9;
	[tilespmem:$0xC70] =	vst v1;
	v1 =	vadd.s32 v25, v24  }
0x84: {  	v5 =	vld [tilespmem:$0x1D0];
	v28 =	vshll.u32 v28, $0x9;
	[tilespmem:$0xC80] =	vst v1;
	v1 =	vadd.s32 v27, v26  }
0x85: {  	v10 =	vld [tilespmem:$0x5D0];
	v30 =	vshll.u32 v30, $0x9;
	[tilespmem:$0xC90] =	vst v1;
	v1 =	vadd.s32 v29, v28  }
0x86: {  	v7 =	vld [tilespmem:$0x1E0];
	v32 =	vshll.u32 v32, $0x9;
	[tilespmem:$0xCA0] =	vst v1;
	v1 =	vadd.s32 v31, v30  }
0x87: {  	v11 =	vld [tilespmem:$0x1F0];
	v34 =	vshll.u32 v34, $0x9;
	[tilespmem:$0xCB0] =	vst v1;
	v1 =	vadd.s32 v33, v32  }
0x88: {  	v36 =	vshll.u32 v36, $0x9;
	v2 =	vld [tilespmem:$0x220];
	[tilespmem:$0xCC0] =	vst v1;
	v1 =	vadd.s32 v35, v34  }
0x89: {  	v38 =	vshll.u32 v38, $0x9;
	v3 =	vld [tilespmem:$0x620];
	[tilespmem:$0xCD0] =	vst v1;
	v1 =	vadd.s32 v37, v36  }
0x8a: {  	v40 =	vshll.u32 v40, $0x9;
	v8 =	vld [tilespmem:$0x230];
	[tilespmem:$0xCE0] =	vst v1;
	v1 =	vadd.s32 v39, v38  }
0x8b: {  	v42 =	vshll.u32 v42, $0x9;
	v9 =	vld [tilespmem:$0x630];
	[tilespmem:$0xCF0] =	vst v1;
	v1 =	vadd.s32 v41, v40  }
0x8c: {  	v44 =	vshll.u32 v44, $0x9;
	v13 =	vld [tilespmem:$0x240];
	[tilespmem:$0xD00] =	vst v1;
	v1 =	vadd.s32 v43, v42  }
0x8d: {  	v14 =	vld [tilespmem:$0x640];
	[tilespmem:$0xD10] =	vst v1;
	v1 =	vadd.s32 v45, v44;
	v45 =	vshll.u32 v46, $0x9  }
0x8e: {  	v15 =	vld [tilespmem:$0x250];
	v46 =	vshll.u32 v48, $0x9;
	[tilespmem:$0xD20] =	vst v1;
	v1 =	vadd.s32 v47, v45  }
0x8f: {  	v16 =	vld [tilespmem:$0x650];
	v47 =	vshll.u32 v50, $0x9;
	[tilespmem:$0xD30] =	vst v1;
	v1 =	vadd.s32 v49, v46  }
0x90: {  	v17 =	vld [tilespmem:$0x260];
	v48 =	vshll.u32 v52, $0x9;
	[tilespmem:$0xD40] =	vst v1;
	v1 =	vadd.s32 v51, v47  }
0x91: {  	v18 =	vld [tilespmem:$0x660];
	v49 =	vshll.u32 v54, $0x9;
	[tilespmem:$0xD50] =	vst v1;
	v1 =	vadd.s32 v53, v48  }
0x92: {  	v19 =	vld [tilespmem:$0x270];
	v50 =	vshll.u32 v56, $0x9;
	[tilespmem:$0xD60] =	vst v1;
	v1 =	vadd.s32 v55, v49  }
0x93: {  	v20 =	vld [tilespmem:$0x670];
	v51 =	vshll.u32 v58, $0x9;
	[tilespmem:$0xD70] =	vst v1;
	v1 =	vadd.s32 v57, v50  }
0x94: {  	v21 =	vld [tilespmem:$0x280];
	v53 =	vshll.u32 v60, $0x9;
	[tilespmem:$0xD80] =	vst v1;
	v1 =	vadd.s32 v59, v51  }
0x95: {  	v22 =	vld [tilespmem:$0x680];
	v55 =	vshll.u32 v62, $0x9;
	[tilespmem:$0xD90] =	vst v1;
	v1 =	vadd.s32 v61, v53  }
0x96: {  	v4 =	vshll.u32 v4, $0x9;
	v23 =	vld [tilespmem:$0x290];
	[tilespmem:$0xDA0] =	vst v1;
	v1 =	vadd.s32 v63, v55  }
0x97: {  	v24 =	vld [tilespmem:$0x690];
	v58 =	vshll.u32 v5, $0x9;
	[tilespmem:$0xDB0] =	vst v1;
	v1 =	vadd.s32 v6, v4  }
0x98: {  	v25 =	vld [tilespmem:$0x2A0];
	[tilespmem:$0xDC0] =	vst v1;
	v1 =	vadd.s32 v10, v58  }
0x99: {  	[tilespmem:$0xDD0] =	vst v1;
	v1 =	vld [tilespmem:$0x1FFA0]  }
0x9a: {  	v26 =	vld [tilespmem:$0x6A0]  }
0x9b: {  	v27 =	vld [tilespmem:$0x2B0]  }
0x9c: {  	v28 =	vld [tilespmem:$0x6B0]  }
0x9d: {  	v29 =	vld [tilespmem:$0x2C0];
	v60 =	vshll.u32 v7, $0x9  }
0x9e: {  	v30 =	vld [tilespmem:$0x6C0];
	v1 =	vadd.s32 v1, v60  }
0x9f: {  	[tilespmem:$0xDE0] =	vst v1;
	v1 =	vld [tilespmem:$0x1FFB0]  }
0xa0: {  	v31 =	vld [tilespmem:$0x2D0]  }
0xa1: {  	v32 =	vld [tilespmem:$0x6D0]  }
0xa2: {  	v33 =	vld [tilespmem:$0x2E0]  }
0xa3: {  	v37 =	vld [tilespmem:$0x320];
	v62 =	vshll.u32 v11, $0x9  }
0xa4: {  	v11 =	vld [tilespmem:$0x1FFC0];
	v1 =	vadd.s32 v1, v62  }
0xa5: {  	[tilespmem:$0xDF0] =	vst v1;
	v1 =	vld [tilespmem:$0x1FFD0]  }
0xa6: {  	v38 =	vld [tilespmem:$0x1FFE0]  }
0xa7: {  	v39 =	vld [tilespmem:$0x720]  }
0xa8: {  	v40 =	vld [tilespmem:$0x330]  }
0xa9: {  	v41 =	vld [tilespmem:$0x340];
	v4 =	vshll.u32 v11, $0x9  }
0xaa: {  	v42 =	vld [tilespmem:$0x740];
	v1 =	vadd.s32 v1, v4  }
0xab: {  	[tilespmem:$0xE00] =	vst v1;
	v1 =	vld [tilespmem:$0x1FFF0]  }
0xac: {  	v43 =	vld [tilespmem:$0x350]  }
0xad: {  	v52 =	vld [tilespmem:$0x6E0]  }
0xae: {  	v44 =	vld [tilespmem:$0x750]  }
0xaf: {  	v56 =	vld [tilespmem:$0x6F0];
	v4 =	vshll.u32 v38, $0x9  }
0xb0: {  	v2 =	vshll.u32 v2, $0x9;
	v45 =	vld [tilespmem:$0x360];
	v1 =	vadd.s32 v1, v4  }
0xb1: {  	v54 =	vld [tilespmem:$0x2F0];
	[tilespmem:$0xE10] =	vst v1;
	v1 =	vadd.s32 v3, v2;
	v2 =	vshll.u32 v8, $0x9  }
0xb2: {  	v46 =	vld [tilespmem:$0x760];
	[tilespmem:$0xE20] =	vst v1;
	v1 =	vadd.s32 v9, v2;
	v2 =	vshll.u32 v13, $0x9  }
0xb3: {  	v47 =	vld [tilespmem:$0x370];
	[tilespmem:$0xE30] =	vst v1;
	v1 =	vadd.s32 v14, v2;
	v2 =	vshll.u32 v15, $0x9  }
0xb4: {  	v48 =	vld [tilespmem:$0x770];
	[tilespmem:$0xE40] =	vst v1;
	v1 =	vadd.s32 v16, v2;
	v2 =	vshll.u32 v17, $0x9  }
0xb5: {  	v49 =	vld [tilespmem:$0x380];
	[tilespmem:$0xE50] =	vst v1;
	v1 =	vadd.s32 v18, v2;
	v2 =	vshll.u32 v19, $0x9  }
0xb6: {  	v57 =	vld [tilespmem:$0x300];
	[tilespmem:$0xE60] =	vst v1;
	v1 =	vadd.s32 v20, v2;
	v2 =	vshll.u32 v21, $0x9  }
0xb7: {  	v50 =	vld [tilespmem:$0x780];
	[tilespmem:$0xE70] =	vst v1;
	v1 =	vadd.s32 v22, v2;
	v2 =	vshll.u32 v23, $0x9  }
0xb8: {  	v59 =	vld [tilespmem:$0x700];
	[tilespmem:$0xE80] =	vst v1;
	v1 =	vadd.s32 v24, v2;
	v2 =	vshll.u32 v25, $0x9  }
0xb9: {  	v51 =	vld [tilespmem:$0x390];
	[tilespmem:$0xE90] =	vst v1;
	v1 =	vadd.s32 v26, v2;
	v2 =	vshll.u32 v27, $0x9  }
0xba: {  	v61 =	vld [tilespmem:$0x310];
	[tilespmem:$0xEA0] =	vst v1;
	v1 =	vadd.s32 v28, v2;
	v2 =	vshll.u32 v29, $0x9  }
0xbb: {  	v63 =	vld [tilespmem:$0x710];
	[tilespmem:$0xEB0] =	vst v1;
	v1 =	vadd.s32 v30, v2;
	v2 =	vshll.u32 v31, $0x9  }
0xbc: {  	v53 =	vld [tilespmem:$0x3A0];
	[tilespmem:$0xEC0] =	vst v1;
	v1 =	vadd.s32 v32, v2;
	v2 =	vshll.u32 v33, $0x9  }
0xbd: {  	v3 =	vld [tilespmem:$0x730];
	[tilespmem:$0xED0] =	vst v1;
	v1 =	vadd.s32 v52, v2;
	v2 =	vshll.u32 v54, $0x9  }
0xbe: {  	v55 =	vld [tilespmem:$0x3B0];
	[tilespmem:$0xEE0] =	vst v1;
	v1 =	vadd.s32 v56, v2;
	v2 =	vshll.u32 v57, $0x9  }
0xbf: {  	v58 =	vld [tilespmem:$0x3D0];
	[tilespmem:$0xEF0] =	vst v1;
	v1 =	vadd.s32 v59, v2;
	v2 =	vshll.u32 v61, $0x9  }
0xc0: {  	v60 =	vld [tilespmem:$0x3E0];
	[tilespmem:$0xF00] =	vst v1;
	v1 =	vadd.s32 v63, v2;
	v2 =	vshll.u32 v37, $0x9  }
0xc1: {  	v62 =	vld [tilespmem:$0x3F0];
	[tilespmem:$0xF10] =	vst v1;
	v1 =	vadd.s32 v39, v2;
	v2 =	vshll.u32 v40, $0x9  }
0xc2: {  	v52 =	vld [tilespmem:$0x790];
	[tilespmem:$0xF20] =	vst v1;
	v1 =	vadd.s32 v3, v2;
	v2 =	vshll.u32 v41, $0x9  }
0xc3: {  	v54 =	vld [tilespmem:$0x7A0];
	[tilespmem:$0xF30] =	vst v1;
	v1 =	vadd.s32 v42, v2;
	v2 =	vshll.u32 v43, $0x9  }
0xc4: {  	v56 =	vld [tilespmem:$0x7B0];
	[tilespmem:$0xF40] =	vst v1;
	v1 =	vadd.s32 v44, v2;
	v2 =	vshll.u32 v45, $0x9  }
0xc5: {  	v3 =	vld [tilespmem:$0x3C0];
	[tilespmem:$0xF50] =	vst v1;
	v1 =	vadd.s32 v46, v2;
	v2 =	vshll.u32 v47, $0x9  }
0xc6: {  	v57 =	vld [tilespmem:$0x7C0];
	[tilespmem:$0xF60] =	vst v1;
	v1 =	vadd.s32 v48, v2;
	v2 =	vshll.u32 v49, $0x9  }
0xc7: {  	v59 =	vld [tilespmem:$0x7D0];
	[tilespmem:$0xF70] =	vst v1;
	v1 =	vadd.s32 v50, v2;
	v2 =	vshll.u32 v51, $0x9  }
0xc8: {  	v61 =	vld [tilespmem:$0x7E0];
	[tilespmem:$0xF80] =	vst v1;
	v1 =	vadd.s32 v52, v2;
	v2 =	vshll.u32 v53, $0x9  }
0xc9: {  	v63 =	vld [tilespmem:$0x7F0];
	[tilespmem:$0xF90] =	vst v1;
	v1 =	vadd.s32 v54, v2;
	v2 =	vshll.u32 v55, $0x9  }
0xca: {  	[tilespmem:$0xFA0] =	vst v1;
	v1 =	vadd.s32 v56, v2;
	v2 =	vshll.u32 v3, $0x9  }
0xcb: {  	[tilespmem:$0xFB0] =	vst v1;
	v1 =	vadd.s32 v57, v2;
	v2 =	vshll.u32 v58, $0x9  }
0xcc: {  	[tilespmem:$0xFC0] =	vst v1;
	v1 =	vadd.s32 v59, v2;
	v2 =	vshll.u32 v60, $0x9  }
0xcd: {  	[tilespmem:$0xFD0] =	vst v1;
	v1 =	vadd.s32 v61, v2;
	v2 =	vshll.u32 v62, $0x9  }
0xce: {  	[tilespmem:$0xFE0] =	vst v1;
	v1 =	vadd.s32 v63, v2  }
0xcf: {  	[tilespmem:$0xFF0] =	vst v1  }
0xd0: {  	s18 =	simm.s32 $0xC00;
	[bflag:$0x0] =	sbarrier.arrive $0xFFFF  }
0xd1: {  	[spmem:s3] =	stream.indirect.scatter.add.f32 [tilespmem:s12], [sflag:$0x1], $0x1, s18, s14, $0xb8;
	[tilespmem:$0x9000] =	vst v63  }
0xd2: {  	s17 =	simm.s32 $0xC80;
	s18 =	simm.s32 $0x880  }
0xd3: {  	[spmem:s3] =	stream.indirect.scatter.add.f32 [tilespmem:s18], [sflag:$0x1], $0x1, s17, s14, $0xb8;
	[tilespmem:$0x9000] =	vst v63  }
0xd4: {  	s17 =	simm.s32 $0xD00;
	s18 =	simm.s32 $0x900  }
0xd5: {  	[spmem:s3] =	stream.indirect.scatter.add.f32 [tilespmem:s18], [sflag:$0x1], $0x1, s17, s14, $0xb8;
	[tilespmem:$0x9000] =	vst v63  }
0xd6: {  	s17 =	simm.s32 $0xD80;
	s18 =	simm.s32 $0x980  }
0xd7: {  	[spmem:s3] =	stream.indirect.scatter.add.f32 [tilespmem:s18], [sflag:$0x1], $0x1, s17, s14, $0xb8;
	[tilespmem:$0x9000] =	vst v63  }
0xd8: {  	s17 =	simm.s32 $0xE00;
	s18 =	simm.s32 $0xA00  }
0xd9: {  	[spmem:s3] =	stream.indirect.scatter.add.f32 [tilespmem:s18], [sflag:$0x1], $0x1, s17, s14, $0xb8;
	[tilespmem:$0x9000] =	vst v63  }
0xda: {  	s17 =	simm.s32 $0xE80;
	s18 =	simm.s32 $0xA80  }
0xdb: {  	[spmem:s3] =	stream.indirect.scatter.add.f32 [tilespmem:s18], [sflag:$0x1], $0x1, s17, s14, $0xb8;
	[tilespmem:$0x9000] =	vst v63  }
0xdc: {  	s17 =	simm.s32 $0xF00;
	s18 =	simm.s32 $0xB00  }
0xdd: {  	[spmem:s3] =	stream.indirect.scatter.add.f32 [tilespmem:s18], [sflag:$0x1], $0x1, s17, s14, $0xb8;
	[tilespmem:$0x9000] =	vst v63  }
0xde: {  	s17 =	simm.s32 $0xF80;
	s18 =	simm.s32 $0xB80  }
0xdf: {  	[spmem:s3] =	stream.indirect.scatter.add.f32 [tilespmem:s18], [sflag:$0x1], $0x1, s17, s14, $0xb8;
	[tilespmem:$0x9000] =	vst v63  }
0xe0: {  	_ =	swait.ge [sflag:s15], $0x80  }
0xe1: {  	[sflag:s15] =	ssyncset.done $0x0  }
0xe2: {  	[sflag:s15] =	ssyncadd.s32 $0xFFFFFF80  }
0xe3: {  	_ =	swait.ge [sflag:s15], $0x80  }
0xe4: {  	[sflag:s15] =	ssyncset.done $0x0  }
0xe5: {  	[sflag:s15] =	ssyncadd.s32 $0xFFFFFF80  }
0xe6: {  	_ =	swait.ge [sflag:s15], $0x80  }
0xe7: {  	[sflag:s15] =	ssyncset.done $0x0  }
0xe8: {  	[sflag:s15] =	ssyncadd.s32 $0xFFFFFF80  }
0xe9: {  	_ =	swait.ge [sflag:s15], $0x80  }
0xea: {  	[sflag:s15] =	ssyncset.done $0x0  }
0xeb: {  	[sflag:s15] =	ssyncadd.s32 $0xFFFFFF80  }
0xec: {  	_ =	swait.ge [sflag:s15], $0x80  }
0xed: {  	[sflag:s15] =	ssyncset.done $0x0  }
0xee: {  	[sflag:s15] =	ssyncadd.s32 $0xFFFFFF80  }
0xef: {  	_ =	swait.ge [sflag:s15], $0x80  }
0xf0: {  	[sflag:s15] =	ssyncset.done $0x0  }
0xf1: {  	[sflag:s15] =	ssyncadd.s32 $0xFFFFFF80  }
0xf2: {  	_ =	swait.ge [sflag:s15], $0x80  }
0xf3: {  	[sflag:s15] =	ssyncset.done $0x0  }
0xf4: {  	[sflag:s15] =	ssyncadd.s32 $0xFFFFFF80  }
0xf5: {  	_ =	swait.ge [sflag:s15], $0x80  }
0xf6: {  	[sflag:s15] =	ssyncset.done $0x0  }
0xf7: {  	[sflag:s15] =	ssyncadd.s32 $0xFFFFFF80  }
0xf8: {  	[bflag:$0x0] =	sbarrier.arrive $0xFFFF  }
0xf9: {  	[tilespmem:s13], [sflag:$0x2] =	stream.linear.gather [spmem:s8], $0x4000, $0x38;
	[tilespmem:$0x9000] =	vst v63  }
0xfa: {  	_ =	swait.ge [sflag:s11], $0x4000  }
0xfb: {  	[sflag:s11] =	ssyncset.done $0x0  }
0xfc: {  	s18 =	rddreg [dreg:$0x15];
	[sflag:s11] =	ssyncadd.s32 $0xFFFFC000  }
0xfd: {  	[hbm4b:s18+s14] =	stream.strided.scatter [tilespmem:s13], [sflag:$0x1], $0x200, s2, s14, $0x38;
	[tilespmem:$0x9000] =	vst v63  }
0xfe: {  	s18 =	simm.s32 $0x1200  }
0xff: {  	[hbm4b:s20+s14] =	stream.strided.scatter [tilespmem:s18], [sflag:$0x1], $0x200, s2, s14, $0x38;
	[tilespmem:$0x9000] =	vst v63  }
0x100: {  	s18 =	simm.s32 $0x1400  }
0x101: {  	[hbm4b:s21+s14] =	stream.strided.scatter [tilespmem:s18], [sflag:$0x1], $0x200, s2, s14, $0x38;
	[tilespmem:$0x9000] =	vst v63  }
0x102: {  	s18 =	simm.s32 $0x1600  }
0x103: {  	[hbm4b:s22+s14] =	stream.strided.scatter [tilespmem:s18], [sflag:$0x1], $0x200, s2, s14, $0x38;
	[tilespmem:$0x9000] =	vst v63  }
0x104: {  	s18 =	simm.s32 $0x1800  }
0x105: {  	[hbm4b:s23+s14] =	stream.strided.scatter [tilespmem:s18], [sflag:$0x1], $0x200, s2, s14, $0x38;
	[tilespmem:$0x9000] =	vst v63  }
0x106: {  	s18 =	simm.s32 $0x1A00  }
0x107: {  	[hbm4b:s24+s14] =	stream.strided.scatter [tilespmem:s18], [sflag:$0x1], $0x200, s2, s14, $0x38;
	[tilespmem:$0x9000] =	vst v63  }
0x108: {  	s18 =	simm.s32 $0x1C00  }
0x109: {  	[hbm4b:s25+s14] =	stream.strided.scatter [tilespmem:s18], [sflag:$0x1], $0x200, s2, s14, $0x38;
	[tilespmem:$0x9000] =	vst v63  }
0x10a: {  	s18 =	simm.s32 $0x1E00  }
0x10b: {  	[hbm4b:s26+s14] =	stream.strided.scatter [tilespmem:s18], [sflag:$0x1], $0x200, s2, s14, $0x38;
	[tilespmem:$0x9000] =	vst v63  }
0x10c: {  	s17 =	rddreg [dreg:$0x5];
	s18 =	simm.s32 $0x2000  }
0x10d: {  	[hbm4b:s17+s14] =	stream.strided.scatter [tilespmem:s18], [sflag:$0x1], $0x200, s2, s14, $0x38;
	[tilespmem:$0x9000] =	vst v63  }
0x10e: {  	s17 =	rddreg [dreg:$0x6];
	s18 =	simm.s32 $0x2200  }
0x10f: {  	[hbm4b:s17+s14] =	stream.strided.scatter [tilespmem:s18], [sflag:$0x1], $0x200, s2, s14, $0x38;
	[tilespmem:$0x9000] =	vst v63  }
0x110: {  	s17 =	rddreg [dreg:$0x7];
	s18 =	simm.s32 $0x2400  }
0x111: {  	[hbm4b:s17+s14] =	stream.strided.scatter [tilespmem:s18], [sflag:$0x1], $0x200, s2, s14, $0x38;
	[tilespmem:$0x9000] =	vst v63  }
0x112: {  	s17 =	rddreg [dreg:$0x8];
	s18 =	simm.s32 $0x2600  }
0x113: {  	[hbm4b:s17+s14] =	stream.strided.scatter [tilespmem:s18], [sflag:$0x1], $0x200, s2, s14, $0x38;
	[tilespmem:$0x9000] =	vst v63  }
0x114: {  	s17 =	rddreg [dreg:$0x9];
	s18 =	simm.s32 $0x2800  }
0x115: {  	[hbm4b:s17+s14] =	stream.strided.scatter [tilespmem:s18], [sflag:$0x1], $0x200, s2, s14, $0x38;
	[tilespmem:$0x9000] =	vst v63  }
0x116: {  	s17 =	rddreg [dreg:$0xa];
	s18 =	simm.s32 $0x2A00  }
0x117: {  	[hbm4b:s17+s14] =	stream.strided.scatter [tilespmem:s18], [sflag:$0x1], $0x200, s2, s14, $0x38;
	[tilespmem:$0x9000] =	vst v63  }
0x118: {  	s17 =	rddreg [dreg:$0xb];
	s18 =	simm.s32 $0x2C00  }
0x119: {  	[hbm4b:s17+s14] =	stream.strided.scatter [tilespmem:s18], [sflag:$0x1], $0x200, s2, s14, $0x38;
	[tilespmem:$0x9000] =	vst v63  }
0x11a: {  	s17 =	rddreg [dreg:$0xc];
	s18 =	simm.s32 $0x2E00  }
0x11b: {  	[hbm4b:s17+s14] =	stream.strided.scatter [tilespmem:s18], [sflag:$0x1], $0x200, s2, s14, $0x38;
	[tilespmem:$0x9000] =	vst v63  }
0x11c: {  	s17 =	rddreg [dreg:$0xd];
	s18 =	simm.s32 $0x3000  }
0x11d: {  	[hbm4b:s17+s14] =	stream.strided.scatter [tilespmem:s18], [sflag:$0x1], $0x200, s2, s14, $0x38;
	[tilespmem:$0x9000] =	vst v63  }
0x11e: {  	s17 =	rddreg [dreg:$0xe];
	s18 =	simm.s32 $0x3200  }
0x11f: {  	[hbm4b:s17+s14] =	stream.strided.scatter [tilespmem:s18], [sflag:$0x1], $0x200, s2, s14, $0x38;
	[tilespmem:$0x9000] =	vst v63  }
0x120: {  	s17 =	rddreg [dreg:$0xf];
	s18 =	simm.s32 $0x3400  }
0x121: {  	[hbm4b:s17+s14] =	stream.strided.scatter [tilespmem:s18], [sflag:$0x1], $0x200, s2, s14, $0x38;
	[tilespmem:$0x9000] =	vst v63  }
0x122: {  	s17 =	rddreg [dreg:$0x10];
	s18 =	simm.s32 $0x3600  }
0x123: {  	[hbm4b:s17+s14] =	stream.strided.scatter [tilespmem:s18], [sflag:$0x1], $0x200, s2, s14, $0x38;
	[tilespmem:$0x9000] =	vst v63  }
0x124: {  	s17 =	rddreg [dreg:$0x11];
	s18 =	simm.s32 $0x3800  }
0x125: {  	[hbm4b:s17+s14] =	stream.strided.scatter [tilespmem:s18], [sflag:$0x1], $0x200, s2, s14, $0x38;
	[tilespmem:$0x9000] =	vst v63  }
0x126: {  	s17 =	rddreg [dreg:$0x12];
	s18 =	simm.s32 $0x3A00  }
0x127: {  	[hbm4b:s17+s14] =	stream.strided.scatter [tilespmem:s18], [sflag:$0x1], $0x200, s2, s14, $0x38;
	[tilespmem:$0x9000] =	vst v63  }
0x128: {  	s17 =	rddreg [dreg:$0x13];
	s18 =	simm.s32 $0x3C00  }
0x129: {  	[hbm4b:s17+s14] =	stream.strided.scatter [tilespmem:s18], [sflag:$0x1], $0x200, s2, s14, $0x38;
	[tilespmem:$0x9000] =	vst v63  }
0x12a: {  	s17 =	rddreg [dreg:$0x14];
	s18 =	simm.s32 $0x3E00  }
0x12b: {  	[hbm4b:s17+s14] =	stream.strided.scatter [tilespmem:s18], [sflag:$0x1], $0x200, s2, s14, $0x38;
	[tilespmem:$0x9000] =	vst v63  }
0x12c: {  	s18 =	simm.s32 $0x4000  }
0x12d: {  	[hbm4b:s28+s14] =	stream.strided.scatter [tilespmem:s18], [sflag:$0x1], $0x200, s2, s14, $0x38;
	[tilespmem:$0x9000] =	vst v63  }
0x12e: {  	s18 =	simm.s32 $0x4200  }
0x12f: {  	[hbm4b:s29+s14] =	stream.strided.scatter [tilespmem:s18], [sflag:$0x1], $0x200, s2, s14, $0x38;
	[tilespmem:$0x9000] =	vst v63  }
0x130: {  	s18 =	simm.s32 $0x4400  }
0x131: {  	[hbm4b:s31+s14] =	stream.strided.scatter [tilespmem:s18], [sflag:$0x1], $0x200, s2, s14, $0x38;
	[tilespmem:$0x9000] =	vst v63  }
0x132: {  	s18 =	simm.s32 $0x4600  }
0x133: {  	[hbm4b:s30+s14] =	stream.strided.scatter [tilespmem:s18], [sflag:$0x1], $0x200, s2, s14, $0x38;
	[tilespmem:$0x9000] =	vst v63  }
0x134: {  	s18 =	simm.s32 $0x4800  }
0x135: {  	[hbm4b:s0+s14] =	stream.strided.scatter [tilespmem:s18], [sflag:$0x1], $0x200, s2, s14, $0x38;
	[tilespmem:$0x9000] =	vst v63  }
0x136: {  	s18 =	simm.s32 $0x4A00  }
0x137: {  	[hbm4b:s4+s14] =	stream.strided.scatter [tilespmem:s18], [sflag:$0x1], $0x200, s2, s14, $0x38;
	[tilespmem:$0x9000] =	vst v63  }
0x138: {  	s18 =	simm.s32 $0x4C00  }
0x139: {  	[hbm4b:s5+s14] =	stream.strided.scatter [tilespmem:s18], [sflag:$0x1], $0x200, s2, s14, $0x38;
	[tilespmem:$0x9000] =	vst v63  }
0x13a: {  	s18 =	simm.s32 $0x4E00  }
0x13b: {  	[hbm4b:s6+s14] =	stream.strided.scatter [tilespmem:s18], [sflag:$0x1], $0x200, s2, s14, $0x38;
	[tilespmem:$0x9000] =	vst v63  }
0x13c: {  	_ =	swait.ge [sflag:s15], $0x200  }
0x13d: {  	[sflag:s15] =	ssyncset.done $0x0  }
0x13e: {  	[sflag:s15] =	ssyncadd.s32 $0xFFFFFE00  }
0x13f: {  	_ =	swait.ge [sflag:s15], $0x200  }
0x140: {  	[sflag:s15] =	ssyncset.done $0x0  }
0x141: {  	[sflag:s15] =	ssyncadd.s32 $0xFFFFFE00  }
0x142: {  	_ =	swait.ge [sflag:s15], $0x200  }
0x143: {  	[sflag:s15] =	ssyncset.done $0x0  }
0x144: {  	[sflag:s15] =	ssyncadd.s32 $0xFFFFFE00  }
0x145: {  	_ =	swait.ge [sflag:s15], $0x200  }
0x146: {  	[sflag:s15] =	ssyncset.done $0x0  }
0x147: {  	[sflag:s15] =	ssyncadd.s32 $0xFFFFFE00  }
0x148: {  	_ =	swait.ge [sflag:s15], $0x200  }
0x149: {  	[sflag:s15] =	ssyncset.done $0x0  }
0x14a: {  	[sflag:s15] =	ssyncadd.s32 $0xFFFFFE00  }
0x14b: {  	_ =	swait.ge [sflag:s15], $0x200  }
0x14c: {  	[sflag:s15] =	ssyncset.done $0x0  }
0x14d: {  	[sflag:s15] =	ssyncadd.s32 $0xFFFFFE00  }
0x14e: {  	_ =	swait.ge [sflag:s15], $0x200  }
0x14f: {  	[sflag:s15] =	ssyncset.done $0x0  }
0x150: {  	[sflag:s15] =	ssyncadd.s32 $0xFFFFFE00  }
0x151: {  	_ =	swait.ge [sflag:s15], $0x200  }
0x152: {  	[sflag:s15] =	ssyncset.done $0x0  }
0x153: {  	[sflag:s15] =	ssyncadd.s32 $0xFFFFFE00  }
0x154: {  	_ =	swait.ge [sflag:s15], $0x200  }
0x155: {  	[sflag:s15] =	ssyncset.done $0x0  }
0x156: {  	[sflag:s15] =	ssyncadd.s32 $0xFFFFFE00  }
0x157: {  	_ =	swait.ge [sflag:s15], $0x200  }
0x158: {  	[sflag:s15] =	ssyncset.done $0x0  }
0x159: {  	[sflag:s15] =	ssyncadd.s32 $0xFFFFFE00  }
0x15a: {  	_ =	swait.ge [sflag:s15], $0x200  }
0x15b: {  	[sflag:s15] =	ssyncset.done $0x0  }
0x15c: {  	[sflag:s15] =	ssyncadd.s32 $0xFFFFFE00  }
0x15d: {  	_ =	swait.ge [sflag:s15], $0x200  }
0x15e: {  	[sflag:s15] =	ssyncset.done $0x0  }
0x15f: {  	[sflag:s15] =	ssyncadd.s32 $0xFFFFFE00  }
0x160: {  	_ =	swait.ge [sflag:s15], $0x200  }
0x161: {  	[sflag:s15] =	ssyncset.done $0x0  }
0x162: {  	[sflag:s15] =	ssyncadd.s32 $0xFFFFFE00  }
0x163: {  	_ =	swait.ge [sflag:s15], $0x200  }
0x164: {  	[sflag:s15] =	ssyncset.done $0x0  }
0x165: {  	[sflag:s15] =	ssyncadd.s32 $0xFFFFFE00  }
0x166: {  	_ =	swait.ge [sflag:s15], $0x200  }
0x167: {  	[sflag:s15] =	ssyncset.done $0x0  }
0x168: {  	[sflag:s15] =	ssyncadd.s32 $0xFFFFFE00  }
0x169: {  	_ =	swait.ge [sflag:s15], $0x200  }
0x16a: {  	[sflag:s15] =	ssyncset.done $0x0  }
0x16b: {  	[sflag:s15] =	ssyncadd.s32 $0xFFFFFE00  }
0x16c: {  	_ =	swait.ge [sflag:s15], $0x200  }
0x16d: {  	[sflag:s15] =	ssyncset.done $0x0  }
0x16e: {  	[sflag:s15] =	ssyncadd.s32 $0xFFFFFE00  }
0x16f: {  	_ =	swait.ge [sflag:s15], $0x200  }
0x170: {  	[sflag:s15] =	ssyncset.done $0x0  }
0x171: {  	[sflag:s15] =	ssyncadd.s32 $0xFFFFFE00  }
0x172: {  	_ =	swait.ge [sflag:s15], $0x200  }
0x173: {  	[sflag:s15] =	ssyncset.done $0x0  }
0x174: {  	[sflag:s15] =	ssyncadd.s32 $0xFFFFFE00  }
0x175: {  	_ =	swait.ge [sflag:s15], $0x200  }
0x176: {  	[sflag:s15] =	ssyncset.done $0x0  }
0x177: {  	[sflag:s15] =	ssyncadd.s32 $0xFFFFFE00  }
0x178: {  	_ =	swait.ge [sflag:s15], $0x200  }
0x179: {  	[sflag:s15] =	ssyncset.done $0x0  }
0x17a: {  	[sflag:s15] =	ssyncadd.s32 $0xFFFFFE00  }
0x17b: {  	_ =	swait.ge [sflag:s15], $0x200  }
0x17c: {  	[sflag:s15] =	ssyncset.done $0x0  }
0x17d: {  	[sflag:s15] =	ssyncadd.s32 $0xFFFFFE00  }
0x17e: {  	_ =	swait.ge [sflag:s15], $0x200  }
0x17f: {  	[sflag:s15] =	ssyncset.done $0x0  }
0x180: {  	[sflag:s15] =	ssyncadd.s32 $0xFFFFFE00  }
0x181: {  	_ =	swait.ge [sflag:s15], $0x200  }
0x182: {  	[sflag:s15] =	ssyncset.done $0x0  }
0x183: {  	[sflag:s15] =	ssyncadd.s32 $0xFFFFFE00  }
0x184: {  	_ =	swait.ge [sflag:s15], $0x200  }
0x185: {  	[sflag:s15] =	ssyncset.done $0x0  }
0x186: {  	[sflag:s15] =	ssyncadd.s32 $0xFFFFFE00  }
0x187: {  	_ =	swait.ge [sflag:s15], $0x200  }
0x188: {  	[sflag:s15] =	ssyncset.done $0x0  }
0x189: {  	[sflag:s15] =	ssyncadd.s32 $0xFFFFFE00  }
0x18a: {  	_ =	swait.ge [sflag:s15], $0x200  }
0x18b: {  	[sflag:s15] =	ssyncset.done $0x0  }
0x18c: {  	[sflag:s15] =	ssyncadd.s32 $0xFFFFFE00  }
0x18d: {  	_ =	swait.ge [sflag:s15], $0x200  }
0x18e: {  	[sflag:s15] =	ssyncset.done $0x0  }
0x18f: {  	[sflag:s15] =	ssyncadd.s32 $0xFFFFFE00  }
0x190: {  	_ =	swait.ge [sflag:s15], $0x200  }
0x191: {  	[sflag:s15] =	ssyncset.done $0x0  }
0x192: {  	[sflag:s15] =	ssyncadd.s32 $0xFFFFFE00  }
0x193: {  	_ =	swait.ge [sflag:s15], $0x200  }
0x194: {  	[sflag:s15] =	ssyncset.done $0x0  }
0x195: {  	s16 =	sadd.s32 $0x1, s16;
	[sflag:s15] =	ssyncadd.s32 $0xFFFFFE00  }
0x196: {  	p0 =	sne.s32 s16, s9;
	_ =	swait.ge [sflag:s15], $0x200  }
.Ltmp1:
0x197: {  	[sflag:s15] =	ssyncset.done $0x0;
	(pc) =	sbr.rel @p0 .LBB2_1-.Ltmp1, $4  }
0x198: {  	[sflag:s15] =	ssyncadd.s32 $0xFFFFFE00  }
0x199: {  	_ =	swait.ge [sflag:s15], $0x200  }
0x19a: {  	[sflag:s15] =	ssyncset.done $0x0  }
0x19b: {  	[sflag:s15] =	ssyncadd.s32 $0xFFFFFE00  }
0x19c: {  	_ =	sfence.sel $0x180000  }
0x19d: {  	[bflag:$0x0] =	sbarrier.arrive $0xFFFF  }
0x19e: {  	_ =	strace $0x90000047  }
0x19f: {  	s0 =	stileid.u32;
	[bflag:$0x2] =	sbarrier.arrive $0xFFFF  }
0x1a0: {  	p0 =	sne.s32 s0, $0x0;
	s0 =	rddreg [dreg:$0x4]  }
0x1a1: {  	s0 =	sadd.s32 @!p0 $0x100000, s0  }
0x1a2: {  	[sflag:s0] =	ssyncadd.tile.s32 @!p0 $0x1;
	_ =	shalt  }
.Lfunc_end2:
_tile_overlayer_lowered:
.L_overlay_start_2:
0x1a3: {  	(tag) =	ssettag $0x2  }
0x1a4: {  	s0 =	rddreg [dreg:$0x0];
	s2 =	stileid.u32  }
0x1a5: {  	s1 =	rddreg [dreg:$0x1];
	p0 =	sne.s32 s2, $0x0  }
0x1a6: {  	s3 =	rddreg [dreg:$0x2];
	[bflag:$0x3] =	sbarrier.arrive $0xFFFF;
	s2 =	simm.s32 @!p0 $0x1C02  }
0x1a7: {  	[timem:s3], [sflag:s2] =	dma.local @!p0 [hbm:s0], s1  }
0x1a8: {  	s0 =	simm.s32 @!p0 $0x2  }
0x1a9: {  	_ =	swait.ge @!p0 [sflag:s0], s1  }
0x1aa: {  	s1 =	ssub.s32 @!p0 $0x0, s1;
	[sflag:s0] =	ssyncset.done @!p0 $0x0  }
0x1ab: {  	[sflag:s0] =	ssyncadd.s32 @!p0 s1  }
0x1ac: {  	[bflag:$0x3] =	sbarrier.arrive $0xFFFF  }
0x1ad: {  	_ =	shalt  }

</sc_bundles>
